<compile_context>
chip_gen: v7x
topology: tpu7x:2x2x1
jax: 0.10.2.dev20260603
libtpu: 0.0.44.dev20260713+nightly
codegen_flags: <defaults>
</compile_context>

<pallas_src>
import functools

import jax
import jax.numpy as jnp
from jax import lax
from jax.experimental import pallas as pl
from jax.experimental.pallas import tpu as pltpu
from jax.experimental.pallas import tpu_sc as plsc

_ROWS = 16384
_COLS = 4096
_NMASK = 64
_NW = 32
_RPW = _ROWS // _NW
_C = 2
_G = _RPW // _C
_NBUF = 8


def _sc_body(x_hbm, mask_hbm, out_hbm, mask_v, *rest):
    bufs = rest[:_NBUF]
    rsems = rest[_NBUF : 2 * _NBUF]
    wsems = rest[2 * _NBUF :]
    nc = lax.axis_size("c")
    wid = lax.axis_index("s") * nc + lax.axis_index("c")
    base = wid * _RPW
    pltpu.sync_copy(mask_hbm, mask_v)
    zeros16 = jnp.zeros((16,), jnp.float32)

    def start_read(g, b):
        pltpu.make_async_copy(
            x_hbm.at[pl.ds(base + g * _C, _C)], bufs[b], rsems[b]
        ).start()

    def wait_read(g, b):
        pltpu.make_async_copy(
            x_hbm.at[pl.ds(base + g * _C, _C)], bufs[b], rsems[b]
        ).wait()

    def start_write(g, b):
        pltpu.make_async_copy(
            bufs[b], out_hbm.at[pl.ds(base + g * _C, _C)], wsems[b]
        ).start()

    def wait_write(g, b):
        pltpu.make_async_copy(
            bufs[b], out_hbm.at[pl.ds(base + g * _C, _C)], wsems[b]
        ).wait()

    def zero_cols(b):
        for r in range(_C):
            rvec = jnp.full((16,), r, jnp.int32)
            for k in range(_NMASK // 16):
                idxs = mask_v[pl.ds(k * 16, 16)]
                plsc.store_scatter(bufs[b], [rvec, idxs], zeros16)

    def step(g, b, wait_prev_write, read_ahead):
        wait_read(g, b)
        zero_cols(b)
        start_write(g, b)
        if wait_prev_write:
            wait_write(g - 1, (b - 1) % _NBUF)
        if read_ahead:
            start_read(g + _NBUF - 1, (b - 1) % _NBUF)

    for g in range(_NBUF - 1):
        start_read(g, g)
    step(0, 0, wait_prev_write=False, read_ahead=True)
    for b in range(1, _NBUF):
        step(b, b, wait_prev_write=True, read_ahead=True)

    def block(gg, carry):
        for b in range(_NBUF):
            g = gg * _NBUF + b
            step(g, b, wait_prev_write=True, read_ahead=True)
        return carry

    lax.fori_loop(1, _G // _NBUF - 1, block, 0)

    for b in range(_NBUF):
        g = _G - _NBUF + b
        step(g, b, wait_prev_write=True, read_ahead=(g + _NBUF - 1 < _G))
    wait_write(_G - 1, (_G - 1) % _NBUF)


@functools.cache
def _make_sc_kernel():
    return pl.kernel(
        _sc_body,
        out_type=jax.ShapeDtypeStruct((_ROWS, _COLS), jnp.float32),
        mesh=plsc.VectorSubcoreMesh(core_axis_name="c", subcore_axis_name="s"),
        scratch_types=(
            [pltpu.VMEM((_NMASK,), jnp.int32)]
            + [pltpu.VMEM((_C, _COLS), jnp.float32) for _ in range(_NBUF)]
            + [pltpu.SemaphoreType.DMA for _ in range(2 * _NBUF)]
        ),
        compiler_params=pltpu.CompilerParams(needs_layout_passes=False),
    )


def kernel(x, mask):
    return _make_sc_kernel()(x, mask)

# --- scband reference (transcript-rebuilt; emitter-appended) ---
"""Pipeline reference for scband-zero-mask-49014166782275 (READ-ONLY COPY).

The authoritative reference and input builder live on the scoring server;
editing this copy changes nothing except your own understanding.
"""

import jax, jax.numpy as jnp
import numpy as np

MASK_IDX = np.arange(0, 4096, 64, dtype=np.int32)

def setup_inputs(seed: int = 0) -> dict:
    key = jax.random.key(seed)
    x = jax.random.normal(key, (16384, 4096), dtype=jnp.float32)
    mask = jnp.asarray(MASK_IDX, dtype=jnp.int32)
    return {"x": x, "mask": mask}

def reference(x, mask):
    # Faithful translation of: x[:, self.mask] = 0; return x
    # scatter-overwrite along the feature axis
    out = x.at[:, mask].set(0.0)
    return out

if __name__ == "__main__":
    import jax
    _d = setup_inputs()
    print(jax.jit(kernel)(*tuple(_d.values())))

</pallas_src>

<mosaic_0001>
#map = affine_map<(d0, d1) -> (0, 0)>
#map1 = affine_map<(d0, d1) -> (0)>
module attributes {stable_mosaic.version = 14 : i64} {
  func.func @_sc_body(%arg0: i32, %arg1: i32, %arg2: memref<16384x4096xf32, #tpu.memory_space<hbm>>, %arg3: memref<64xi32, #tpu.memory_space<hbm>>, %arg4: memref<16384x4096xf32, #tpu.memory_space<hbm>>, %arg5: memref<64xi32, #tpu.memory_space<vmem>>, %arg6: memref<2x4096xf32, #tpu.memory_space<vmem>>, %arg7: memref<2x4096xf32, #tpu.memory_space<vmem>>, %arg8: memref<2x4096xf32, #tpu.memory_space<vmem>>, %arg9: memref<2x4096xf32, #tpu.memory_space<vmem>>, %arg10: memref<2x4096xf32, #tpu.memory_space<vmem>>, %arg11: memref<2x4096xf32, #tpu.memory_space<vmem>>, %arg12: memref<2x4096xf32, #tpu.memory_space<vmem>>, %arg13: memref<2x4096xf32, #tpu.memory_space<vmem>>, %arg14: memref<!tpu.dma_semaphore, #tpu.memory_space<semaphore_mem>>, %arg15: memref<!tpu.dma_semaphore, #tpu.memory_space<semaphore_mem>>, %arg16: memref<!tpu.dma_semaphore, #tpu.memory_space<semaphore_mem>>, %arg17: memref<!tpu.dma_semaphore, #tpu.memory_space<semaphore_mem>>, %arg18: memref<!tpu.dma_semaphore, #tpu.memory_space<semaphore_mem>>, %arg19: memref<!tpu.dma_semaphore, #tpu.memory_space<semaphore_mem>>, %arg20: memref<!tpu.dma_semaphore, #tpu.memory_space<semaphore_mem>>, %arg21: memref<!tpu.dma_semaphore, #tpu.memory_space<semaphore_mem>>, %arg22: memref<!tpu.dma_semaphore, #tpu.memory_space<semaphore_mem>>, %arg23: memref<!tpu.dma_semaphore, #tpu.memory_space<semaphore_mem>>, %arg24: memref<!tpu.dma_semaphore, #tpu.memory_space<semaphore_mem>>, %arg25: memref<!tpu.dma_semaphore, #tpu.memory_space<semaphore_mem>>, %arg26: memref<!tpu.dma_semaphore, #tpu.memory_space<semaphore_mem>>, %arg27: memref<!tpu.dma_semaphore, #tpu.memory_space<semaphore_mem>>, %arg28: memref<!tpu.dma_semaphore, #tpu.memory_space<semaphore_mem>>, %arg29: memref<!tpu.dma_semaphore, #tpu.memory_space<semaphore_mem>>) attributes {dimension_semantics = [#tpu.dimension_semantics<core_parallel>, #tpu.dimension_semantics<subcore_parallel>], iteration_bounds = array<i64: 2, 16>, scalar_prefetch = 0 : i64, scratch_operands = 25 : i64, tpu.core_type = #tpu.core_type<sc_vector_subcore>, window_params = [{transform_indices = #map}, {transform_indices = #map1}, {transform_indices = #map}]} {
    %mul3A = arith.constant 2 : i32
    %mul3A_0 = arith.muli %arg1, %mul3A : i32
    %add3A = arith.addi %mul3A_0, %arg0 : i32
    %mul3A_1 = arith.constant 512 : i32
    %mul3A_2 = arith.muli %add3A, %mul3A_1 : i32
    "tpu.region"() ({
      %run_scoped3A = tpu.sem_alloc : memref<!tpu.dma_semaphore, #tpu.memory_space<semaphore_mem>>
      tpu.enqueue_dma source(%arg3 : memref<64xi32, #tpu.memory_space<hbm>>) target(%arg5 : memref<64xi32, #tpu.memory_space<vmem>>) target_semaphore(%run_scoped3A : memref<!tpu.dma_semaphore, #tpu.memory_space<semaphore_mem>>)
      tpu.wait_dma2 semaphore(%run_scoped3A : memref<!tpu.dma_semaphore, #tpu.memory_space<semaphore_mem>>) src(%arg3 : memref<64xi32, #tpu.memory_space<hbm>>) dst(%arg5 : memref<64xi32, #tpu.memory_space<vmem>>)
      tpu.yield
    }) : () -> ()
    %broadcast_in_dim3A = arith.constant 0.000000e+00 : f32
    %broadcast_in_dim3A_3 = vector.broadcast %broadcast_in_dim3A : f32 to vector<16xf32>
    %add3A_4 = arith.constant 0 : i32
    %add3A_5 = arith.addi %mul3A_2, %add3A_4 : i32
    %dma_start3A = arith.constant 0 : i32
    %dma_start3A_6 = tpu.memref_slice %arg2[%add3A_5, %dma_start3A] : memref<16384x4096xf32, #tpu.memory_space<hbm>> -> memref<2x4096xf32, #tpu.memory_space<hbm>>
    %dma_start3A_7 = arith.constant 0 : i32
    %dma_start3A_8 = tpu.memref_slice %arg2[%add3A_5, %dma_start3A_7] : memref<16384x4096xf32, #tpu.memory_space<hbm>> -> memref<2x4096xf32, #tpu.memory_space<hbm>>
    tpu.enqueue_dma source(%dma_start3A_8 : memref<2x4096xf32, #tpu.memory_space<hbm>>) target(%arg6 : memref<2x4096xf32, #tpu.memory_space<vmem>>) target_semaphore(%arg14 : memref<!tpu.dma_semaphore, #tpu.memory_space<semaphore_mem>>)
    %add3A_9 = arith.constant 2 : i32
    %add3A_10 = arith.addi %mul3A_2, %add3A_9 : i32
    %dma_start3A_11 = arith.constant 0 : i32
    %dma_start3A_12 = tpu.memref_slice %arg2[%add3A_10, %dma_start3A_11] : memref<16384x4096xf32, #tpu.memory_space<hbm>> -> memref<2x4096xf32, #tpu.memory_space<hbm>>
    %dma_start3A_13 = arith.constant 0 : i32
    %dma_start3A_14 = tpu.memref_slice %arg2[%add3A_10, %dma_start3A_13] : memref<16384x4096xf32, #tpu.memory_space<hbm>> -> memref<2x4096xf32, #tpu.memory_space<hbm>>
    tpu.enqueue_dma source(%dma_start3A_14 : memref<2x4096xf32, #tpu.memory_space<hbm>>) target(%arg7 : memref<2x4096xf32, #tpu.memory_space<vmem>>) target_semaphore(%arg15 : memref<!tpu.dma_semaphore, #tpu.memory_space<semaphore_mem>>)
    %add3A_15 = arith.constant 4 : i32
    %add3A_16 = arith.addi %mul3A_2, %add3A_15 : i32
    %dma_start3A_17 = arith.constant 0 : i32
    %dma_start3A_18 = tpu.memref_slice %arg2[%add3A_16, %dma_start3A_17] : memref<16384x4096xf32, #tpu.memory_space<hbm>> -> memref<2x4096xf32, #tpu.memory_space<hbm>>
    %dma_start3A_19 = arith.constant 0 : i32
    %dma_start3A_20 = tpu.memref_slice %arg2[%add3A_16, %dma_start3A_19] : memref<16384x4096xf32, #tpu.memory_space<hbm>> -> memref<2x4096xf32, #tpu.memory_space<hbm>>
    tpu.enqueue_dma source(%dma_start3A_20 : memref<2x4096xf32, #tpu.memory_space<hbm>>) target(%arg8 : memref<2x4096xf32, #tpu.memory_space<vmem>>) target_semaphore(%arg16 : memref<!tpu.dma_semaphore, #tpu.memory_space<semaphore_mem>>)
    %add3A_21 = arith.constant 6 : i32
    %add3A_22 = arith.addi %mul3A_2, %add3A_21 : i32
    %dma_start3A_23 = arith.constant 0 : i32
    %dma_start3A_24 = tpu.memref_slice %arg2[%add3A_22, %dma_start3A_23] : memref<16384x4096xf32, #tpu.memory_space<hbm>> -> memref<2x4096xf32, #tpu.memory_space<hbm>>
    %dma_start3A_25 = arith.constant 0 : i32
    %dma_start3A_26 = tpu.memref_slice %arg2[%add3A_22, %dma_start3A_25] : memref<16384x4096xf32, #tpu.memory_space<hbm>> -> memref<2x4096xf32, #tpu.memory_space<hbm>>
    tpu.enqueue_dma source(%dma_start3A_26 : memref<2x4096xf32, #tpu.memory_space<hbm>>) target(%arg9 : memref<2x4096xf32, #tpu.memory_space<vmem>>) target_semaphore(%arg17 : memref<!tpu.dma_semaphore, #tpu.memory_space<semaphore_mem>>)
    %add3A_27 = arith.constant 8 : i32
    %add3A_28 = arith.addi %mul3A_2, %add3A_27 : i32
    %dma_start3A_29 = arith.constant 0 : i32
    %dma_start3A_30 = tpu.memref_slice %arg2[%add3A_28, %dma_start3A_29] : memref<16384x4096xf32, #tpu.memory_space<hbm>> -> memref<2x4096xf32, #tpu.memory_space<hbm>>
    %dma_start3A_31 = arith.constant 0 : i32
    %dma_start3A_32 = tpu.memref_slice %arg2[%add3A_28, %dma_start3A_31] : memref<16384x4096xf32, #tpu.memory_space<hbm>> -> memref<2x4096xf32, #tpu.memory_space<hbm>>
    tpu.enqueue_dma source(%dma_start3A_32 : memref<2x4096xf32, #tpu.memory_space<hbm>>) target(%arg10 : memref<2x4096xf32, #tpu.memory_space<vmem>>) target_semaphore(%arg18 : memref<!tpu.dma_semaphore, #tpu.memory_space<semaphore_mem>>)
    %add3A_33 = arith.constant 10 : i32
    %add3A_34 = arith.addi %mul3A_2, %add3A_33 : i32
    %dma_start3A_35 = arith.constant 0 : i32
    %dma_start3A_36 = tpu.memref_slice %arg2[%add3A_34, %dma_start3A_35] : memref<16384x4096xf32, #tpu.memory_space<hbm>> -> memref<2x4096xf32, #tpu.memory_space<hbm>>
    %dma_start3A_37 = arith.constant 0 : i32
    %dma_start3A_38 = tpu.memref_slice %arg2[%add3A_34, %dma_start3A_37] : memref<16384x4096xf32, #tpu.memory_space<hbm>> -> memref<2x4096xf32, #tpu.memory_space<hbm>>
    tpu.enqueue_dma source(%dma_start3A_38 : memref<2x4096xf32, #tpu.memory_space<hbm>>) target(%arg11 : memref<2x4096xf32, #tpu.memory_space<vmem>>) target_semaphore(%arg19 : memref<!tpu.dma_semaphore, #tpu.memory_space<semaphore_mem>>)
    %add3A_39 = arith.constant 12 : i32
    %add3A_40 = arith.addi %mul3A_2, %add3A_39 : i32
    %dma_start3A_41 = arith.constant 0 : i32
    %dma_start3A_42 = tpu.memref_slice %arg2[%add3A_40, %dma_start3A_41] : memref<16384x4096xf32, #tpu.memory_space<hbm>> -> memref<2x4096xf32, #tpu.memory_space<hbm>>
    %dma_start3A_43 = arith.constant 0 : i32
    %dma_start3A_44 = tpu.memref_slice %arg2[%add3A_40, %dma_start3A_43] : memref<16384x4096xf32, #tpu.memory_space<hbm>> -> memref<2x4096xf32, #tpu.memory_space<hbm>>
    tpu.enqueue_dma source(%dma_start3A_44 : memref<2x4096xf32, #tpu.memory_space<hbm>>) target(%arg12 : memref<2x4096xf32, #tpu.memory_space<vmem>>) target_semaphore(%arg20 : memref<!tpu.dma_semaphore, #tpu.memory_space<semaphore_mem>>)
    %add3A_45 = arith.constant 0 : i32
    %add3A_46 = arith.addi %mul3A_2, %add3A_45 : i32
    %dma_wait3A = arith.constant 0 : i32
    %dma_wait3A_47 = tpu.memref_slice %arg2[%add3A_46, %dma_wait3A] : memref<16384x4096xf32, #tpu.memory_space<hbm>> -> memref<2x4096xf32, #tpu.memory_space<hbm>>
    %dma_wait3A_48 = arith.constant 0 : i32
    %dma_wait3A_49 = tpu.memref_slice %arg2[%add3A_46, %dma_wait3A_48] : memref<16384x4096xf32, #tpu.memory_space<hbm>> -> memref<2x4096xf32, #tpu.memory_space<hbm>>
    tpu.wait_dma2 semaphore(%arg14 : memref<!tpu.dma_semaphore, #tpu.memory_space<semaphore_mem>>) src(%dma_wait3A_49 : memref<2x4096xf32, #tpu.memory_space<hbm>>) dst(%arg6 : memref<2x4096xf32, #tpu.memory_space<vmem>>)
    %broadcast_in_dim3A_50 = arith.constant 0 : i32
    %broadcast_in_dim3A_51 = vector.broadcast %broadcast_in_dim3A_50 : i32 to vector<16xi32>
    %get3A = arith.constant 0 : index
    %get3A_52 = tpu.vector_load %arg5[%get3A] {strides = array<i32>} : memref<64xi32, #tpu.memory_space<vmem>>, vector<16xi32>,
    tpu.vector_store_idx %arg6[%broadcast_in_dim3A_51, %get3A_52], %broadcast_in_dim3A_3 : memref<2x4096xf32, #tpu.memory_space<vmem>>[vector<16xi32>, vector<16xi32>], vector<16xf32>,
    %get3A_53 = arith.constant 16 : index
    %get3A_54 = tpu.vector_load %arg5[%get3A_53] {strides = array<i32>} : memref<64xi32, #tpu.memory_space<vmem>>, vector<16xi32>,
    tpu.vector_store_idx %arg6[%broadcast_in_dim3A_51, %get3A_54], %broadcast_in_dim3A_3 : memref<2x4096xf32, #tpu.memory_space<vmem>>[vector<16xi32>, vector<16xi32>], vector<16xf32>,
    %get3A_55 = arith.constant 32 : index
    %get3A_56 = tpu.vector_load %arg5[%get3A_55] {strides = array<i32>} : memref<64xi32, #tpu.memory_space<vmem>>, vector<16xi32>,
    tpu.vector_store_idx %arg6[%broadcast_in_dim3A_51, %get3A_56], %broadcast_in_dim3A_3 : memref<2x4096xf32, #tpu.memory_space<vmem>>[vector<16xi32>, vector<16xi32>], vector<16xf32>,
    %get3A_57 = arith.constant 48 : index
    %get3A_58 = tpu.vector_load %arg5[%get3A_57] {strides = array<i32>} : memref<64xi32, #tpu.memory_space<vmem>>, vector<16xi32>,
    tpu.vector_store_idx %arg6[%broadcast_in_dim3A_51, %get3A_58], %broadcast_in_dim3A_3 : memref<2x4096xf32, #tpu.memory_space<vmem>>[vector<16xi32>, vector<16xi32>], vector<16xf32>,
    %broadcast_in_dim3A_59 = arith.constant 1 : i32
    %broadcast_in_dim3A_60 = vector.broadcast %broadcast_in_dim3A_59 : i32 to vector<16xi32>
    %get3A_61 = arith.constant 0 : index
    %get3A_62 = tpu.vector_load %arg5[%get3A_61] {strides = array<i32>} : memref<64xi32, #tpu.memory_space<vmem>>, vector<16xi32>,
    tpu.vector_store_idx %arg6[%broadcast_in_dim3A_60, %get3A_62], %broadcast_in_dim3A_3 : memref<2x4096xf32, #tpu.memory_space<vmem>>[vector<16xi32>, vector<16xi32>], vector<16xf32>,
    %get3A_63 = arith.constant 16 : index
    %get3A_64 = tpu.vector_load %arg5[%get3A_63] {strides = array<i32>} : memref<64xi32, #tpu.memory_space<vmem>>, vector<16xi32>,
    tpu.vector_store_idx %arg6[%broadcast_in_dim3A_60, %get3A_64], %broadcast_in_dim3A_3 : memref<2x4096xf32, #tpu.memory_space<vmem>>[vector<16xi32>, vector<16xi32>], vector<16xf32>,
    %get3A_65 = arith.constant 32 : index
    %get3A_66 = tpu.vector_load %arg5[%get3A_65] {strides = array<i32>} : memref<64xi32, #tpu.memory_space<vmem>>, vector<16xi32>,
    tpu.vector_store_idx %arg6[%broadcast_in_dim3A_60, %get3A_66], %broadcast_in_dim3A_3 : memref<2x4096xf32, #tpu.memory_space<vmem>>[vector<16xi32>, vector<16xi32>], vector<16xf32>,
    %get3A_67 = arith.constant 48 : index
    %get3A_68 = tpu.vector_load %arg5[%get3A_67] {strides = array<i32>} : memref<64xi32, #tpu.memory_space<vmem>>, vector<16xi32>,
    tpu.vector_store_idx %arg6[%broadcast_in_dim3A_60, %get3A_68], %broadcast_in_dim3A_3 : memref<2x4096xf32, #tpu.memory_space<vmem>>[vector<16xi32>, vector<16xi32>], vector<16xf32>,
    %add3A_69 = arith.constant 0 : i32
    %add3A_70 = arith.addi %mul3A_2, %add3A_69 : i32
    %dma_start3A_71 = arith.constant 0 : i32
    %dma_start3A_72 = tpu.memref_slice %arg4[%add3A_70, %dma_start3A_71] : memref<16384x4096xf32, #tpu.memory_space<hbm>> -> memref<2x4096xf32, #tpu.memory_space<hbm>>
    %dma_start3A_73 = arith.constant 0 : i32
    %dma_start3A_74 = tpu.memref_slice %arg4[%add3A_70, %dma_start3A_73] : memref<16384x4096xf32, #tpu.memory_space<hbm>> -> memref<2x4096xf32, #tpu.memory_space<hbm>>
    tpu.enqueue_dma source(%arg6 : memref<2x4096xf32, #tpu.memory_space<vmem>>) target(%dma_start3A_74 : memref<2x4096xf32, #tpu.memory_space<hbm>>) target_semaphore(%arg22 : memref<!tpu.dma_semaphore, #tpu.memory_space<semaphore_mem>>)
    %add3A_75 = arith.constant 14 : i32
    %add3A_76 = arith.addi %mul3A_2, %add3A_75 : i32
    %dma_start3A_77 = arith.constant 0 : i32
    %dma_start3A_78 = tpu.memref_slice %arg2[%add3A_76, %dma_start3A_77] : memref<16384x4096xf32, #tpu.memory_space<hbm>> -> memref<2x4096xf32, #tpu.memory_space<hbm>>
    %dma_start3A_79 = arith.constant 0 : i32
    %dma_start3A_80 = tpu.memref_slice %arg2[%add3A_76, %dma_start3A_79] : memref<16384x4096xf32, #tpu.memory_space<hbm>> -> memref<2x4096xf32, #tpu.memory_space<hbm>>
    tpu.enqueue_dma source(%dma_start3A_80 : memref<2x4096xf32, #tpu.memory_space<hbm>>) target(%arg13 : memref<2x4096xf32, #tpu.memory_space<vmem>>) target_semaphore(%arg21 : memref<!tpu.dma_semaphore, #tpu.memory_space<semaphore_mem>>)
    %add3A_81 = arith.constant 2 : i32
    %add3A_82 = arith.addi %mul3A_2, %add3A_81 : i32
    %dma_wait3A_83 = arith.constant 0 : i32
    %dma_wait3A_84 = tpu.memref_slice %arg2[%add3A_82, %dma_wait3A_83] : memref<16384x4096xf32, #tpu.memory_space<hbm>> -> memref<2x4096xf32, #tpu.memory_space<hbm>>
    %dma_wait3A_85 = arith.constant 0 : i32
    %dma_wait3A_86 = tpu.memref_slice %arg2[%add3A_82, %dma_wait3A_85] : memref<16384x4096xf32, #tpu.memory_space<hbm>> -> memref<2x4096xf32, #tpu.memory_space<hbm>>
    tpu.wait_dma2 semaphore(%arg15 : memref<!tpu.dma_semaphore, #tpu.memory_space<semaphore_mem>>) src(%dma_wait3A_86 : memref<2x4096xf32, #tpu.memory_space<hbm>>) dst(%arg7 : memref<2x4096xf32, #tpu.memory_space<vmem>>)
    %broadcast_in_dim3A_87 = arith.constant 0 : i32
    %broadcast_in_dim3A_88 = vector.broadcast %broadcast_in_dim3A_87 : i32 to vector<16xi32>
    %get3A_89 = arith.constant 0 : index
    %get3A_90 = tpu.vector_load %arg5[%get3A_89] {strides = array<i32>} : memref<64xi32, #tpu.memory_space<vmem>>, vector<16xi32>,
    tpu.vector_store_idx %arg7[%broadcast_in_dim3A_88, %get3A_90], %broadcast_in_dim3A_3 : memref<2x4096xf32, #tpu.memory_space<vmem>>[vector<16xi32>, vector<16xi32>], vector<16xf32>,
    %get3A_91 = arith.constant 16 : index
    %get3A_92 = tpu.vector_load %arg5[%get3A_91] {strides = array<i32>} : memref<64xi32, #tpu.memory_space<vmem>>, vector<16xi32>,
    tpu.vector_store_idx %arg7[%broadcast_in_dim3A_88, %get3A_92], %broadcast_in_dim3A_3 : memref<2x4096xf32, #tpu.memory_space<vmem>>[vector<16xi32>, vector<16xi32>], vector<16xf32>,
    %get3A_93 = arith.constant 32 : index
    %get3A_94 = tpu.vector_load %arg5[%get3A_93] {strides = array<i32>} : memref<64xi32, #tpu.memory_space<vmem>>, vector<16xi32>,
    tpu.vector_store_idx %arg7[%broadcast_in_dim3A_88, %get3A_94], %broadcast_in_dim3A_3 : memref<2x4096xf32, #tpu.memory_space<vmem>>[vector<16xi32>, vector<16xi32>], vector<16xf32>,
    %get3A_95 = arith.constant 48 : index
    %get3A_96 = tpu.vector_load %arg5[%get3A_95] {strides = array<i32>} : memref<64xi32, #tpu.memory_space<vmem>>, vector<16xi32>,
    tpu.vector_store_idx %arg7[%broadcast_in_dim3A_88, %get3A_96], %broadcast_in_dim3A_3 : memref<2x4096xf32, #tpu.memory_space<vmem>>[vector<16xi32>, vector<16xi32>], vector<16xf32>,
    %broadcast_in_dim3A_97 = arith.constant 1 : i32
    %broadcast_in_dim3A_98 = vector.broadcast %broadcast_in_dim3A_97 : i32 to vector<16xi32>
    %get3A_99 = arith.constant 0 : index
    %get3A_100 = tpu.vector_load %arg5[%get3A_99] {strides = array<i32>} : memref<64xi32, #tpu.memory_space<vmem>>, vector<16xi32>,
    tpu.vector_store_idx %arg7[%broadcast_in_dim3A_98, %get3A_100], %broadcast_in_dim3A_3 : memref<2x4096xf32, #tpu.memory_space<vmem>>[vector<16xi32>, vector<16xi32>], vector<16xf32>,
    %get3A_101 = arith.constant 16 : index
    %get3A_102 = tpu.vector_load %arg5[%get3A_101] {strides = array<i32>} : memref<64xi32, #tpu.memory_space<vmem>>, vector<16xi32>,
    tpu.vector_store_idx %arg7[%broadcast_in_dim3A_98, %get3A_102], %broadcast_in_dim3A_3 : memref<2x4096xf32, #tpu.memory_space<vmem>>[vector<16xi32>, vector<16xi32>], vector<16xf32>,
    %get3A_103 = arith.constant 32 : index
    %get3A_104 = tpu.vector_load %arg5[%get3A_103] {strides = array<i32>} : memref<64xi32, #tpu.memory_space<vmem>>, vector<16xi32>,
    tpu.vector_store_idx %arg7[%broadcast_in_dim3A_98, %get3A_104], %broadcast_in_dim3A_3 : memref<2x4096xf32, #tpu.memory_space<vmem>>[vector<16xi32>, vector<16xi32>], vector<16xf32>,
    %get3A_105 = arith.constant 48 : index
    %get3A_106 = tpu.vector_load %arg5[%get3A_105] {strides = array<i32>} : memref<64xi32, #tpu.memory_space<vmem>>, vector<16xi32>,
    tpu.vector_store_idx %arg7[%broadcast_in_dim3A_98, %get3A_106], %broadcast_in_dim3A_3 : memref<2x4096xf32, #tpu.memory_space<vmem>>[vector<16xi32>, vector<16xi32>], vector<16xf32>,
    %add3A_107 = arith.constant 2 : i32
    %add3A_108 = arith.addi %mul3A_2, %add3A_107 : i32
    %dma_start3A_109 = arith.constant 0 : i32
    %dma_start3A_110 = tpu.memref_slice %arg4[%add3A_108, %dma_start3A_109] : memref<16384x4096xf32, #tpu.memory_space<hbm>> -> memref<2x4096xf32, #tpu.memory_space<hbm>>
    %dma_start3A_111 = arith.constant 0 : i32
    %dma_start3A_112 = tpu.memref_slice %arg4[%add3A_108, %dma_start3A_111] : memref<16384x4096xf32, #tpu.memory_space<hbm>> -> memref<2x4096xf32, #tpu.memory_space<hbm>>
    tpu.enqueue_dma source(%arg7 : memref<2x4096xf32, #tpu.memory_space<vmem>>) target(%dma_start3A_112 : memref<2x4096xf32, #tpu.memory_space<hbm>>) target_semaphore(%arg23 : memref<!tpu.dma_semaphore, #tpu.memory_space<semaphore_mem>>)
    %add3A_113 = arith.constant 0 : i32
    %add3A_114 = arith.addi %mul3A_2, %add3A_113 : i32
    %dma_wait3A_115 = arith.constant 0 : i32
    %dma_wait3A_116 = tpu.memref_slice %arg4[%add3A_114, %dma_wait3A_115] : memref<16384x4096xf32, #tpu.memory_space<hbm>> -> memref<2x4096xf32, #tpu.memory_space<hbm>>
    %dma_wait3A_117 = arith.constant 0 : i32
    %dma_wait3A_118 = tpu.memref_slice %arg4[%add3A_114, %dma_wait3A_117] : memref<16384x4096xf32, #tpu.memory_space<hbm>> -> memref<2x4096xf32, #tpu.memory_space<hbm>>
    tpu.wait_dma2 semaphore(%arg22 : memref<!tpu.dma_semaphore, #tpu.memory_space<semaphore_mem>>) src(%arg6 : memref<2x4096xf32, #tpu.memory_space<vmem>>) dst(%dma_wait3A_118 : memref<2x4096xf32, #tpu.memory_space<hbm>>)
    %add3A_119 = arith.constant 16 : i32
    %add3A_120 = arith.addi %mul3A_2, %add3A_119 : i32
    %dma_start3A_121 = arith.constant 0 : i32
    %dma_start3A_122 = tpu.memref_slice %arg2[%add3A_120, %dma_start3A_121] : memref<16384x4096xf32, #tpu.memory_space<hbm>> -> memref<2x4096xf32, #tpu.memory_space<hbm>>
    %dma_start3A_123 = arith.constant 0 : i32
    %dma_start3A_124 = tpu.memref_slice %arg2[%add3A_120, %dma_start3A_123] : memref<16384x4096xf32, #tpu.memory_space<hbm>> -> memref<2x4096xf32, #tpu.memory_space<hbm>>
    tpu.enqueue_dma source(%dma_start3A_124 : memref<2x4096xf32, #tpu.memory_space<hbm>>) target(%arg6 : memref<2x4096xf32, #tpu.memory_space<vmem>>) target_semaphore(%arg14 : memref<!tpu.dma_semaphore, #tpu.memory_space<semaphore_mem>>)
    %add3A_125 = arith.constant 4 : i32
    %add3A_126 = arith.addi %mul3A_2, %add3A_125 : i32
    %dma_wait3A_127 = arith.constant 0 : i32
    %dma_wait3A_128 = tpu.memref_slice %arg2[%add3A_126, %dma_wait3A_127] : memref<16384x4096xf32, #tpu.memory_space<hbm>> -> memref<2x4096xf32, #tpu.memory_space<hbm>>
    %dma_wait3A_129 = arith.constant 0 : i32
    %dma_wait3A_130 = tpu.memref_slice %arg2[%add3A_126, %dma_wait3A_129] : memref<16384x4096xf32, #tpu.memory_space<hbm>> -> memref<2x4096xf32, #tpu.memory_space<hbm>>
    tpu.wait_dma2 semaphore(%arg16 : memref<!tpu.dma_semaphore, #tpu.memory_space<semaphore_mem>>) src(%dma_wait3A_130 : memref<2x4096xf32, #tpu.memory_space<hbm>>) dst(%arg8 : memref<2x4096xf32, #tpu.memory_space<vmem>>)
    %broadcast_in_dim3A_131 = arith.constant 0 : i32
    %broadcast_in_dim3A_132 = vector.broadcast %broadcast_in_dim3A_131 : i32 to vector<16xi32>
    %get3A_133 = arith.constant 0 : index
    %get3A_134 = tpu.vector_load %arg5[%get3A_133] {strides = array<i32>} : memref<64xi32, #tpu.memory_space<vmem>>, vector<16xi32>,
    tpu.vector_store_idx %arg8[%broadcast_in_dim3A_132, %get3A_134], %broadcast_in_dim3A_3 : memref<2x4096xf32, #tpu.memory_space<vmem>>[vector<16xi32>, vector<16xi32>], vector<16xf32>,
    %get3A_135 = arith.constant 16 : index
    %get3A_136 = tpu.vector_load %arg5[%get3A_135] {strides = array<i32>} : memref<64xi32, #tpu.memory_space<vmem>>, vector<16xi32>,
    tpu.vector_store_idx %arg8[%broadcast_in_dim3A_132, %get3A_136], %broadcast_in_dim3A_3 : memref<2x4096xf32, #tpu.memory_space<vmem>>[vector<16xi32>, vector<16xi32>], vector<16xf32>,
    %get3A_137 = arith.constant 32 : index
    %get3A_138 = tpu.vector_load %arg5[%get3A_137] {strides = array<i32>} : memref<64xi32, #tpu.memory_space<vmem>>, vector<16xi32>,
    tpu.vector_store_idx %arg8[%broadcast_in_dim3A_132, %get3A_138], %broadcast_in_dim3A_3 : memref<2x4096xf32, #tpu.memory_space<vmem>>[vector<16xi32>, vector<16xi32>], vector<16xf32>,
    %get3A_139 = arith.constant 48 : index
    %get3A_140 = tpu.vector_load %arg5[%get3A_139] {strides = array<i32>} : memref<64xi32, #tpu.memory_space<vmem>>, vector<16xi32>,
    tpu.vector_store_idx %arg8[%broadcast_in_dim3A_132, %get3A_140], %broadcast_in_dim3A_3 : memref<2x4096xf32, #tpu.memory_space<vmem>>[vector<16xi32>, vector<16xi32>], vector<16xf32>,
    %broadcast_in_dim3A_141 = arith.constant 1 : i32
    %broadcast_in_dim3A_142 = vector.broadcast %broadcast_in_dim3A_141 : i32 to vector<16xi32>
    %get3A_143 = arith.constant 0 : index
    %get3A_144 = tpu.vector_load %arg5[%get3A_143] {strides = array<i32>} : memref<64xi32, #tpu.memory_space<vmem>>, vector<16xi32>,
    tpu.vector_store_idx %arg8[%broadcast_in_dim3A_142, %get3A_144], %broadcast_in_dim3A_3 : memref<2x4096xf32, #tpu.memory_space<vmem>>[vector<16xi32>, vector<16xi32>], vector<16xf32>,
    %get3A_145 = arith.constant 16 : index
    %get3A_146 = tpu.vector_load %arg5[%get3A_145] {strides = array<i32>} : memref<64xi32, #tpu.memory_space<vmem>>, vector<16xi32>,
    tpu.vector_store_idx %arg8[%broadcast_in_dim3A_142, %get3A_146], %broadcast_in_dim3A_3 : memref<2x4096xf32, #tpu.memory_space<vmem>>[vector<16xi32>, vector<16xi32>], vector<16xf32>,
    %get3A_147 = arith.constant 32 : index
    %get3A_148 = tpu.vector_load %arg5[%get3A_147] {strides = array<i32>} : memref<64xi32, #tpu.memory_space<vmem>>, vector<16xi32>,
    tpu.vector_store_idx %arg8[%broadcast_in_dim3A_142, %get3A_148], %broadcast_in_dim3A_3 : memref<2x4096xf32, #tpu.memory_space<vmem>>[vector<16xi32>, vector<16xi32>], vector<16xf32>,
    %get3A_149 = arith.constant 48 : index
    %get3A_150 = tpu.vector_load %arg5[%get3A_149] {strides = array<i32>} : memref<64xi32, #tpu.memory_space<vmem>>, vector<16xi32>,
    tpu.vector_store_idx %arg8[%broadcast_in_dim3A_142, %get3A_150], %broadcast_in_dim3A_3 : memref<2x4096xf32, #tpu.memory_space<vmem>>[vector<16xi32>, vector<16xi32>], vector<16xf32>,
    %add3A_151 = arith.constant 4 : i32
    %add3A_152 = arith.addi %mul3A_2, %add3A_151 : i32
    %dma_start3A_153 = arith.constant 0 : i32
    %dma_start3A_154 = tpu.memref_slice %arg4[%add3A_152, %dma_start3A_153] : memref<16384x4096xf32, #tpu.memory_space<hbm>> -> memref<2x4096xf32, #tpu.memory_space<hbm>>
    %dma_start3A_155 = arith.constant 0 : i32
    %dma_start3A_156 = tpu.memref_slice %arg4[%add3A_152, %dma_start3A_155] : memref<16384x4096xf32, #tpu.memory_space<hbm>> -> memref<2x4096xf32, #tpu.memory_space<hbm>>
    tpu.enqueue_dma source(%arg8 : memref<2x4096xf32, #tpu.memory_space<vmem>>) target(%dma_start3A_156 : memref<2x4096xf32, #tpu.memory_space<hbm>>) target_semaphore(%arg24 : memref<!tpu.dma_semaphore, #tpu.memory_space<semaphore_mem>>)
    %add3A_157 = arith.constant 2 : i32
    %add3A_158 = arith.addi %mul3A_2, %add3A_157 : i32
    %dma_wait3A_159 = arith.constant 0 : i32
    %dma_wait3A_160 = tpu.memref_slice %arg4[%add3A_158, %dma_wait3A_159] : memref<16384x4096xf32, #tpu.memory_space<hbm>> -> memref<2x4096xf32, #tpu.memory_space<hbm>>
    %dma_wait3A_161 = arith.constant 0 : i32
    %dma_wait3A_162 = tpu.memref_slice %arg4[%add3A_158, %dma_wait3A_161] : memref<16384x4096xf32, #tpu.memory_space<hbm>> -> memref<2x4096xf32, #tpu.memory_space<hbm>>
    tpu.wait_dma2 semaphore(%arg23 : memref<!tpu.dma_semaphore, #tpu.memory_space<semaphore_mem>>) src(%arg7 : memref<2x4096xf32, #tpu.memory_space<vmem>>) dst(%dma_wait3A_162 : memref<2x4096xf32, #tpu.memory_space<hbm>>)
    %add3A_163 = arith.constant 18 : i32
    %add3A_164 = arith.addi %mul3A_2, %add3A_163 : i32
    %dma_start3A_165 = arith.constant 0 : i32
    %dma_start3A_166 = tpu.memref_slice %arg2[%add3A_164, %dma_start3A_165] : memref<16384x4096xf32, #tpu.memory_space<hbm>> -> memref<2x4096xf32, #tpu.memory_space<hbm>>
    %dma_start3A_167 = arith.constant 0 : i32
    %dma_start3A_168 = tpu.memref_slice %arg2[%add3A_164, %dma_start3A_167] : memref<16384x4096xf32, #tpu.memory_space<hbm>> -> memref<2x4096xf32, #tpu.memory_space<hbm>>
    tpu.enqueue_dma source(%dma_start3A_168 : memref<2x4096xf32, #tpu.memory_space<hbm>>) target(%arg7 : memref<2x4096xf32, #tpu.memory_space<vmem>>) target_semaphore(%arg15 : memref<!tpu.dma_semaphore, #tpu.memory_space<semaphore_mem>>)
    %add3A_169 = arith.constant 6 : i32
    %add3A_170 = arith.addi %mul3A_2, %add3A_169 : i32
    %dma_wait3A_171 = arith.constant 0 : i32
    %dma_wait3A_172 = tpu.memref_slice %arg2[%add3A_170, %dma_wait3A_171] : memref<16384x4096xf32, #tpu.memory_space<hbm>> -> memref<2x4096xf32, #tpu.memory_space<hbm>>
    %dma_wait3A_173 = arith.constant 0 : i32
    %dma_wait3A_174 = tpu.memref_slice %arg2[%add3A_170, %dma_wait3A_173] : memref<16384x4096xf32, #tpu.memory_space<hbm>> -> memref<2x4096xf32, #tpu.memory_space<hbm>>
    tpu.wait_dma2 semaphore(%arg17 : memref<!tpu.dma_semaphore, #tpu.memory_space<semaphore_mem>>) src(%dma_wait3A_174 : memref<2x4096xf32, #tpu.memory_space<hbm>>) dst(%arg9 : memref<2x4096xf32, #tpu.memory_space<vmem>>)
    %broadcast_in_dim3A_175 = arith.constant 0 : i32
    %broadcast_in_dim3A_176 = vector.broadcast %broadcast_in_dim3A_175 : i32 to vector<16xi32>
    %get3A_177 = arith.constant 0 : index
    %get3A_178 = tpu.vector_load %arg5[%get3A_177] {strides = array<i32>} : memref<64xi32, #tpu.memory_space<vmem>>, vector<16xi32>,
    tpu.vector_store_idx %arg9[%broadcast_in_dim3A_176, %get3A_178], %broadcast_in_dim3A_3 : memref<2x4096xf32, #tpu.memory_space<vmem>>[vector<16xi32>, vector<16xi32>], vector<16xf32>,
    %get3A_179 = arith.constant 16 : index
    %get3A_180 = tpu.vector_load %arg5[%get3A_179] {strides = array<i32>} : memref<64xi32, #tpu.memory_space<vmem>>, vector<16xi32>,
    tpu.vector_store_idx %arg9[%broadcast_in_dim3A_176, %get3A_180], %broadcast_in_dim3A_3 : memref<2x4096xf32, #tpu.memory_space<vmem>>[vector<16xi32>, vector<16xi32>], vector<16xf32>,
    %get3A_181 = arith.constant 32 : index
    %get3A_182 = tpu.vector_load %arg5[%get3A_181] {strides = array<i32>} : memref<64xi32, #tpu.memory_space<vmem>>, vector<16xi32>,
    tpu.vector_store_idx %arg9[%broadcast_in_dim3A_176, %get3A_182], %broadcast_in_dim3A_3 : memref<2x4096xf32, #tpu.memory_space<vmem>>[vector<16xi32>, vector<16xi32>], vector<16xf32>,
    %get3A_183 = arith.constant 48 : index
    %get3A_184 = tpu.vector_load %arg5[%get3A_183] {strides = array<i32>} : memref<64xi32, #tpu.memory_space<vmem>>, vector<16xi32>,
    tpu.vector_store_idx %arg9[%broadcast_in_dim3A_176, %get3A_184], %broadcast_in_dim3A_3 : memref<2x4096xf32, #tpu.memory_space<vmem>>[vector<16xi32>, vector<16xi32>], vector<16xf32>,
    %broadcast_in_dim3A_185 = arith.constant 1 : i32
    %broadcast_in_dim3A_186 = vector.broadcast %broadcast_in_dim3A_185 : i32 to vector<16xi32>
    %get3A_187 = arith.constant 0 : index
    %get3A_188 = tpu.vector_load %arg5[%get3A_187] {strides = array<i32>} : memref<64xi32, #tpu.memory_space<vmem>>, vector<16xi32>,
    tpu.vector_store_idx %arg9[%broadcast_in_dim3A_186, %get3A_188], %broadcast_in_dim3A_3 : memref<2x4096xf32, #tpu.memory_space<vmem>>[vector<16xi32>, vector<16xi32>], vector<16xf32>,
    %get3A_189 = arith.constant 16 : index
    %get3A_190 = tpu.vector_load %arg5[%get3A_189] {strides = array<i32>} : memref<64xi32, #tpu.memory_space<vmem>>, vector<16xi32>,
    tpu.vector_store_idx %arg9[%broadcast_in_dim3A_186, %get3A_190], %broadcast_in_dim3A_3 : memref<2x4096xf32, #tpu.memory_space<vmem>>[vector<16xi32>, vector<16xi32>], vector<16xf32>,
    %get3A_191 = arith.constant 32 : index
    %get3A_192 = tpu.vector_load %arg5[%get3A_191] {strides = array<i32>} : memref<64xi32, #tpu.memory_space<vmem>>, vector<16xi32>,
    tpu.vector_store_idx %arg9[%broadcast_in_dim3A_186, %get3A_192], %broadcast_in_dim3A_3 : memref<2x4096xf32, #tpu.memory_space<vmem>>[vector<16xi32>, vector<16xi32>], vector<16xf32>,
    %get3A_193 = arith.constant 48 : index
    %get3A_194 = tpu.vector_load %arg5[%get3A_193] {strides = array<i32>} : memref<64xi32, #tpu.memory_space<vmem>>, vector<16xi32>,
    tpu.vector_store_idx %arg9[%broadcast_in_dim3A_186, %get3A_194], %broadcast_in_dim3A_3 : memref<2x4096xf32, #tpu.memory_space<vmem>>[vector<16xi32>, vector<16xi32>], vector<16xf32>,
    %add3A_195 = arith.constant 6 : i32
    %add3A_196 = arith.addi %mul3A_2, %add3A_195 : i32
    %dma_start3A_197 = arith.constant 0 : i32
    %dma_start3A_198 = tpu.memref_slice %arg4[%add3A_196, %dma_start3A_197] : memref<16384x4096xf32, #tpu.memory_space<hbm>> -> memref<2x4096xf32, #tpu.memory_space<hbm>>
    %dma_start3A_199 = arith.constant 0 : i32
    %dma_start3A_200 = tpu.memref_slice %arg4[%add3A_196, %dma_start3A_199] : memref<16384x4096xf32, #tpu.memory_space<hbm>> -> memref<2x4096xf32, #tpu.memory_space<hbm>>
    tpu.enqueue_dma source(%arg9 : memref<2x4096xf32, #tpu.memory_space<vmem>>) target(%dma_start3A_200 : memref<2x4096xf32, #tpu.memory_space<hbm>>) target_semaphore(%arg25 : memref<!tpu.dma_semaphore, #tpu.memory_space<semaphore_mem>>)
    %add3A_201 = arith.constant 4 : i32
    %add3A_202 = arith.addi %mul3A_2, %add3A_201 : i32
    %dma_wait3A_203 = arith.constant 0 : i32
    %dma_wait3A_204 = tpu.memref_slice %arg4[%add3A_202, %dma_wait3A_203] : memref<16384x4096xf32, #tpu.memory_space<hbm>> -> memref<2x4096xf32, #tpu.memory_space<hbm>>
    %dma_wait3A_205 = arith.constant 0 : i32
    %dma_wait3A_206 = tpu.memref_slice %arg4[%add3A_202, %dma_wait3A_205] : memref<16384x4096xf32, #tpu.memory_space<hbm>> -> memref<2x4096xf32, #tpu.memory_space<hbm>>
    tpu.wait_dma2 semaphore(%arg24 : memref<!tpu.dma_semaphore, #tpu.memory_space<semaphore_mem>>) src(%arg8 : memref<2x4096xf32, #tpu.memory_space<vmem>>) dst(%dma_wait3A_206 : memref<2x4096xf32, #tpu.memory_space<hbm>>)
    %add3A_207 = arith.constant 20 : i32
    %add3A_208 = arith.addi %mul3A_2, %add3A_207 : i32
    %dma_start3A_209 = arith.constant 0 : i32
    %dma_start3A_210 = tpu.memref_slice %arg2[%add3A_208, %dma_start3A_209] : memref<16384x4096xf32, #tpu.memory_space<hbm>> -> memref<2x4096xf32, #tpu.memory_space<hbm>>
    %dma_start3A_211 = arith.constant 0 : i32
    %dma_start3A_212 = tpu.memref_slice %arg2[%add3A_208, %dma_start3A_211] : memref<16384x4096xf32, #tpu.memory_space<hbm>> -> memref<2x4096xf32, #tpu.memory_space<hbm>>
    tpu.enqueue_dma source(%dma_start3A_212 : memref<2x4096xf32, #tpu.memory_space<hbm>>) target(%arg8 : memref<2x4096xf32, #tpu.memory_space<vmem>>) target_semaphore(%arg16 : memref<!tpu.dma_semaphore, #tpu.memory_space<semaphore_mem>>)
    %add3A_213 = arith.constant 8 : i32
    %add3A_214 = arith.addi %mul3A_2, %add3A_213 : i32
    %dma_wait3A_215 = arith.constant 0 : i32
    %dma_wait3A_216 = tpu.memref_slice %arg2[%add3A_214, %dma_wait3A_215] : memref<16384x4096xf32, #tpu.memory_space<hbm>> -> memref<2x4096xf32, #tpu.memory_space<hbm>>
    %dma_wait3A_217 = arith.constant 0 : i32
    %dma_wait3A_218 = tpu.memref_slice %arg2[%add3A_214, %dma_wait3A_217] : memref<16384x4096xf32, #tpu.memory_space<hbm>> -> memref<2x4096xf32, #tpu.memory_space<hbm>>
    tpu.wait_dma2 semaphore(%arg18 : memref<!tpu.dma_semaphore, #tpu.memory_space<semaphore_mem>>) src(%dma_wait3A_218 : memref<2x4096xf32, #tpu.memory_space<hbm>>) dst(%arg10 : memref<2x4096xf32, #tpu.memory_space<vmem>>)
    %broadcast_in_dim3A_219 = arith.constant 0 : i32
    %broadcast_in_dim3A_220 = vector.broadcast %broadcast_in_dim3A_219 : i32 to vector<16xi32>
    %get3A_221 = arith.constant 0 : index
    %get3A_222 = tpu.vector_load %arg5[%get3A_221] {strides = array<i32>} : memref<64xi32, #tpu.memory_space<vmem>>, vector<16xi32>,
    tpu.vector_store_idx %arg10[%broadcast_in_dim3A_220, %get3A_222], %broadcast_in_dim3A_3 : memref<2x4096xf32, #tpu.memory_space<vmem>>[vector<16xi32>, vector<16xi32>], vector<16xf32>,
    %get3A_223 = arith.constant 16 : index
    %get3A_224 = tpu.vector_load %arg5[%get3A_223] {strides = array<i32>} : memref<64xi32, #tpu.memory_space<vmem>>, vector<16xi32>,
    tpu.vector_store_idx %arg10[%broadcast_in_dim3A_220, %get3A_224], %broadcast_in_dim3A_3 : memref<2x4096xf32, #tpu.memory_space<vmem>>[vector<16xi32>, vector<16xi32>], vector<16xf32>,
    %get3A_225 = arith.constant 32 : index
    %get3A_226 = tpu.vector_load %arg5[%get3A_225] {strides = array<i32>} : memref<64xi32, #tpu.memory_space<vmem>>, vector<16xi32>,
    tpu.vector_store_idx %arg10[%broadcast_in_dim3A_220, %get3A_226], %broadcast_in_dim3A_3 : memref<2x4096xf32, #tpu.memory_space<vmem>>[vector<16xi32>, vector<16xi32>], vector<16xf32>,
    %get3A_227 = arith.constant 48 : index
    %get3A_228 = tpu.vector_load %arg5[%get3A_227] {strides = array<i32>} : memref<64xi32, #tpu.memory_space<vmem>>, vector<16xi32>,
    tpu.vector_store_idx %arg10[%broadcast_in_dim3A_220, %get3A_228], %broadcast_in_dim3A_3 : memref<2x4096xf32, #tpu.memory_space<vmem>>[vector<16xi32>, vector<16xi32>], vector<16xf32>,
    %broadcast_in_dim3A_229 = arith.constant 1 : i32
    %broadcast_in_dim3A_230 = vector.broadcast %broadcast_in_dim3A_229 : i32 to vector<16xi32>
    %get3A_231 = arith.constant 0 : index
    %get3A_232 = tpu.vector_load %arg5[%get3A_231] {strides = array<i32>} : memref<64xi32, #tpu.memory_space<vmem>>, vector<16xi32>,
    tpu.vector_store_idx %arg10[%broadcast_in_dim3A_230, %get3A_232], %broadcast_in_dim3A_3 : memref<2x4096xf32, #tpu.memory_space<vmem>>[vector<16xi32>, vector<16xi32>], vector<16xf32>,
    %get3A_233 = arith.constant 16 : index
    %get3A_234 = tpu.vector_load %arg5[%get3A_233] {strides = array<i32>} : memref<64xi32, #tpu.memory_space<vmem>>, vector<16xi32>,
    tpu.vector_store_idx %arg10[%broadcast_in_dim3A_230, %get3A_234], %broadcast_in_dim3A_3 : memref<2x4096xf32, #tpu.memory_space<vmem>>[vector<16xi32>, vector<16xi32>], vector<16xf32>,
    %get3A_235 = arith.constant 32 : index
    %get3A_236 = tpu.vector_load %arg5[%get3A_235] {strides = array<i32>} : memref<64xi32, #tpu.memory_space<vmem>>, vector<16xi32>,
    tpu.vector_store_idx %arg10[%broadcast_in_dim3A_230, %get3A_236], %broadcast_in_dim3A_3 : memref<2x4096xf32, #tpu.memory_space<vmem>>[vector<16xi32>, vector<16xi32>], vector<16xf32>,
    %get3A_237 = arith.constant 48 : index
    %get3A_238 = tpu.vector_load %arg5[%get3A_237] {strides = array<i32>} : memref<64xi32, #tpu.memory_space<vmem>>, vector<16xi32>,
    tpu.vector_store_idx %arg10[%broadcast_in_dim3A_230, %get3A_238], %broadcast_in_dim3A_3 : memref<2x4096xf32, #tpu.memory_space<vmem>>[vector<16xi32>, vector<16xi32>], vector<16xf32>,
    %add3A_239 = arith.constant 8 : i32
    %add3A_240 = arith.addi %mul3A_2, %add3A_239 : i32
    %dma_start3A_241 = arith.constant 0 : i32
    %dma_start3A_242 = tpu.memref_slice %arg4[%add3A_240, %dma_start3A_241] : memref<16384x4096xf32, #tpu.memory_space<hbm>> -> memref<2x4096xf32, #tpu.memory_space<hbm>>
    %dma_start3A_243 = arith.constant 0 : i32
    %dma_start3A_244 = tpu.memref_slice %arg4[%add3A_240, %dma_start3A_243] : memref<16384x4096xf32, #tpu.memory_space<hbm>> -> memref<2x4096xf32, #tpu.memory_space<hbm>>
    tpu.enqueue_dma source(%arg10 : memref<2x4096xf32, #tpu.memory_space<vmem>>) target(%dma_start3A_244 : memref<2x4096xf32, #tpu.memory_space<hbm>>) target_semaphore(%arg26 : memref<!tpu.dma_semaphore, #tpu.memory_space<semaphore_mem>>)
    %add3A_245 = arith.constant 6 : i32
    %add3A_246 = arith.addi %mul3A_2, %add3A_245 : i32
    %dma_wait3A_247 = arith.constant 0 : i32
    %dma_wait3A_248 = tpu.memref_slice %arg4[%add3A_246, %dma_wait3A_247] : memref<16384x4096xf32, #tpu.memory_space<hbm>> -> memref<2x4096xf32, #tpu.memory_space<hbm>>
    %dma_wait3A_249 = arith.constant 0 : i32
    %dma_wait3A_250 = tpu.memref_slice %arg4[%add3A_246, %dma_wait3A_249] : memref<16384x4096xf32, #tpu.memory_space<hbm>> -> memref<2x4096xf32, #tpu.memory_space<hbm>>
    tpu.wait_dma2 semaphore(%arg25 : memref<!tpu.dma_semaphore, #tpu.memory_space<semaphore_mem>>) src(%arg9 : memref<2x4096xf32, #tpu.memory_space<vmem>>) dst(%dma_wait3A_250 : memref<2x4096xf32, #tpu.memory_space<hbm>>)
    %add3A_251 = arith.constant 22 : i32
    %add3A_252 = arith.addi %mul3A_2, %add3A_251 : i32
    %dma_start3A_253 = arith.constant 0 : i32
    %dma_start3A_254 = tpu.memref_slice %arg2[%add3A_252, %dma_start3A_253] : memref<16384x4096xf32, #tpu.memory_space<hbm>> -> memref<2x4096xf32, #tpu.memory_space<hbm>>
    %dma_start3A_255 = arith.constant 0 : i32
    %dma_start3A_256 = tpu.memref_slice %arg2[%add3A_252, %dma_start3A_255] : memref<16384x4096xf32, #tpu.memory_space<hbm>> -> memref<2x4096xf32, #tpu.memory_space<hbm>>
    tpu.enqueue_dma source(%dma_start3A_256 : memref<2x4096xf32, #tpu.memory_space<hbm>>) target(%arg9 : memref<2x4096xf32, #tpu.memory_space<vmem>>) target_semaphore(%arg17 : memref<!tpu.dma_semaphore, #tpu.memory_space<semaphore_mem>>)
    %add3A_257 = arith.constant 10 : i32
    %add3A_258 = arith.addi %mul3A_2, %add3A_257 : i32
    %dma_wait3A_259 = arith.constant 0 : i32
    %dma_wait3A_260 = tpu.memref_slice %arg2[%add3A_258, %dma_wait3A_259] : memref<16384x4096xf32, #tpu.memory_space<hbm>> -> memref<2x4096xf32, #tpu.memory_space<hbm>>
    %dma_wait3A_261 = arith.constant 0 : i32
    %dma_wait3A_262 = tpu.memref_slice %arg2[%add3A_258, %dma_wait3A_261] : memref<16384x4096xf32, #tpu.memory_space<hbm>> -> memref<2x4096xf32, #tpu.memory_space<hbm>>
    tpu.wait_dma2 semaphore(%arg19 : memref<!tpu.dma_semaphore, #tpu.memory_space<semaphore_mem>>) src(%dma_wait3A_262 : memref<2x4096xf32, #tpu.memory_space<hbm>>) dst(%arg11 : memref<2x4096xf32, #tpu.memory_space<vmem>>)
    %broadcast_in_dim3A_263 = arith.constant 0 : i32
    %broadcast_in_dim3A_264 = vector.broadcast %broadcast_in_dim3A_263 : i32 to vector<16xi32>
    %get3A_265 = arith.constant 0 : index
    %get3A_266 = tpu.vector_load %arg5[%get3A_265] {strides = array<i32>} : memref<64xi32, #tpu.memory_space<vmem>>, vector<16xi32>,
    tpu.vector_store_idx %arg11[%broadcast_in_dim3A_264, %get3A_266], %broadcast_in_dim3A_3 : memref<2x4096xf32, #tpu.memory_space<vmem>>[vector<16xi32>, vector<16xi32>], vector<16xf32>,
    %get3A_267 = arith.constant 16 : index
    %get3A_268 = tpu.vector_load %arg5[%get3A_267] {strides = array<i32>} : memref<64xi32, #tpu.memory_space<vmem>>, vector<16xi32>,
    tpu.vector_store_idx %arg11[%broadcast_in_dim3A_264, %get3A_268], %broadcast_in_dim3A_3 : memref<2x4096xf32, #tpu.memory_space<vmem>>[vector<16xi32>, vector<16xi32>], vector<16xf32>,
    %get3A_269 = arith.constant 32 : index
    %get3A_270 = tpu.vector_load %arg5[%get3A_269] {strides = array<i32>} : memref<64xi32, #tpu.memory_space<vmem>>, vector<16xi32>,
    tpu.vector_store_idx %arg11[%broadcast_in_dim3A_264, %get3A_270], %broadcast_in_dim3A_3 : memref<2x4096xf32, #tpu.memory_space<vmem>>[vector<16xi32>, vector<16xi32>], vector<16xf32>,
    %get3A_271 = arith.constant 48 : index
    %get3A_272 = tpu.vector_load %arg5[%get3A_271] {strides = array<i32>} : memref<64xi32, #tpu.memory_space<vmem>>, vector<16xi32>,
    tpu.vector_store_idx %arg11[%broadcast_in_dim3A_264, %get3A_272], %broadcast_in_dim3A_3 : memref<2x4096xf32, #tpu.memory_space<vmem>>[vector<16xi32>, vector<16xi32>], vector<16xf32>,
    %broadcast_in_dim3A_273 = arith.constant 1 : i32
    %broadcast_in_dim3A_274 = vector.broadcast %broadcast_in_dim3A_273 : i32 to vector<16xi32>
    %get3A_275 = arith.constant 0 : index
    %get3A_276 = tpu.vector_load %arg5[%get3A_275] {strides = array<i32>} : memref<64xi32, #tpu.memory_space<vmem>>, vector<16xi32>,
    tpu.vector_store_idx %arg11[%broadcast_in_dim3A_274, %get3A_276], %broadcast_in_dim3A_3 : memref<2x4096xf32, #tpu.memory_space<vmem>>[vector<16xi32>, vector<16xi32>], vector<16xf32>,
    %get3A_277 = arith.constant 16 : index
    %get3A_278 = tpu.vector_load %arg5[%get3A_277] {strides = array<i32>} : memref<64xi32, #tpu.memory_space<vmem>>, vector<16xi32>,
    tpu.vector_store_idx %arg11[%broadcast_in_dim3A_274, %get3A_278], %broadcast_in_dim3A_3 : memref<2x4096xf32, #tpu.memory_space<vmem>>[vector<16xi32>, vector<16xi32>], vector<16xf32>,
    %get3A_279 = arith.constant 32 : index
    %get3A_280 = tpu.vector_load %arg5[%get3A_279] {strides = array<i32>} : memref<64xi32, #tpu.memory_space<vmem>>, vector<16xi32>,
    tpu.vector_store_idx %arg11[%broadcast_in_dim3A_274, %get3A_280], %broadcast_in_dim3A_3 : memref<2x4096xf32, #tpu.memory_space<vmem>>[vector<16xi32>, vector<16xi32>], vector<16xf32>,
    %get3A_281 = arith.constant 48 : index
    %get3A_282 = tpu.vector_load %arg5[%get3A_281] {strides = array<i32>} : memref<64xi32, #tpu.memory_space<vmem>>, vector<16xi32>,
    tpu.vector_store_idx %arg11[%broadcast_in_dim3A_274, %get3A_282], %broadcast_in_dim3A_3 : memref<2x4096xf32, #tpu.memory_space<vmem>>[vector<16xi32>, vector<16xi32>], vector<16xf32>,
    %add3A_283 = arith.constant 10 : i32
    %add3A_284 = arith.addi %mul3A_2, %add3A_283 : i32
    %dma_start3A_285 = arith.constant 0 : i32
    %dma_start3A_286 = tpu.memref_slice %arg4[%add3A_284, %dma_start3A_285] : memref<16384x4096xf32, #tpu.memory_space<hbm>> -> memref<2x4096xf32, #tpu.memory_space<hbm>>
    %dma_start3A_287 = arith.constant 0 : i32
    %dma_start3A_288 = tpu.memref_slice %arg4[%add3A_284, %dma_start3A_287] : memref<16384x4096xf32, #tpu.memory_space<hbm>> -> memref<2x4096xf32, #tpu.memory_space<hbm>>
    tpu.enqueue_dma source(%arg11 : memref<2x4096xf32, #tpu.memory_space<vmem>>) target(%dma_start3A_288 : memref<2x4096xf32, #tpu.memory_space<hbm>>) target_semaphore(%arg27 : memref<!tpu.dma_semaphore, #tpu.memory_space<semaphore_mem>>)
    %add3A_289 = arith.constant 8 : i32
    %add3A_290 = arith.addi %mul3A_2, %add3A_289 : i32
    %dma_wait3A_291 = arith.constant 0 : i32
    %dma_wait3A_292 = tpu.memref_slice %arg4[%add3A_290, %dma_wait3A_291] : memref<16384x4096xf32, #tpu.memory_space<hbm>> -> memref<2x4096xf32, #tpu.memory_space<hbm>>
    %dma_wait3A_293 = arith.constant 0 : i32
    %dma_wait3A_294 = tpu.memref_slice %arg4[%add3A_290, %dma_wait3A_293] : memref<16384x4096xf32, #tpu.memory_space<hbm>> -> memref<2x4096xf32, #tpu.memory_space<hbm>>
    tpu.wait_dma2 semaphore(%arg26 : memref<!tpu.dma_semaphore, #tpu.memory_space<semaphore_mem>>) src(%arg10 : memref<2x4096xf32, #tpu.memory_space<vmem>>) dst(%dma_wait3A_294 : memref<2x4096xf32, #tpu.memory_space<hbm>>)
    %add3A_295 = arith.constant 24 : i32
    %add3A_296 = arith.addi %mul3A_2, %add3A_295 : i32
    %dma_start3A_297 = arith.constant 0 : i32
    %dma_start3A_298 = tpu.memref_slice %arg2[%add3A_296, %dma_start3A_297] : memref<16384x4096xf32, #tpu.memory_space<hbm>> -> memref<2x4096xf32, #tpu.memory_space<hbm>>
    %dma_start3A_299 = arith.constant 0 : i32
    %dma_start3A_300 = tpu.memref_slice %arg2[%add3A_296, %dma_start3A_299] : memref<16384x4096xf32, #tpu.memory_space<hbm>> -> memref<2x4096xf32, #tpu.memory_space<hbm>>
    tpu.enqueue_dma source(%dma_start3A_300 : memref<2x4096xf32, #tpu.memory_space<hbm>>) target(%arg10 : memref<2x4096xf32, #tpu.memory_space<vmem>>) target_semaphore(%arg18 : memref<!tpu.dma_semaphore, #tpu.memory_space<semaphore_mem>>)
    %add3A_301 = arith.constant 12 : i32
    %add3A_302 = arith.addi %mul3A_2, %add3A_301 : i32
    %dma_wait3A_303 = arith.constant 0 : i32
    %dma_wait3A_304 = tpu.memref_slice %arg2[%add3A_302, %dma_wait3A_303] : memref<16384x4096xf32, #tpu.memory_space<hbm>> -> memref<2x4096xf32, #tpu.memory_space<hbm>>
    %dma_wait3A_305 = arith.constant 0 : i32
    %dma_wait3A_306 = tpu.memref_slice %arg2[%add3A_302, %dma_wait3A_305] : memref<16384x4096xf32, #tpu.memory_space<hbm>> -> memref<2x4096xf32, #tpu.memory_space<hbm>>
    tpu.wait_dma2 semaphore(%arg20 : memref<!tpu.dma_semaphore, #tpu.memory_space<semaphore_mem>>) src(%dma_wait3A_306 : memref<2x4096xf32, #tpu.memory_space<hbm>>) dst(%arg12 : memref<2x4096xf32, #tpu.memory_space<vmem>>)
    %broadcast_in_dim3A_307 = arith.constant 0 : i32
    %broadcast_in_dim3A_308 = vector.broadcast %broadcast_in_dim3A_307 : i32 to vector<16xi32>
    %get3A_309 = arith.constant 0 : index
    %get3A_310 = tpu.vector_load %arg5[%get3A_309] {strides = array<i32>} : memref<64xi32, #tpu.memory_space<vmem>>, vector<16xi32>,
    tpu.vector_store_idx %arg12[%broadcast_in_dim3A_308, %get3A_310], %broadcast_in_dim3A_3 : memref<2x4096xf32, #tpu.memory_space<vmem>>[vector<16xi32>, vector<16xi32>], vector<16xf32>,
    %get3A_311 = arith.constant 16 : index
    %get3A_312 = tpu.vector_load %arg5[%get3A_311] {strides = array<i32>} : memref<64xi32, #tpu.memory_space<vmem>>, vector<16xi32>,
    tpu.vector_store_idx %arg12[%broadcast_in_dim3A_308, %get3A_312], %broadcast_in_dim3A_3 : memref<2x4096xf32, #tpu.memory_space<vmem>>[vector<16xi32>, vector<16xi32>], vector<16xf32>,
    %get3A_313 = arith.constant 32 : index
    %get3A_314 = tpu.vector_load %arg5[%get3A_313] {strides = array<i32>} : memref<64xi32, #tpu.memory_space<vmem>>, vector<16xi32>,
    tpu.vector_store_idx %arg12[%broadcast_in_dim3A_308, %get3A_314], %broadcast_in_dim3A_3 : memref<2x4096xf32, #tpu.memory_space<vmem>>[vector<16xi32>, vector<16xi32>], vector<16xf32>,
    %get3A_315 = arith.constant 48 : index
    %get3A_316 = tpu.vector_load %arg5[%get3A_315] {strides = array<i32>} : memref<64xi32, #tpu.memory_space<vmem>>, vector<16xi32>,
    tpu.vector_store_idx %arg12[%broadcast_in_dim3A_308, %get3A_316], %broadcast_in_dim3A_3 : memref<2x4096xf32, #tpu.memory_space<vmem>>[vector<16xi32>, vector<16xi32>], vector<16xf32>,
    %broadcast_in_dim3A_317 = arith.constant 1 : i32
    %broadcast_in_dim3A_318 = vector.broadcast %broadcast_in_dim3A_317 : i32 to vector<16xi32>
    %get3A_319 = arith.constant 0 : index
    %get3A_320 = tpu.vector_load %arg5[%get3A_319] {strides = array<i32>} : memref<64xi32, #tpu.memory_space<vmem>>, vector<16xi32>,
    tpu.vector_store_idx %arg12[%broadcast_in_dim3A_318, %get3A_320], %broadcast_in_dim3A_3 : memref<2x4096xf32, #tpu.memory_space<vmem>>[vector<16xi32>, vector<16xi32>], vector<16xf32>,
    %get3A_321 = arith.constant 16 : index
    %get3A_322 = tpu.vector_load %arg5[%get3A_321] {strides = array<i32>} : memref<64xi32, #tpu.memory_space<vmem>>, vector<16xi32>,
    tpu.vector_store_idx %arg12[%broadcast_in_dim3A_318, %get3A_322], %broadcast_in_dim3A_3 : memref<2x4096xf32, #tpu.memory_space<vmem>>[vector<16xi32>, vector<16xi32>], vector<16xf32>,
    %get3A_323 = arith.constant 32 : index
    %get3A_324 = tpu.vector_load %arg5[%get3A_323] {strides = array<i32>} : memref<64xi32, #tpu.memory_space<vmem>>, vector<16xi32>,
    tpu.vector_store_idx %arg12[%broadcast_in_dim3A_318, %get3A_324], %broadcast_in_dim3A_3 : memref<2x4096xf32, #tpu.memory_space<vmem>>[vector<16xi32>, vector<16xi32>], vector<16xf32>,
    %get3A_325 = arith.constant 48 : index
    %get3A_326 = tpu.vector_load %arg5[%get3A_325] {strides = array<i32>} : memref<64xi32, #tpu.memory_space<vmem>>, vector<16xi32>,
    tpu.vector_store_idx %arg12[%broadcast_in_dim3A_318, %get3A_326], %broadcast_in_dim3A_3 : memref<2x4096xf32, #tpu.memory_space<vmem>>[vector<16xi32>, vector<16xi32>], vector<16xf32>,
    %add3A_327 = arith.constant 12 : i32
    %add3A_328 = arith.addi %mul3A_2, %add3A_327 : i32
    %dma_start3A_329 = arith.constant 0 : i32
    %dma_start3A_330 = tpu.memref_slice %arg4[%add3A_328, %dma_start3A_329] : memref<16384x4096xf32, #tpu.memory_space<hbm>> -> memref<2x4096xf32, #tpu.memory_space<hbm>>
    %dma_start3A_331 = arith.constant 0 : i32
    %dma_start3A_332 = tpu.memref_slice %arg4[%add3A_328, %dma_start3A_331] : memref<16384x4096xf32, #tpu.memory_space<hbm>> -> memref<2x4096xf32, #tpu.memory_space<hbm>>
    tpu.enqueue_dma source(%arg12 : memref<2x4096xf32, #tpu.memory_space<vmem>>) target(%dma_start3A_332 : memref<2x4096xf32, #tpu.memory_space<hbm>>) target_semaphore(%arg28 : memref<!tpu.dma_semaphore, #tpu.memory_space<semaphore_mem>>)
    %add3A_333 = arith.constant 10 : i32
    %add3A_334 = arith.addi %mul3A_2, %add3A_333 : i32
    %dma_wait3A_335 = arith.constant 0 : i32
    %dma_wait3A_336 = tpu.memref_slice %arg4[%add3A_334, %dma_wait3A_335] : memref<16384x4096xf32, #tpu.memory_space<hbm>> -> memref<2x4096xf32, #tpu.memory_space<hbm>>
    %dma_wait3A_337 = arith.constant 0 : i32
    %dma_wait3A_338 = tpu.memref_slice %arg4[%add3A_334, %dma_wait3A_337] : memref<16384x4096xf32, #tpu.memory_space<hbm>> -> memref<2x4096xf32, #tpu.memory_space<hbm>>
    tpu.wait_dma2 semaphore(%arg27 : memref<!tpu.dma_semaphore, #tpu.memory_space<semaphore_mem>>) src(%arg11 : memref<2x4096xf32, #tpu.memory_space<vmem>>) dst(%dma_wait3A_338 : memref<2x4096xf32, #tpu.memory_space<hbm>>)
    %add3A_339 = arith.constant 26 : i32
    %add3A_340 = arith.addi %mul3A_2, %add3A_339 : i32
    %dma_start3A_341 = arith.constant 0 : i32
    %dma_start3A_342 = tpu.memref_slice %arg2[%add3A_340, %dma_start3A_341] : memref<16384x4096xf32, #tpu.memory_space<hbm>> -> memref<2x4096xf32, #tpu.memory_space<hbm>>
    %dma_start3A_343 = arith.constant 0 : i32
    %dma_start3A_344 = tpu.memref_slice %arg2[%add3A_340, %dma_start3A_343] : memref<16384x4096xf32, #tpu.memory_space<hbm>> -> memref<2x4096xf32, #tpu.memory_space<hbm>>
    tpu.enqueue_dma source(%dma_start3A_344 : memref<2x4096xf32, #tpu.memory_space<hbm>>) target(%arg11 : memref<2x4096xf32, #tpu.memory_space<vmem>>) target_semaphore(%arg19 : memref<!tpu.dma_semaphore, #tpu.memory_space<semaphore_mem>>)
    %add3A_345 = arith.constant 14 : i32
    %add3A_346 = arith.addi %mul3A_2, %add3A_345 : i32
    %dma_wait3A_347 = arith.constant 0 : i32
    %dma_wait3A_348 = tpu.memref_slice %arg2[%add3A_346, %dma_wait3A_347] : memref<16384x4096xf32, #tpu.memory_space<hbm>> -> memref<2x4096xf32, #tpu.memory_space<hbm>>
    %dma_wait3A_349 = arith.constant 0 : i32
    %dma_wait3A_350 = tpu.memref_slice %arg2[%add3A_346, %dma_wait3A_349] : memref<16384x4096xf32, #tpu.memory_space<hbm>> -> memref<2x4096xf32, #tpu.memory_space<hbm>>
    tpu.wait_dma2 semaphore(%arg21 : memref<!tpu.dma_semaphore, #tpu.memory_space<semaphore_mem>>) src(%dma_wait3A_350 : memref<2x4096xf32, #tpu.memory_space<hbm>>) dst(%arg13 : memref<2x4096xf32, #tpu.memory_space<vmem>>)
    %broadcast_in_dim3A_351 = arith.constant 0 : i32
    %broadcast_in_dim3A_352 = vector.broadcast %broadcast_in_dim3A_351 : i32 to vector<16xi32>
    %get3A_353 = arith.constant 0 : index
    %get3A_354 = tpu.vector_load %arg5[%get3A_353] {strides = array<i32>} : memref<64xi32, #tpu.memory_space<vmem>>, vector<16xi32>,
    tpu.vector_store_idx %arg13[%broadcast_in_dim3A_352, %get3A_354], %broadcast_in_dim3A_3 : memref<2x4096xf32, #tpu.memory_space<vmem>>[vector<16xi32>, vector<16xi32>], vector<16xf32>,
    %get3A_355 = arith.constant 16 : index
    %get3A_356 = tpu.vector_load %arg5[%get3A_355] {strides = array<i32>} : memref<64xi32, #tpu.memory_space<vmem>>, vector<16xi32>,
    tpu.vector_store_idx %arg13[%broadcast_in_dim3A_352, %get3A_356], %broadcast_in_dim3A_3 : memref<2x4096xf32, #tpu.memory_space<vmem>>[vector<16xi32>, vector<16xi32>], vector<16xf32>,
    %get3A_357 = arith.constant 32 : index
    %get3A_358 = tpu.vector_load %arg5[%get3A_357] {strides = array<i32>} : memref<64xi32, #tpu.memory_space<vmem>>, vector<16xi32>,
    tpu.vector_store_idx %arg13[%broadcast_in_dim3A_352, %get3A_358], %broadcast_in_dim3A_3 : memref<2x4096xf32, #tpu.memory_space<vmem>>[vector<16xi32>, vector<16xi32>], vector<16xf32>,
    %get3A_359 = arith.constant 48 : index
    %get3A_360 = tpu.vector_load %arg5[%get3A_359] {strides = array<i32>} : memref<64xi32, #tpu.memory_space<vmem>>, vector<16xi32>,
    tpu.vector_store_idx %arg13[%broadcast_in_dim3A_352, %get3A_360], %broadcast_in_dim3A_3 : memref<2x4096xf32, #tpu.memory_space<vmem>>[vector<16xi32>, vector<16xi32>], vector<16xf32>,
    %broadcast_in_dim3A_361 = arith.constant 1 : i32
    %broadcast_in_dim3A_362 = vector.broadcast %broadcast_in_dim3A_361 : i32 to vector<16xi32>
    %get3A_363 = arith.constant 0 : index
    %get3A_364 = tpu.vector_load %arg5[%get3A_363] {strides = array<i32>} : memref<64xi32, #tpu.memory_space<vmem>>, vector<16xi32>,
    tpu.vector_store_idx %arg13[%broadcast_in_dim3A_362, %get3A_364], %broadcast_in_dim3A_3 : memref<2x4096xf32, #tpu.memory_space<vmem>>[vector<16xi32>, vector<16xi32>], vector<16xf32>,
    %get3A_365 = arith.constant 16 : index
    %get3A_366 = tpu.vector_load %arg5[%get3A_365] {strides = array<i32>} : memref<64xi32, #tpu.memory_space<vmem>>, vector<16xi32>,
    tpu.vector_store_idx %arg13[%broadcast_in_dim3A_362, %get3A_366], %broadcast_in_dim3A_3 : memref<2x4096xf32, #tpu.memory_space<vmem>>[vector<16xi32>, vector<16xi32>], vector<16xf32>,
    %get3A_367 = arith.constant 32 : index
    %get3A_368 = tpu.vector_load %arg5[%get3A_367] {strides = array<i32>} : memref<64xi32, #tpu.memory_space<vmem>>, vector<16xi32>,
    tpu.vector_store_idx %arg13[%broadcast_in_dim3A_362, %get3A_368], %broadcast_in_dim3A_3 : memref<2x4096xf32, #tpu.memory_space<vmem>>[vector<16xi32>, vector<16xi32>], vector<16xf32>,
    %get3A_369 = arith.constant 48 : index
    %get3A_370 = tpu.vector_load %arg5[%get3A_369] {strides = array<i32>} : memref<64xi32, #tpu.memory_space<vmem>>, vector<16xi32>,
    tpu.vector_store_idx %arg13[%broadcast_in_dim3A_362, %get3A_370], %broadcast_in_dim3A_3 : memref<2x4096xf32, #tpu.memory_space<vmem>>[vector<16xi32>, vector<16xi32>], vector<16xf32>,
    %add3A_371 = arith.constant 14 : i32
    %add3A_372 = arith.addi %mul3A_2, %add3A_371 : i32
    %dma_start3A_373 = arith.constant 0 : i32
    %dma_start3A_374 = tpu.memref_slice %arg4[%add3A_372, %dma_start3A_373] : memref<16384x4096xf32, #tpu.memory_space<hbm>> -> memref<2x4096xf32, #tpu.memory_space<hbm>>
    %dma_start3A_375 = arith.constant 0 : i32
    %dma_start3A_376 = tpu.memref_slice %arg4[%add3A_372, %dma_start3A_375] : memref<16384x4096xf32, #tpu.memory_space<hbm>> -> memref<2x4096xf32, #tpu.memory_space<hbm>>
    tpu.enqueue_dma source(%arg13 : memref<2x4096xf32, #tpu.memory_space<vmem>>) target(%dma_start3A_376 : memref<2x4096xf32, #tpu.memory_space<hbm>>) target_semaphore(%arg29 : memref<!tpu.dma_semaphore, #tpu.memory_space<semaphore_mem>>)
    %add3A_377 = arith.constant 12 : i32
    %add3A_378 = arith.addi %mul3A_2, %add3A_377 : i32
    %dma_wait3A_379 = arith.constant 0 : i32
    %dma_wait3A_380 = tpu.memref_slice %arg4[%add3A_378, %dma_wait3A_379] : memref<16384x4096xf32, #tpu.memory_space<hbm>> -> memref<2x4096xf32, #tpu.memory_space<hbm>>
    %dma_wait3A_381 = arith.constant 0 : i32
    %dma_wait3A_382 = tpu.memref_slice %arg4[%add3A_378, %dma_wait3A_381] : memref<16384x4096xf32, #tpu.memory_space<hbm>> -> memref<2x4096xf32, #tpu.memory_space<hbm>>
    tpu.wait_dma2 semaphore(%arg28 : memref<!tpu.dma_semaphore, #tpu.memory_space<semaphore_mem>>) src(%arg12 : memref<2x4096xf32, #tpu.memory_space<vmem>>) dst(%dma_wait3A_382 : memref<2x4096xf32, #tpu.memory_space<hbm>>)
    %add3A_383 = arith.constant 28 : i32
    %add3A_384 = arith.addi %mul3A_2, %add3A_383 : i32
    %dma_start3A_385 = arith.constant 0 : i32
    %dma_start3A_386 = tpu.memref_slice %arg2[%add3A_384, %dma_start3A_385] : memref<16384x4096xf32, #tpu.memory_space<hbm>> -> memref<2x4096xf32, #tpu.memory_space<hbm>>
    %dma_start3A_387 = arith.constant 0 : i32
    %dma_start3A_388 = tpu.memref_slice %arg2[%add3A_384, %dma_start3A_387] : memref<16384x4096xf32, #tpu.memory_space<hbm>> -> memref<2x4096xf32, #tpu.memory_space<hbm>>
    tpu.enqueue_dma source(%dma_start3A_388 : memref<2x4096xf32, #tpu.memory_space<hbm>>) target(%arg12 : memref<2x4096xf32, #tpu.memory_space<vmem>>) target_semaphore(%arg20 : memref<!tpu.dma_semaphore, #tpu.memory_space<semaphore_mem>>)
    %scan3A = arith.constant 0 : i32
    %scan3A_389 = arith.constant 1 : i32
    %scan3A_390 = arith.constant 30 : i32
    %scan3A_391 = arith.addi %scan3A_389, %scan3A_390 : i32
    %scan3A_392 = arith.constant 1 : i32
    scf.for %scan3A_710 = %scan3A_389 to %scan3A_391 step %scan3A_392  : i32 {
      %mul3A_711 = arith.constant 8 : i32
      %mul3A_712 = arith.muli %scan3A_710, %mul3A_711 : i32
      %add3A_713 = arith.constant 0 : i32
      %add3A_714 = arith.addi %mul3A_712, %add3A_713 : i32
      %mul3A_715 = arith.constant 2 : i32
      %mul3A_716 = arith.muli %add3A_714, %mul3A_715 : i32
      %add3A_717 = arith.addi %mul3A_2, %mul3A_716 : i32
      %dma_wait3A_718 = arith.constant 0 : i32
      %dma_wait3A_719 = tpu.memref_slice %arg2[%add3A_717, %dma_wait3A_718] : memref<16384x4096xf32, #tpu.memory_space<hbm>> -> memref<2x4096xf32, #tpu.memory_space<hbm>>
      %dma_wait3A_720 = arith.constant 0 : i32
      %dma_wait3A_721 = tpu.memref_slice %arg2[%add3A_717, %dma_wait3A_720] : memref<16384x4096xf32, #tpu.memory_space<hbm>> -> memref<2x4096xf32, #tpu.memory_space<hbm>>
      tpu.wait_dma2 semaphore(%arg14 : memref<!tpu.dma_semaphore, #tpu.memory_space<semaphore_mem>>) src(%dma_wait3A_721 : memref<2x4096xf32, #tpu.memory_space<hbm>>) dst(%arg6 : memref<2x4096xf32, #tpu.memory_space<vmem>>)
      %broadcast_in_dim3A_722 = arith.constant 0 : i32
      %broadcast_in_dim3A_723 = vector.broadcast %broadcast_in_dim3A_722 : i32 to vector<16xi32>
      %get3A_724 = arith.constant 0 : index
      %get3A_725 = tpu.vector_load %arg5[%get3A_724] {strides = array<i32>} : memref<64xi32, #tpu.memory_space<vmem>>, vector<16xi32>,
      tpu.vector_store_idx %arg6[%broadcast_in_dim3A_723, %get3A_725], %broadcast_in_dim3A_3 : memref<2x4096xf32, #tpu.memory_space<vmem>>[vector<16xi32>, vector<16xi32>], vector<16xf32>,
      %get3A_726 = arith.constant 16 : index
      %get3A_727 = tpu.vector_load %arg5[%get3A_726] {strides = array<i32>} : memref<64xi32, #tpu.memory_space<vmem>>, vector<16xi32>,
      tpu.vector_store_idx %arg6[%broadcast_in_dim3A_723, %get3A_727], %broadcast_in_dim3A_3 : memref<2x4096xf32, #tpu.memory_space<vmem>>[vector<16xi32>, vector<16xi32>], vector<16xf32>,
      %get3A_728 = arith.constant 32 : index
      %get3A_729 = tpu.vector_load %arg5[%get3A_728] {strides = array<i32>} : memref<64xi32, #tpu.memory_space<vmem>>, vector<16xi32>,
      tpu.vector_store_idx %arg6[%broadcast_in_dim3A_723, %get3A_729], %broadcast_in_dim3A_3 : memref<2x4096xf32, #tpu.memory_space<vmem>>[vector<16xi32>, vector<16xi32>], vector<16xf32>,
      %get3A_730 = arith.constant 48 : index
      %get3A_731 = tpu.vector_load %arg5[%get3A_730] {strides = array<i32>} : memref<64xi32, #tpu.memory_space<vmem>>, vector<16xi32>,
      tpu.vector_store_idx %arg6[%broadcast_in_dim3A_723, %get3A_731], %broadcast_in_dim3A_3 : memref<2x4096xf32, #tpu.memory_space<vmem>>[vector<16xi32>, vector<16xi32>], vector<16xf32>,
      %broadcast_in_dim3A_732 = arith.constant 1 : i32
      %broadcast_in_dim3A_733 = vector.broadcast %broadcast_in_dim3A_732 : i32 to vector<16xi32>
      %get3A_734 = arith.constant 0 : index
      %get3A_735 = tpu.vector_load %arg5[%get3A_734] {strides = array<i32>} : memref<64xi32, #tpu.memory_space<vmem>>, vector<16xi32>,
      tpu.vector_store_idx %arg6[%broadcast_in_dim3A_733, %get3A_735], %broadcast_in_dim3A_3 : memref<2x4096xf32, #tpu.memory_space<vmem>>[vector<16xi32>, vector<16xi32>], vector<16xf32>,
      %get3A_736 = arith.constant 16 : index
      %get3A_737 = tpu.vector_load %arg5[%get3A_736] {strides = array<i32>} : memref<64xi32, #tpu.memory_space<vmem>>, vector<16xi32>,
      tpu.vector_store_idx %arg6[%broadcast_in_dim3A_733, %get3A_737], %broadcast_in_dim3A_3 : memref<2x4096xf32, #tpu.memory_space<vmem>>[vector<16xi32>, vector<16xi32>], vector<16xf32>,
      %get3A_738 = arith.constant 32 : index
      %get3A_739 = tpu.vector_load %arg5[%get3A_738] {strides = array<i32>} : memref<64xi32, #tpu.memory_space<vmem>>, vector<16xi32>,
      tpu.vector_store_idx %arg6[%broadcast_in_dim3A_733, %get3A_739], %broadcast_in_dim3A_3 : memref<2x4096xf32, #tpu.memory_space<vmem>>[vector<16xi32>, vector<16xi32>], vector<16xf32>,
      %get3A_740 = arith.constant 48 : index
      %get3A_741 = tpu.vector_load %arg5[%get3A_740] {strides = array<i32>} : memref<64xi32, #tpu.memory_space<vmem>>, vector<16xi32>,
      tpu.vector_store_idx %arg6[%broadcast_in_dim3A_733, %get3A_741], %broadcast_in_dim3A_3 : memref<2x4096xf32, #tpu.memory_space<vmem>>[vector<16xi32>, vector<16xi32>], vector<16xf32>,
      %mul3A_742 = arith.constant 2 : i32
      %mul3A_743 = arith.muli %add3A_714, %mul3A_742 : i32
      %add3A_744 = arith.addi %mul3A_2, %mul3A_743 : i32
      %dma_start3A_745 = arith.constant 0 : i32
      %dma_start3A_746 = tpu.memref_slice %arg4[%add3A_744, %dma_start3A_745] : memref<16384x4096xf32, #tpu.memory_space<hbm>> -> memref<2x4096xf32, #tpu.memory_space<hbm>>
      %dma_start3A_747 = arith.constant 0 : i32
      %dma_start3A_748 = tpu.memref_slice %arg4[%add3A_744, %dma_start3A_747] : memref<16384x4096xf32, #tpu.memory_space<hbm>> -> memref<2x4096xf32, #tpu.memory_space<hbm>>
      tpu.enqueue_dma source(%arg6 : memref<2x4096xf32, #tpu.memory_space<vmem>>) target(%dma_start3A_748 : memref<2x4096xf32, #tpu.memory_space<hbm>>) target_semaphore(%arg22 : memref<!tpu.dma_semaphore, #tpu.memory_space<semaphore_mem>>)
      %sub3A = arith.constant 1 : i32
      %sub3A_749 = arith.subi %add3A_714, %sub3A : i32
      %mul3A_750 = arith.constant 2 : i32
      %mul3A_751 = arith.muli %sub3A_749, %mul3A_750 : i32
      %add3A_752 = arith.addi %mul3A_2, %mul3A_751 : i32
      %dma_wait3A_753 = arith.constant 0 : i32
      %dma_wait3A_754 = tpu.memref_slice %arg4[%add3A_752, %dma_wait3A_753] : memref<16384x4096xf32, #tpu.memory_space<hbm>> -> memref<2x4096xf32, #tpu.memory_space<hbm>>
      %dma_wait3A_755 = arith.constant 0 : i32
      %dma_wait3A_756 = tpu.memref_slice %arg4[%add3A_752, %dma_wait3A_755] : memref<16384x4096xf32, #tpu.memory_space<hbm>> -> memref<2x4096xf32, #tpu.memory_space<hbm>>
      tpu.wait_dma2 semaphore(%arg29 : memref<!tpu.dma_semaphore, #tpu.memory_space<semaphore_mem>>) src(%arg13 : memref<2x4096xf32, #tpu.memory_space<vmem>>) dst(%dma_wait3A_756 : memref<2x4096xf32, #tpu.memory_space<hbm>>)
      %add3A_757 = arith.constant 8 : i32
      %add3A_758 = arith.addi %add3A_714, %add3A_757 : i32
      %sub3A_759 = arith.constant 1 : i32
      %sub3A_760 = arith.subi %add3A_758, %sub3A_759 : i32
      %mul3A_761 = arith.constant 2 : i32
      %mul3A_762 = arith.muli %sub3A_760, %mul3A_761 : i32
      %add3A_763 = arith.addi %mul3A_2, %mul3A_762 : i32
      %dma_start3A_764 = arith.constant 0 : i32
      %dma_start3A_765 = tpu.memref_slice %arg2[%add3A_763, %dma_start3A_764] : memref<16384x4096xf32, #tpu.memory_space<hbm>> -> memref<2x4096xf32, #tpu.memory_space<hbm>>
      %dma_start3A_766 = arith.constant 0 : i32
      %dma_start3A_767 = tpu.memref_slice %arg2[%add3A_763, %dma_start3A_766] : memref<16384x4096xf32, #tpu.memory_space<hbm>> -> memref<2x4096xf32, #tpu.memory_space<hbm>>
      tpu.enqueue_dma source(%dma_start3A_767 : memref<2x4096xf32, #tpu.memory_space<hbm>>) target(%arg13 : memref<2x4096xf32, #tpu.memory_space<vmem>>) target_semaphore(%arg21 : memref<!tpu.dma_semaphore, #tpu.memory_space<semaphore_mem>>)
      %mul3A_768 = arith.constant 8 : i32
      %mul3A_769 = arith.muli %scan3A_710, %mul3A_768 : i32
      %add3A_770 = arith.constant 1 : i32
      %add3A_771 = arith.addi %mul3A_769, %add3A_770 : i32
      %mul3A_772 = arith.constant 2 : i32
      %mul3A_773 = arith.muli %add3A_771, %mul3A_772 : i32
      %add3A_774 = arith.addi %mul3A_2, %mul3A_773 : i32
      %dma_wait3A_775 = arith.constant 0 : i32
      %dma_wait3A_776 = tpu.memref_slice %arg2[%add3A_774, %dma_wait3A_775] : memref<16384x4096xf32, #tpu.memory_space<hbm>> -> memref<2x4096xf32, #tpu.memory_space<hbm>>
      %dma_wait3A_777 = arith.constant 0 : i32
      %dma_wait3A_778 = tpu.memref_slice %arg2[%add3A_774, %dma_wait3A_777] : memref<16384x4096xf32, #tpu.memory_space<hbm>> -> memref<2x4096xf32, #tpu.memory_space<hbm>>
      tpu.wait_dma2 semaphore(%arg15 : memref<!tpu.dma_semaphore, #tpu.memory_space<semaphore_mem>>) src(%dma_wait3A_778 : memref<2x4096xf32, #tpu.memory_space<hbm>>) dst(%arg7 : memref<2x4096xf32, #tpu.memory_space<vmem>>)
      %broadcast_in_dim3A_779 = arith.constant 0 : i32
      %broadcast_in_dim3A_780 = vector.broadcast %broadcast_in_dim3A_779 : i32 to vector<16xi32>
      %get3A_781 = arith.constant 0 : index
      %get3A_782 = tpu.vector_load %arg5[%get3A_781] {strides = array<i32>} : memref<64xi32, #tpu.memory_space<vmem>>, vector<16xi32>,
      tpu.vector_store_idx %arg7[%broadcast_in_dim3A_780, %get3A_782], %broadcast_in_dim3A_3 : memref<2x4096xf32, #tpu.memory_space<vmem>>[vector<16xi32>, vector<16xi32>], vector<16xf32>,
      %get3A_783 = arith.constant 16 : index
      %get3A_784 = tpu.vector_load %arg5[%get3A_783] {strides = array<i32>} : memref<64xi32, #tpu.memory_space<vmem>>, vector<16xi32>,
      tpu.vector_store_idx %arg7[%broadcast_in_dim3A_780, %get3A_784], %broadcast_in_dim3A_3 : memref<2x4096xf32, #tpu.memory_space<vmem>>[vector<16xi32>, vector<16xi32>], vector<16xf32>,
      %get3A_785 = arith.constant 32 : index
      %get3A_786 = tpu.vector_load %arg5[%get3A_785] {strides = array<i32>} : memref<64xi32, #tpu.memory_space<vmem>>, vector<16xi32>,
      tpu.vector_store_idx %arg7[%broadcast_in_dim3A_780, %get3A_786], %broadcast_in_dim3A_3 : memref<2x4096xf32, #tpu.memory_space<vmem>>[vector<16xi32>, vector<16xi32>], vector<16xf32>,
      %get3A_787 = arith.constant 48 : index
      %get3A_788 = tpu.vector_load %arg5[%get3A_787] {strides = array<i32>} : memref<64xi32, #tpu.memory_space<vmem>>, vector<16xi32>,
      tpu.vector_store_idx %arg7[%broadcast_in_dim3A_780, %get3A_788], %broadcast_in_dim3A_3 : memref<2x4096xf32, #tpu.memory_space<vmem>>[vector<16xi32>, vector<16xi32>], vector<16xf32>,
      %broadcast_in_dim3A_789 = arith.constant 1 : i32
      %broadcast_in_dim3A_790 = vector.broadcast %broadcast_in_dim3A_789 : i32 to vector<16xi32>
      %get3A_791 = arith.constant 0 : index
      %get3A_792 = tpu.vector_load %arg5[%get3A_791] {strides = array<i32>} : memref<64xi32, #tpu.memory_space<vmem>>, vector<16xi32>,
      tpu.vector_store_idx %arg7[%broadcast_in_dim3A_790, %get3A_792], %broadcast_in_dim3A_3 : memref<2x4096xf32, #tpu.memory_space<vmem>>[vector<16xi32>, vector<16xi32>], vector<16xf32>,
      %get3A_793 = arith.constant 16 : index
      %get3A_794 = tpu.vector_load %arg5[%get3A_793] {strides = array<i32>} : memref<64xi32, #tpu.memory_space<vmem>>, vector<16xi32>,
      tpu.vector_store_idx %arg7[%broadcast_in_dim3A_790, %get3A_794], %broadcast_in_dim3A_3 : memref<2x4096xf32, #tpu.memory_space<vmem>>[vector<16xi32>, vector<16xi32>], vector<16xf32>,
      %get3A_795 = arith.constant 32 : index
      %get3A_796 = tpu.vector_load %arg5[%get3A_795] {strides = array<i32>} : memref<64xi32, #tpu.memory_space<vmem>>, vector<16xi32>,
      tpu.vector_store_idx %arg7[%broadcast_in_dim3A_790, %get3A_796], %broadcast_in_dim3A_3 : memref<2x4096xf32, #tpu.memory_space<vmem>>[vector<16xi32>, vector<16xi32>], vector<16xf32>,
      %get3A_797 = arith.constant 48 : index
      %get3A_798 = tpu.vector_load %arg5[%get3A_797] {strides = array<i32>} : memref<64xi32, #tpu.memory_space<vmem>>, vector<16xi32>,
      tpu.vector_store_idx %arg7[%broadcast_in_dim3A_790, %get3A_798], %broadcast_in_dim3A_3 : memref<2x4096xf32, #tpu.memory_space<vmem>>[vector<16xi32>, vector<16xi32>], vector<16xf32>,
      %mul3A_799 = arith.constant 2 : i32
      %mul3A_800 = arith.muli %add3A_771, %mul3A_799 : i32
      %add3A_801 = arith.addi %mul3A_2, %mul3A_800 : i32
      %dma_start3A_802 = arith.constant 0 : i32
      %dma_start3A_803 = tpu.memref_slice %arg4[%add3A_801, %dma_start3A_802] : memref<16384x4096xf32, #tpu.memory_space<hbm>> -> memref<2x4096xf32, #tpu.memory_space<hbm>>
      %dma_start3A_804 = arith.constant 0 : i32
      %dma_start3A_805 = tpu.memref_slice %arg4[%add3A_801, %dma_start3A_804] : memref<16384x4096xf32, #tpu.memory_space<hbm>> -> memref<2x4096xf32, #tpu.memory_space<hbm>>
      tpu.enqueue_dma source(%arg7 : memref<2x4096xf32, #tpu.memory_space<vmem>>) target(%dma_start3A_805 : memref<2x4096xf32, #tpu.memory_space<hbm>>) target_semaphore(%arg23 : memref<!tpu.dma_semaphore, #tpu.memory_space<semaphore_mem>>)
      %sub3A_806 = arith.constant 1 : i32
      %sub3A_807 = arith.subi %add3A_771, %sub3A_806 : i32
      %mul3A_808 = arith.constant 2 : i32
      %mul3A_809 = arith.muli %sub3A_807, %mul3A_808 : i32
      %add3A_810 = arith.addi %mul3A_2, %mul3A_809 : i32
      %dma_wait3A_811 = arith.constant 0 : i32
      %dma_wait3A_812 = tpu.memref_slice %arg4[%add3A_810, %dma_wait3A_811] : memref<16384x4096xf32, #tpu.memory_space<hbm>> -> memref<2x4096xf32, #tpu.memory_space<hbm>>
      %dma_wait3A_813 = arith.constant 0 : i32
      %dma_wait3A_814 = tpu.memref_slice %arg4[%add3A_810, %dma_wait3A_813] : memref<16384x4096xf32, #tpu.memory_space<hbm>> -> memref<2x4096xf32, #tpu.memory_space<hbm>>
      tpu.wait_dma2 semaphore(%arg22 : memref<!tpu.dma_semaphore, #tpu.memory_space<semaphore_mem>>) src(%arg6 : memref<2x4096xf32, #tpu.memory_space<vmem>>) dst(%dma_wait3A_814 : memref<2x4096xf32, #tpu.memory_space<hbm>>)
      %add3A_815 = arith.constant 8 : i32
      %add3A_816 = arith.addi %add3A_771, %add3A_815 : i32
      %sub3A_817 = arith.constant 1 : i32
      %sub3A_818 = arith.subi %add3A_816, %sub3A_817 : i32
      %mul3A_819 = arith.constant 2 : i32
      %mul3A_820 = arith.muli %sub3A_818, %mul3A_819 : i32
      %add3A_821 = arith.addi %mul3A_2, %mul3A_820 : i32
      %dma_start3A_822 = arith.constant 0 : i32
      %dma_start3A_823 = tpu.memref_slice %arg2[%add3A_821, %dma_start3A_822] : memref<16384x4096xf32, #tpu.memory_space<hbm>> -> memref<2x4096xf32, #tpu.memory_space<hbm>>
      %dma_start3A_824 = arith.constant 0 : i32
      %dma_start3A_825 = tpu.memref_slice %arg2[%add3A_821, %dma_start3A_824] : memref<16384x4096xf32, #tpu.memory_space<hbm>> -> memref<2x4096xf32, #tpu.memory_space<hbm>>
      tpu.enqueue_dma source(%dma_start3A_825 : memref<2x4096xf32, #tpu.memory_space<hbm>>) target(%arg6 : memref<2x4096xf32, #tpu.memory_space<vmem>>) target_semaphore(%arg14 : memref<!tpu.dma_semaphore, #tpu.memory_space<semaphore_mem>>)
      %mul3A_826 = arith.constant 8 : i32
      %mul3A_827 = arith.muli %scan3A_710, %mul3A_826 : i32
      %add3A_828 = arith.constant 2 : i32
      %add3A_829 = arith.addi %mul3A_827, %add3A_828 : i32
      %mul3A_830 = arith.constant 2 : i32
      %mul3A_831 = arith.muli %add3A_829, %mul3A_830 : i32
      %add3A_832 = arith.addi %mul3A_2, %mul3A_831 : i32
      %dma_wait3A_833 = arith.constant 0 : i32
      %dma_wait3A_834 = tpu.memref_slice %arg2[%add3A_832, %dma_wait3A_833] : memref<16384x4096xf32, #tpu.memory_space<hbm>> -> memref<2x4096xf32, #tpu.memory_space<hbm>>
      %dma_wait3A_835 = arith.constant 0 : i32
      %dma_wait3A_836 = tpu.memref_slice %arg2[%add3A_832, %dma_wait3A_835] : memref<16384x4096xf32, #tpu.memory_space<hbm>> -> memref<2x4096xf32, #tpu.memory_space<hbm>>
      tpu.wait_dma2 semaphore(%arg16 : memref<!tpu.dma_semaphore, #tpu.memory_space<semaphore_mem>>) src(%dma_wait3A_836 : memref<2x4096xf32, #tpu.memory_space<hbm>>) dst(%arg8 : memref<2x4096xf32, #tpu.memory_space<vmem>>)
      %broadcast_in_dim3A_837 = arith.constant 0 : i32
      %broadcast_in_dim3A_838 = vector.broadcast %broadcast_in_dim3A_837 : i32 to vector<16xi32>
      %get3A_839 = arith.constant 0 : index
      %get3A_840 = tpu.vector_load %arg5[%get3A_839] {strides = array<i32>} : memref<64xi32, #tpu.memory_space<vmem>>, vector<16xi32>,
      tpu.vector_store_idx %arg8[%broadcast_in_dim3A_838, %get3A_840], %broadcast_in_dim3A_3 : memref<2x4096xf32, #tpu.memory_space<vmem>>[vector<16xi32>, vector<16xi32>], vector<16xf32>,
      %get3A_841 = arith.constant 16 : index
      %get3A_842 = tpu.vector_load %arg5[%get3A_841] {strides = array<i32>} : memref<64xi32, #tpu.memory_space<vmem>>, vector<16xi32>,
      tpu.vector_store_idx %arg8[%broadcast_in_dim3A_838, %get3A_842], %broadcast_in_dim3A_3 : memref<2x4096xf32, #tpu.memory_space<vmem>>[vector<16xi32>, vector<16xi32>], vector<16xf32>,
      %get3A_843 = arith.constant 32 : index
      %get3A_844 = tpu.vector_load %arg5[%get3A_843] {strides = array<i32>} : memref<64xi32, #tpu.memory_space<vmem>>, vector<16xi32>,
      tpu.vector_store_idx %arg8[%broadcast_in_dim3A_838, %get3A_844], %broadcast_in_dim3A_3 : memref<2x4096xf32, #tpu.memory_space<vmem>>[vector<16xi32>, vector<16xi32>], vector<16xf32>,
      %get3A_845 = arith.constant 48 : index
      %get3A_846 = tpu.vector_load %arg5[%get3A_845] {strides = array<i32>} : memref<64xi32, #tpu.memory_space<vmem>>, vector<16xi32>,
      tpu.vector_store_idx %arg8[%broadcast_in_dim3A_838, %get3A_846], %broadcast_in_dim3A_3 : memref<2x4096xf32, #tpu.memory_space<vmem>>[vector<16xi32>, vector<16xi32>], vector<16xf32>,
      %broadcast_in_dim3A_847 = arith.constant 1 : i32
      %broadcast_in_dim3A_848 = vector.broadcast %broadcast_in_dim3A_847 : i32 to vector<16xi32>
      %get3A_849 = arith.constant 0 : index
      %get3A_850 = tpu.vector_load %arg5[%get3A_849] {strides = array<i32>} : memref<64xi32, #tpu.memory_space<vmem>>, vector<16xi32>,
      tpu.vector_store_idx %arg8[%broadcast_in_dim3A_848, %get3A_850], %broadcast_in_dim3A_3 : memref<2x4096xf32, #tpu.memory_space<vmem>>[vector<16xi32>, vector<16xi32>], vector<16xf32>,
      %get3A_851 = arith.constant 16 : index
      %get3A_852 = tpu.vector_load %arg5[%get3A_851] {strides = array<i32>} : memref<64xi32, #tpu.memory_space<vmem>>, vector<16xi32>,
      tpu.vector_store_idx %arg8[%broadcast_in_dim3A_848, %get3A_852], %broadcast_in_dim3A_3 : memref<2x4096xf32, #tpu.memory_space<vmem>>[vector<16xi32>, vector<16xi32>], vector<16xf32>,
      %get3A_853 = arith.constant 32 : index
      %get3A_854 = tpu.vector_load %arg5[%get3A_853] {strides = array<i32>} : memref<64xi32, #tpu.memory_space<vmem>>, vector<16xi32>,
      tpu.vector_store_idx %arg8[%broadcast_in_dim3A_848, %get3A_854], %broadcast_in_dim3A_3 : memref<2x4096xf32, #tpu.memory_space<vmem>>[vector<16xi32>, vector<16xi32>], vector<16xf32>,
      %get3A_855 = arith.constant 48 : index
      %get3A_856 = tpu.vector_load %arg5[%get3A_855] {strides = array<i32>} : memref<64xi32, #tpu.memory_space<vmem>>, vector<16xi32>,
      tpu.vector_store_idx %arg8[%broadcast_in_dim3A_848, %get3A_856], %broadcast_in_dim3A_3 : memref<2x4096xf32, #tpu.memory_space<vmem>>[vector<16xi32>, vector<16xi32>], vector<16xf32>,
      %mul3A_857 = arith.constant 2 : i32
      %mul3A_858 = arith.muli %add3A_829, %mul3A_857 : i32
      %add3A_859 = arith.addi %mul3A_2, %mul3A_858 : i32
      %dma_start3A_860 = arith.constant 0 : i32
      %dma_start3A_861 = tpu.memref_slice %arg4[%add3A_859, %dma_start3A_860] : memref<16384x4096xf32, #tpu.memory_space<hbm>> -> memref<2x4096xf32, #tpu.memory_space<hbm>>
      %dma_start3A_862 = arith.constant 0 : i32
      %dma_start3A_863 = tpu.memref_slice %arg4[%add3A_859, %dma_start3A_862] : memref<16384x4096xf32, #tpu.memory_space<hbm>> -> memref<2x4096xf32, #tpu.memory_space<hbm>>
      tpu.enqueue_dma source(%arg8 : memref<2x4096xf32, #tpu.memory_space<vmem>>) target(%dma_start3A_863 : memref<2x4096xf32, #tpu.memory_space<hbm>>) target_semaphore(%arg24 : memref<!tpu.dma_semaphore, #tpu.memory_space<semaphore_mem>>)
      %sub3A_864 = arith.constant 1 : i32
      %sub3A_865 = arith.subi %add3A_829, %sub3A_864 : i32
      %mul3A_866 = arith.constant 2 : i32
      %mul3A_867 = arith.muli %sub3A_865, %mul3A_866 : i32
      %add3A_868 = arith.addi %mul3A_2, %mul3A_867 : i32
      %dma_wait3A_869 = arith.constant 0 : i32
      %dma_wait3A_870 = tpu.memref_slice %arg4[%add3A_868, %dma_wait3A_869] : memref<16384x4096xf32, #tpu.memory_space<hbm>> -> memref<2x4096xf32, #tpu.memory_space<hbm>>
      %dma_wait3A_871 = arith.constant 0 : i32
      %dma_wait3A_872 = tpu.memref_slice %arg4[%add3A_868, %dma_wait3A_871] : memref<16384x4096xf32, #tpu.memory_space<hbm>> -> memref<2x4096xf32, #tpu.memory_space<hbm>>
      tpu.wait_dma2 semaphore(%arg23 : memref<!tpu.dma_semaphore, #tpu.memory_space<semaphore_mem>>) src(%arg7 : memref<2x4096xf32, #tpu.memory_space<vmem>>) dst(%dma_wait3A_872 : memref<2x4096xf32, #tpu.memory_space<hbm>>)
      %add3A_873 = arith.constant 8 : i32
      %add3A_874 = arith.addi %add3A_829, %add3A_873 : i32
      %sub3A_875 = arith.constant 1 : i32
      %sub3A_876 = arith.subi %add3A_874, %sub3A_875 : i32
      %mul3A_877 = arith.constant 2 : i32
      %mul3A_878 = arith.muli %sub3A_876, %mul3A_877 : i32
      %add3A_879 = arith.addi %mul3A_2, %mul3A_878 : i32
      %dma_start3A_880 = arith.constant 0 : i32
      %dma_start3A_881 = tpu.memref_slice %arg2[%add3A_879, %dma_start3A_880] : memref<16384x4096xf32, #tpu.memory_space<hbm>> -> memref<2x4096xf32, #tpu.memory_space<hbm>>
      %dma_start3A_882 = arith.constant 0 : i32
      %dma_start3A_883 = tpu.memref_slice %arg2[%add3A_879, %dma_start3A_882] : memref<16384x4096xf32, #tpu.memory_space<hbm>> -> memref<2x4096xf32, #tpu.memory_space<hbm>>
      tpu.enqueue_dma source(%dma_start3A_883 : memref<2x4096xf32, #tpu.memory_space<hbm>>) target(%arg7 : memref<2x4096xf32, #tpu.memory_space<vmem>>) target_semaphore(%arg15 : memref<!tpu.dma_semaphore, #tpu.memory_space<semaphore_mem>>)
      %mul3A_884 = arith.constant 8 : i32
      %mul3A_885 = arith.muli %scan3A_710, %mul3A_884 : i32
      %add3A_886 = arith.constant 3 : i32
      %add3A_887 = arith.addi %mul3A_885, %add3A_886 : i32
      %mul3A_888 = arith.constant 2 : i32
      %mul3A_889 = arith.muli %add3A_887, %mul3A_888 : i32
      %add3A_890 = arith.addi %mul3A_2, %mul3A_889 : i32
      %dma_wait3A_891 = arith.constant 0 : i32
      %dma_wait3A_892 = tpu.memref_slice %arg2[%add3A_890, %dma_wait3A_891] : memref<16384x4096xf32, #tpu.memory_space<hbm>> -> memref<2x4096xf32, #tpu.memory_space<hbm>>
      %dma_wait3A_893 = arith.constant 0 : i32
      %dma_wait3A_894 = tpu.memref_slice %arg2[%add3A_890, %dma_wait3A_893] : memref<16384x4096xf32, #tpu.memory_space<hbm>> -> memref<2x4096xf32, #tpu.memory_space<hbm>>
      tpu.wait_dma2 semaphore(%arg17 : memref<!tpu.dma_semaphore, #tpu.memory_space<semaphore_mem>>) src(%dma_wait3A_894 : memref<2x4096xf32, #tpu.memory_space<hbm>>) dst(%arg9 : memref<2x4096xf32, #tpu.memory_space<vmem>>)
      %broadcast_in_dim3A_895 = arith.constant 0 : i32
      %broadcast_in_dim3A_896 = vector.broadcast %broadcast_in_dim3A_895 : i32 to vector<16xi32>
      %get3A_897 = arith.constant 0 : index
      %get3A_898 = tpu.vector_load %arg5[%get3A_897] {strides = array<i32>} : memref<64xi32, #tpu.memory_space<vmem>>, vector<16xi32>,
      tpu.vector_store_idx %arg9[%broadcast_in_dim3A_896, %get3A_898], %broadcast_in_dim3A_3 : memref<2x4096xf32, #tpu.memory_space<vmem>>[vector<16xi32>, vector<16xi32>], vector<16xf32>,
      %get3A_899 = arith.constant 16 : index
      %get3A_900 = tpu.vector_load %arg5[%get3A_899] {strides = array<i32>} : memref<64xi32, #tpu.memory_space<vmem>>, vector<16xi32>,
      tpu.vector_store_idx %arg9[%broadcast_in_dim3A_896, %get3A_900], %broadcast_in_dim3A_3 : memref<2x4096xf32, #tpu.memory_space<vmem>>[vector<16xi32>, vector<16xi32>], vector<16xf32>,
      %get3A_901 = arith.constant 32 : index
      %get3A_902 = tpu.vector_load %arg5[%get3A_901] {strides = array<i32>} : memref<64xi32, #tpu.memory_space<vmem>>, vector<16xi32>,
      tpu.vector_store_idx %arg9[%broadcast_in_dim3A_896, %get3A_902], %broadcast_in_dim3A_3 : memref<2x4096xf32, #tpu.memory_space<vmem>>[vector<16xi32>, vector<16xi32>], vector<16xf32>,
      %get3A_903 = arith.constant 48 : index
      %get3A_904 = tpu.vector_load %arg5[%get3A_903] {strides = array<i32>} : memref<64xi32, #tpu.memory_space<vmem>>, vector<16xi32>,
      tpu.vector_store_idx %arg9[%broadcast_in_dim3A_896, %get3A_904], %broadcast_in_dim3A_3 : memref<2x4096xf32, #tpu.memory_space<vmem>>[vector<16xi32>, vector<16xi32>], vector<16xf32>,
      %broadcast_in_dim3A_905 = arith.constant 1 : i32
      %broadcast_in_dim3A_906 = vector.broadcast %broadcast_in_dim3A_905 : i32 to vector<16xi32>
      %get3A_907 = arith.constant 0 : index
      %get3A_908 = tpu.vector_load %arg5[%get3A_907] {strides = array<i32>} : memref<64xi32, #tpu.memory_space<vmem>>, vector<16xi32>,
      tpu.vector_store_idx %arg9[%broadcast_in_dim3A_906, %get3A_908], %broadcast_in_dim3A_3 : memref<2x4096xf32, #tpu.memory_space<vmem>>[vector<16xi32>, vector<16xi32>], vector<16xf32>,
      %get3A_909 = arith.constant 16 : index
      %get3A_910 = tpu.vector_load %arg5[%get3A_909] {strides = array<i32>} : memref<64xi32, #tpu.memory_space<vmem>>, vector<16xi32>,
      tpu.vector_store_idx %arg9[%broadcast_in_dim3A_906, %get3A_910], %broadcast_in_dim3A_3 : memref<2x4096xf32, #tpu.memory_space<vmem>>[vector<16xi32>, vector<16xi32>], vector<16xf32>,
      %get3A_911 = arith.constant 32 : index
      %get3A_912 = tpu.vector_load %arg5[%get3A_911] {strides = array<i32>} : memref<64xi32, #tpu.memory_space<vmem>>, vector<16xi32>,
      tpu.vector_store_idx %arg9[%broadcast_in_dim3A_906, %get3A_912], %broadcast_in_dim3A_3 : memref<2x4096xf32, #tpu.memory_space<vmem>>[vector<16xi32>, vector<16xi32>], vector<16xf32>,
      %get3A_913 = arith.constant 48 : index
      %get3A_914 = tpu.vector_load %arg5[%get3A_913] {strides = array<i32>} : memref<64xi32, #tpu.memory_space<vmem>>, vector<16xi32>,
      tpu.vector_store_idx %arg9[%broadcast_in_dim3A_906, %get3A_914], %broadcast_in_dim3A_3 : memref<2x4096xf32, #tpu.memory_space<vmem>>[vector<16xi32>, vector<16xi32>], vector<16xf32>,
      %mul3A_915 = arith.constant 2 : i32
      %mul3A_916 = arith.muli %add3A_887, %mul3A_915 : i32
      %add3A_917 = arith.addi %mul3A_2, %mul3A_916 : i32
      %dma_start3A_918 = arith.constant 0 : i32
      %dma_start3A_919 = tpu.memref_slice %arg4[%add3A_917, %dma_start3A_918] : memref<16384x4096xf32, #tpu.memory_space<hbm>> -> memref<2x4096xf32, #tpu.memory_space<hbm>>
      %dma_start3A_920 = arith.constant 0 : i32
      %dma_start3A_921 = tpu.memref_slice %arg4[%add3A_917, %dma_start3A_920] : memref<16384x4096xf32, #tpu.memory_space<hbm>> -> memref<2x4096xf32, #tpu.memory_space<hbm>>
      tpu.enqueue_dma source(%arg9 : memref<2x4096xf32, #tpu.memory_space<vmem>>) target(%dma_start3A_921 : memref<2x4096xf32, #tpu.memory_space<hbm>>) target_semaphore(%arg25 : memref<!tpu.dma_semaphore, #tpu.memory_space<semaphore_mem>>)
      %sub3A_922 = arith.constant 1 : i32
      %sub3A_923 = arith.subi %add3A_887, %sub3A_922 : i32
      %mul3A_924 = arith.constant 2 : i32
      %mul3A_925 = arith.muli %sub3A_923, %mul3A_924 : i32
      %add3A_926 = arith.addi %mul3A_2, %mul3A_925 : i32
      %dma_wait3A_927 = arith.constant 0 : i32
      %dma_wait3A_928 = tpu.memref_slice %arg4[%add3A_926, %dma_wait3A_927] : memref<16384x4096xf32, #tpu.memory_space<hbm>> -> memref<2x4096xf32, #tpu.memory_space<hbm>>
      %dma_wait3A_929 = arith.constant 0 : i32
      %dma_wait3A_930 = tpu.memref_slice %arg4[%add3A_926, %dma_wait3A_929] : memref<16384x4096xf32, #tpu.memory_space<hbm>> -> memref<2x4096xf32, #tpu.memory_space<hbm>>
      tpu.wait_dma2 semaphore(%arg24 : memref<!tpu.dma_semaphore, #tpu.memory_space<semaphore_mem>>) src(%arg8 : memref<2x4096xf32, #tpu.memory_space<vmem>>) dst(%dma_wait3A_930 : memref<2x4096xf32, #tpu.memory_space<hbm>>)
      %add3A_931 = arith.constant 8 : i32
      %add3A_932 = arith.addi %add3A_887, %add3A_931 : i32
      %sub3A_933 = arith.constant 1 : i32
      %sub3A_934 = arith.subi %add3A_932, %sub3A_933 : i32
      %mul3A_935 = arith.constant 2 : i32
      %mul3A_936 = arith.muli %sub3A_934, %mul3A_935 : i32
      %add3A_937 = arith.addi %mul3A_2, %mul3A_936 : i32
      %dma_start3A_938 = arith.constant 0 : i32
      %dma_start3A_939 = tpu.memref_slice %arg2[%add3A_937, %dma_start3A_938] : memref<16384x4096xf32, #tpu.memory_space<hbm>> -> memref<2x4096xf32, #tpu.memory_space<hbm>>
      %dma_start3A_940 = arith.constant 0 : i32
      %dma_start3A_941 = tpu.memref_slice %arg2[%add3A_937, %dma_start3A_940] : memref<16384x4096xf32, #tpu.memory_space<hbm>> -> memref<2x4096xf32, #tpu.memory_space<hbm>>
      tpu.enqueue_dma source(%dma_start3A_941 : memref<2x4096xf32, #tpu.memory_space<hbm>>) target(%arg8 : memref<2x4096xf32, #tpu.memory_space<vmem>>) target_semaphore(%arg16 : memref<!tpu.dma_semaphore, #tpu.memory_space<semaphore_mem>>)
      %mul3A_942 = arith.constant 8 : i32
      %mul3A_943 = arith.muli %scan3A_710, %mul3A_942 : i32
      %add3A_944 = arith.constant 4 : i32
      %add3A_945 = arith.addi %mul3A_943, %add3A_944 : i32
      %mul3A_946 = arith.constant 2 : i32
      %mul3A_947 = arith.muli %add3A_945, %mul3A_946 : i32
      %add3A_948 = arith.addi %mul3A_2, %mul3A_947 : i32
      %dma_wait3A_949 = arith.constant 0 : i32
      %dma_wait3A_950 = tpu.memref_slice %arg2[%add3A_948, %dma_wait3A_949] : memref<16384x4096xf32, #tpu.memory_space<hbm>> -> memref<2x4096xf32, #tpu.memory_space<hbm>>
      %dma_wait3A_951 = arith.constant 0 : i32
      %dma_wait3A_952 = tpu.memref_slice %arg2[%add3A_948, %dma_wait3A_951] : memref<16384x4096xf32, #tpu.memory_space<hbm>> -> memref<2x4096xf32, #tpu.memory_space<hbm>>
      tpu.wait_dma2 semaphore(%arg18 : memref<!tpu.dma_semaphore, #tpu.memory_space<semaphore_mem>>) src(%dma_wait3A_952 : memref<2x4096xf32, #tpu.memory_space<hbm>>) dst(%arg10 : memref<2x4096xf32, #tpu.memory_space<vmem>>)
      %broadcast_in_dim3A_953 = arith.constant 0 : i32
      %broadcast_in_dim3A_954 = vector.broadcast %broadcast_in_dim3A_953 : i32 to vector<16xi32>
      %get3A_955 = arith.constant 0 : index
      %get3A_956 = tpu.vector_load %arg5[%get3A_955] {strides = array<i32>} : memref<64xi32, #tpu.memory_space<vmem>>, vector<16xi32>,
      tpu.vector_store_idx %arg10[%broadcast_in_dim3A_954, %get3A_956], %broadcast_in_dim3A_3 : memref<2x4096xf32, #tpu.memory_space<vmem>>[vector<16xi32>, vector<16xi32>], vector<16xf32>,
      %get3A_957 = arith.constant 16 : index
      %get3A_958 = tpu.vector_load %arg5[%get3A_957] {strides = array<i32>} : memref<64xi32, #tpu.memory_space<vmem>>, vector<16xi32>,
      tpu.vector_store_idx %arg10[%broadcast_in_dim3A_954, %get3A_958], %broadcast_in_dim3A_3 : memref<2x4096xf32, #tpu.memory_space<vmem>>[vector<16xi32>, vector<16xi32>], vector<16xf32>,
      %get3A_959 = arith.constant 32 : index
      %get3A_960 = tpu.vector_load %arg5[%get3A_959] {strides = array<i32>} : memref<64xi32, #tpu.memory_space<vmem>>, vector<16xi32>,
      tpu.vector_store_idx %arg10[%broadcast_in_dim3A_954, %get3A_960], %broadcast_in_dim3A_3 : memref<2x4096xf32, #tpu.memory_space<vmem>>[vector<16xi32>, vector<16xi32>], vector<16xf32>,
      %get3A_961 = arith.constant 48 : index
      %get3A_962 = tpu.vector_load %arg5[%get3A_961] {strides = array<i32>} : memref<64xi32, #tpu.memory_space<vmem>>, vector<16xi32>,
      tpu.vector_store_idx %arg10[%broadcast_in_dim3A_954, %get3A_962], %broadcast_in_dim3A_3 : memref<2x4096xf32, #tpu.memory_space<vmem>>[vector<16xi32>, vector<16xi32>], vector<16xf32>,
      %broadcast_in_dim3A_963 = arith.constant 1 : i32
      %broadcast_in_dim3A_964 = vector.broadcast %broadcast_in_dim3A_963 : i32 to vector<16xi32>
      %get3A_965 = arith.constant 0 : index
      %get3A_966 = tpu.vector_load %arg5[%get3A_965] {strides = array<i32>} : memref<64xi32, #tpu.memory_space<vmem>>, vector<16xi32>,
      tpu.vector_store_idx %arg10[%broadcast_in_dim3A_964, %get3A_966], %broadcast_in_dim3A_3 : memref<2x4096xf32, #tpu.memory_space<vmem>>[vector<16xi32>, vector<16xi32>], vector<16xf32>,
      %get3A_967 = arith.constant 16 : index
      %get3A_968 = tpu.vector_load %arg5[%get3A_967] {strides = array<i32>} : memref<64xi32, #tpu.memory_space<vmem>>, vector<16xi32>,
      tpu.vector_store_idx %arg10[%broadcast_in_dim3A_964, %get3A_968], %broadcast_in_dim3A_3 : memref<2x4096xf32, #tpu.memory_space<vmem>>[vector<16xi32>, vector<16xi32>], vector<16xf32>,
      %get3A_969 = arith.constant 32 : index
      %get3A_970 = tpu.vector_load %arg5[%get3A_969] {strides = array<i32>} : memref<64xi32, #tpu.memory_space<vmem>>, vector<16xi32>,
      tpu.vector_store_idx %arg10[%broadcast_in_dim3A_964, %get3A_970], %broadcast_in_dim3A_3 : memref<2x4096xf32, #tpu.memory_space<vmem>>[vector<16xi32>, vector<16xi32>], vector<16xf32>,
      %get3A_971 = arith.constant 48 : index
      %get3A_972 = tpu.vector_load %arg5[%get3A_971] {strides = array<i32>} : memref<64xi32, #tpu.memory_space<vmem>>, vector<16xi32>,
      tpu.vector_store_idx %arg10[%broadcast_in_dim3A_964, %get3A_972], %broadcast_in_dim3A_3 : memref<2x4096xf32, #tpu.memory_space<vmem>>[vector<16xi32>, vector<16xi32>], vector<16xf32>,
      %mul3A_973 = arith.constant 2 : i32
      %mul3A_974 = arith.muli %add3A_945, %mul3A_973 : i32
      %add3A_975 = arith.addi %mul3A_2, %mul3A_974 : i32
      %dma_start3A_976 = arith.constant 0 : i32
      %dma_start3A_977 = tpu.memref_slice %arg4[%add3A_975, %dma_start3A_976] : memref<16384x4096xf32, #tpu.memory_space<hbm>> -> memref<2x4096xf32, #tpu.memory_space<hbm>>
      %dma_start3A_978 = arith.constant 0 : i32
      %dma_start3A_979 = tpu.memref_slice %arg4[%add3A_975, %dma_start3A_978] : memref<16384x4096xf32, #tpu.memory_space<hbm>> -> memref<2x4096xf32, #tpu.memory_space<hbm>>
      tpu.enqueue_dma source(%arg10 : memref<2x4096xf32, #tpu.memory_space<vmem>>) target(%dma_start3A_979 : memref<2x4096xf32, #tpu.memory_space<hbm>>) target_semaphore(%arg26 : memref<!tpu.dma_semaphore, #tpu.memory_space<semaphore_mem>>)
      %sub3A_980 = arith.constant 1 : i32
      %sub3A_981 = arith.subi %add3A_945, %sub3A_980 : i32
      %mul3A_982 = arith.constant 2 : i32
      %mul3A_983 = arith.muli %sub3A_981, %mul3A_982 : i32
      %add3A_984 = arith.addi %mul3A_2, %mul3A_983 : i32
      %dma_wait3A_985 = arith.constant 0 : i32
      %dma_wait3A_986 = tpu.memref_slice %arg4[%add3A_984, %dma_wait3A_985] : memref<16384x4096xf32, #tpu.memory_space<hbm>> -> memref<2x4096xf32, #tpu.memory_space<hbm>>
      %dma_wait3A_987 = arith.constant 0 : i32
      %dma_wait3A_988 = tpu.memref_slice %arg4[%add3A_984, %dma_wait3A_987] : memref<16384x4096xf32, #tpu.memory_space<hbm>> -> memref<2x4096xf32, #tpu.memory_space<hbm>>
      tpu.wait_dma2 semaphore(%arg25 : memref<!tpu.dma_semaphore, #tpu.memory_space<semaphore_mem>>) src(%arg9 : memref<2x4096xf32, #tpu.memory_space<vmem>>) dst(%dma_wait3A_988 : memref<2x4096xf32, #tpu.memory_space<hbm>>)
      %add3A_989 = arith.constant 8 : i32
      %add3A_990 = arith.addi %add3A_945, %add3A_989 : i32
      %sub3A_991 = arith.constant 1 : i32
      %sub3A_992 = arith.subi %add3A_990, %sub3A_991 : i32
      %mul3A_993 = arith.constant 2 : i32
      %mul3A_994 = arith.muli %sub3A_992, %mul3A_993 : i32
      %add3A_995 = arith.addi %mul3A_2, %mul3A_994 : i32
      %dma_start3A_996 = arith.constant 0 : i32
      %dma_start3A_997 = tpu.memref_slice %arg2[%add3A_995, %dma_start3A_996] : memref<16384x4096xf32, #tpu.memory_space<hbm>> -> memref<2x4096xf32, #tpu.memory_space<hbm>>
      %dma_start3A_998 = arith.constant 0 : i32
      %dma_start3A_999 = tpu.memref_slice %arg2[%add3A_995, %dma_start3A_998] : memref<16384x4096xf32, #tpu.memory_space<hbm>> -> memref<2x4096xf32, #tpu.memory_space<hbm>>
      tpu.enqueue_dma source(%dma_start3A_999 : memref<2x4096xf32, #tpu.memory_space<hbm>>) target(%arg9 : memref<2x4096xf32, #tpu.memory_space<vmem>>) target_semaphore(%arg17 : memref<!tpu.dma_semaphore, #tpu.memory_space<semaphore_mem>>)
      %mul3A_1000 = arith.constant 8 : i32
      %mul3A_1001 = arith.muli %scan3A_710, %mul3A_1000 : i32
      %add3A_1002 = arith.constant 5 : i32
      %add3A_1003 = arith.addi %mul3A_1001, %add3A_1002 : i32
      %mul3A_1004 = arith.constant 2 : i32
      %mul3A_1005 = arith.muli %add3A_1003, %mul3A_1004 : i32
      %add3A_1006 = arith.addi %mul3A_2, %mul3A_1005 : i32
      %dma_wait3A_1007 = arith.constant 0 : i32
      %dma_wait3A_1008 = tpu.memref_slice %arg2[%add3A_1006, %dma_wait3A_1007] : memref<16384x4096xf32, #tpu.memory_space<hbm>> -> memref<2x4096xf32, #tpu.memory_space<hbm>>
      %dma_wait3A_1009 = arith.constant 0 : i32
      %dma_wait3A_1010 = tpu.memref_slice %arg2[%add3A_1006, %dma_wait3A_1009] : memref<16384x4096xf32, #tpu.memory_space<hbm>> -> memref<2x4096xf32, #tpu.memory_space<hbm>>
      tpu.wait_dma2 semaphore(%arg19 : memref<!tpu.dma_semaphore, #tpu.memory_space<semaphore_mem>>) src(%dma_wait3A_1010 : memref<2x4096xf32, #tpu.memory_space<hbm>>) dst(%arg11 : memref<2x4096xf32, #tpu.memory_space<vmem>>)
      %broadcast_in_dim3A_1011 = arith.constant 0 : i32
      %broadcast_in_dim3A_1012 = vector.broadcast %broadcast_in_dim3A_1011 : i32 to vector<16xi32>
      %get3A_1013 = arith.constant 0 : index
      %get3A_1014 = tpu.vector_load %arg5[%get3A_1013] {strides = array<i32>} : memref<64xi32, #tpu.memory_space<vmem>>, vector<16xi32>,
      tpu.vector_store_idx %arg11[%broadcast_in_dim3A_1012, %get3A_1014], %broadcast_in_dim3A_3 : memref<2x4096xf32, #tpu.memory_space<vmem>>[vector<16xi32>, vector<16xi32>], vector<16xf32>,
      %get3A_1015 = arith.constant 16 : index
      %get3A_1016 = tpu.vector_load %arg5[%get3A_1015] {strides = array<i32>} : memref<64xi32, #tpu.memory_space<vmem>>, vector<16xi32>,
      tpu.vector_store_idx %arg11[%broadcast_in_dim3A_1012, %get3A_1016], %broadcast_in_dim3A_3 : memref<2x4096xf32, #tpu.memory_space<vmem>>[vector<16xi32>, vector<16xi32>], vector<16xf32>,
      %get3A_1017 = arith.constant 32 : index
      %get3A_1018 = tpu.vector_load %arg5[%get3A_1017] {strides = array<i32>} : memref<64xi32, #tpu.memory_space<vmem>>, vector<16xi32>,
      tpu.vector_store_idx %arg11[%broadcast_in_dim3A_1012, %get3A_1018], %broadcast_in_dim3A_3 : memref<2x4096xf32, #tpu.memory_space<vmem>>[vector<16xi32>, vector<16xi32>], vector<16xf32>,
      %get3A_1019 = arith.constant 48 : index
      %get3A_1020 = tpu.vector_load %arg5[%get3A_1019] {strides = array<i32>} : memref<64xi32, #tpu.memory_space<vmem>>, vector<16xi32>,
      tpu.vector_store_idx %arg11[%broadcast_in_dim3A_1012, %get3A_1020], %broadcast_in_dim3A_3 : memref<2x4096xf32, #tpu.memory_space<vmem>>[vector<16xi32>, vector<16xi32>], vector<16xf32>,
      %broadcast_in_dim3A_1021 = arith.constant 1 : i32
      %broadcast_in_dim3A_1022 = vector.broadcast %broadcast_in_dim3A_1021 : i32 to vector<16xi32>
      %get3A_1023 = arith.constant 0 : index
      %get3A_1024 = tpu.vector_load %arg5[%get3A_1023] {strides = array<i32>} : memref<64xi32, #tpu.memory_space<vmem>>, vector<16xi32>,
      tpu.vector_store_idx %arg11[%broadcast_in_dim3A_1022, %get3A_1024], %broadcast_in_dim3A_3 : memref<2x4096xf32, #tpu.memory_space<vmem>>[vector<16xi32>, vector<16xi32>], vector<16xf32>,
      %get3A_1025 = arith.constant 16 : index
      %get3A_1026 = tpu.vector_load %arg5[%get3A_1025] {strides = array<i32>} : memref<64xi32, #tpu.memory_space<vmem>>, vector<16xi32>,
      tpu.vector_store_idx %arg11[%broadcast_in_dim3A_1022, %get3A_1026], %broadcast_in_dim3A_3 : memref<2x4096xf32, #tpu.memory_space<vmem>>[vector<16xi32>, vector<16xi32>], vector<16xf32>,
      %get3A_1027 = arith.constant 32 : index
      %get3A_1028 = tpu.vector_load %arg5[%get3A_1027] {strides = array<i32>} : memref<64xi32, #tpu.memory_space<vmem>>, vector<16xi32>,
      tpu.vector_store_idx %arg11[%broadcast_in_dim3A_1022, %get3A_1028], %broadcast_in_dim3A_3 : memref<2x4096xf32, #tpu.memory_space<vmem>>[vector<16xi32>, vector<16xi32>], vector<16xf32>,
      %get3A_1029 = arith.constant 48 : index
      %get3A_1030 = tpu.vector_load %arg5[%get3A_1029] {strides = array<i32>} : memref<64xi32, #tpu.memory_space<vmem>>, vector<16xi32>,
      tpu.vector_store_idx %arg11[%broadcast_in_dim3A_1022, %get3A_1030], %broadcast_in_dim3A_3 : memref<2x4096xf32, #tpu.memory_space<vmem>>[vector<16xi32>, vector<16xi32>], vector<16xf32>,
      %mul3A_1031 = arith.constant 2 : i32
      %mul3A_1032 = arith.muli %add3A_1003, %mul3A_1031 : i32
      %add3A_1033 = arith.addi %mul3A_2, %mul3A_1032 : i32
      %dma_start3A_1034 = arith.constant 0 : i32
      %dma_start3A_1035 = tpu.memref_slice %arg4[%add3A_1033, %dma_start3A_1034] : memref<16384x4096xf32, #tpu.memory_space<hbm>> -> memref<2x4096xf32, #tpu.memory_space<hbm>>
      %dma_start3A_1036 = arith.constant 0 : i32
      %dma_start3A_1037 = tpu.memref_slice %arg4[%add3A_1033, %dma_start3A_1036] : memref<16384x4096xf32, #tpu.memory_space<hbm>> -> memref<2x4096xf32, #tpu.memory_space<hbm>>
      tpu.enqueue_dma source(%arg11 : memref<2x4096xf32, #tpu.memory_space<vmem>>) target(%dma_start3A_1037 : memref<2x4096xf32, #tpu.memory_space<hbm>>) target_semaphore(%arg27 : memref<!tpu.dma_semaphore, #tpu.memory_space<semaphore_mem>>)
      %sub3A_1038 = arith.constant 1 : i32
      %sub3A_1039 = arith.subi %add3A_1003, %sub3A_1038 : i32
      %mul3A_1040 = arith.constant 2 : i32
      %mul3A_1041 = arith.muli %sub3A_1039, %mul3A_1040 : i32
      %add3A_1042 = arith.addi %mul3A_2, %mul3A_1041 : i32
      %dma_wait3A_1043 = arith.constant 0 : i32
      %dma_wait3A_1044 = tpu.memref_slice %arg4[%add3A_1042, %dma_wait3A_1043] : memref<16384x4096xf32, #tpu.memory_space<hbm>> -> memref<2x4096xf32, #tpu.memory_space<hbm>>
      %dma_wait3A_1045 = arith.constant 0 : i32
      %dma_wait3A_1046 = tpu.memref_slice %arg4[%add3A_1042, %dma_wait3A_1045] : memref<16384x4096xf32, #tpu.memory_space<hbm>> -> memref<2x4096xf32, #tpu.memory_space<hbm>>
      tpu.wait_dma2 semaphore(%arg26 : memref<!tpu.dma_semaphore, #tpu.memory_space<semaphore_mem>>) src(%arg10 : memref<2x4096xf32, #tpu.memory_space<vmem>>) dst(%dma_wait3A_1046 : memref<2x4096xf32, #tpu.memory_space<hbm>>)
      %add3A_1047 = arith.constant 8 : i32
      %add3A_1048 = arith.addi %add3A_1003, %add3A_1047 : i32
      %sub3A_1049 = arith.constant 1 : i32
      %sub3A_1050 = arith.subi %add3A_1048, %sub3A_1049 : i32
      %mul3A_1051 = arith.constant 2 : i32
      %mul3A_1052 = arith.muli %sub3A_1050, %mul3A_1051 : i32
      %add3A_1053 = arith.addi %mul3A_2, %mul3A_1052 : i32
      %dma_start3A_1054 = arith.constant 0 : i32
      %dma_start3A_1055 = tpu.memref_slice %arg2[%add3A_1053, %dma_start3A_1054] : memref<16384x4096xf32, #tpu.memory_space<hbm>> -> memref<2x4096xf32, #tpu.memory_space<hbm>>
      %dma_start3A_1056 = arith.constant 0 : i32
      %dma_start3A_1057 = tpu.memref_slice %arg2[%add3A_1053, %dma_start3A_1056] : memref<16384x4096xf32, #tpu.memory_space<hbm>> -> memref<2x4096xf32, #tpu.memory_space<hbm>>
      tpu.enqueue_dma source(%dma_start3A_1057 : memref<2x4096xf32, #tpu.memory_space<hbm>>) target(%arg10 : memref<2x4096xf32, #tpu.memory_space<vmem>>) target_semaphore(%arg18 : memref<!tpu.dma_semaphore, #tpu.memory_space<semaphore_mem>>)
      %mul3A_1058 = arith.constant 8 : i32
      %mul3A_1059 = arith.muli %scan3A_710, %mul3A_1058 : i32
      %add3A_1060 = arith.constant 6 : i32
      %add3A_1061 = arith.addi %mul3A_1059, %add3A_1060 : i32
      %mul3A_1062 = arith.constant 2 : i32
      %mul3A_1063 = arith.muli %add3A_1061, %mul3A_1062 : i32
      %add3A_1064 = arith.addi %mul3A_2, %mul3A_1063 : i32
      %dma_wait3A_1065 = arith.constant 0 : i32
      %dma_wait3A_1066 = tpu.memref_slice %arg2[%add3A_1064, %dma_wait3A_1065] : memref<16384x4096xf32, #tpu.memory_space<hbm>> -> memref<2x4096xf32, #tpu.memory_space<hbm>>
      %dma_wait3A_1067 = arith.constant 0 : i32
      %dma_wait3A_1068 = tpu.memref_slice %arg2[%add3A_1064, %dma_wait3A_1067] : memref<16384x4096xf32, #tpu.memory_space<hbm>> -> memref<2x4096xf32, #tpu.memory_space<hbm>>
      tpu.wait_dma2 semaphore(%arg20 : memref<!tpu.dma_semaphore, #tpu.memory_space<semaphore_mem>>) src(%dma_wait3A_1068 : memref<2x4096xf32, #tpu.memory_space<hbm>>) dst(%arg12 : memref<2x4096xf32, #tpu.memory_space<vmem>>)
      %broadcast_in_dim3A_1069 = arith.constant 0 : i32
      %broadcast_in_dim3A_1070 = vector.broadcast %broadcast_in_dim3A_1069 : i32 to vector<16xi32>
      %get3A_1071 = arith.constant 0 : index
      %get3A_1072 = tpu.vector_load %arg5[%get3A_1071] {strides = array<i32>} : memref<64xi32, #tpu.memory_space<vmem>>, vector<16xi32>,
      tpu.vector_store_idx %arg12[%broadcast_in_dim3A_1070, %get3A_1072], %broadcast_in_dim3A_3 : memref<2x4096xf32, #tpu.memory_space<vmem>>[vector<16xi32>, vector<16xi32>], vector<16xf32>,
      %get3A_1073 = arith.constant 16 : index
      %get3A_1074 = tpu.vector_load %arg5[%get3A_1073] {strides = array<i32>} : memref<64xi32, #tpu.memory_space<vmem>>, vector<16xi32>,
      tpu.vector_store_idx %arg12[%broadcast_in_dim3A_1070, %get3A_1074], %broadcast_in_dim3A_3 : memref<2x4096xf32, #tpu.memory_space<vmem>>[vector<16xi32>, vector<16xi32>], vector<16xf32>,
      %get3A_1075 = arith.constant 32 : index
      %get3A_1076 = tpu.vector_load %arg5[%get3A_1075] {strides = array<i32>} : memref<64xi32, #tpu.memory_space<vmem>>, vector<16xi32>,
      tpu.vector_store_idx %arg12[%broadcast_in_dim3A_1070, %get3A_1076], %broadcast_in_dim3A_3 : memref<2x4096xf32, #tpu.memory_space<vmem>>[vector<16xi32>, vector<16xi32>], vector<16xf32>,
      %get3A_1077 = arith.constant 48 : index
      %get3A_1078 = tpu.vector_load %arg5[%get3A_1077] {strides = array<i32>} : memref<64xi32, #tpu.memory_space<vmem>>, vector<16xi32>,
      tpu.vector_store_idx %arg12[%broadcast_in_dim3A_1070, %get3A_1078], %broadcast_in_dim3A_3 : memref<2x4096xf32, #tpu.memory_space<vmem>>[vector<16xi32>, vector<16xi32>], vector<16xf32>,
      %broadcast_in_dim3A_1079 = arith.constant 1 : i32
      %broadcast_in_dim3A_1080 = vector.broadcast %broadcast_in_dim3A_1079 : i32 to vector<16xi32>
      %get3A_1081 = arith.constant 0 : index
      %get3A_1082 = tpu.vector_load %arg5[%get3A_1081] {strides = array<i32>} : memref<64xi32, #tpu.memory_space<vmem>>, vector<16xi32>,
      tpu.vector_store_idx %arg12[%broadcast_in_dim3A_1080, %get3A_1082], %broadcast_in_dim3A_3 : memref<2x4096xf32, #tpu.memory_space<vmem>>[vector<16xi32>, vector<16xi32>], vector<16xf32>,
      %get3A_1083 = arith.constant 16 : index
      %get3A_1084 = tpu.vector_load %arg5[%get3A_1083] {strides = array<i32>} : memref<64xi32, #tpu.memory_space<vmem>>, vector<16xi32>,
      tpu.vector_store_idx %arg12[%broadcast_in_dim3A_1080, %get3A_1084], %broadcast_in_dim3A_3 : memref<2x4096xf32, #tpu.memory_space<vmem>>[vector<16xi32>, vector<16xi32>], vector<16xf32>,
      %get3A_1085 = arith.constant 32 : index
      %get3A_1086 = tpu.vector_load %arg5[%get3A_1085] {strides = array<i32>} : memref<64xi32, #tpu.memory_space<vmem>>, vector<16xi32>,
      tpu.vector_store_idx %arg12[%broadcast_in_dim3A_1080, %get3A_1086], %broadcast_in_dim3A_3 : memref<2x4096xf32, #tpu.memory_space<vmem>>[vector<16xi32>, vector<16xi32>], vector<16xf32>,
      %get3A_1087 = arith.constant 48 : index
      %get3A_1088 = tpu.vector_load %arg5[%get3A_1087] {strides = array<i32>} : memref<64xi32, #tpu.memory_space<vmem>>, vector<16xi32>,
      tpu.vector_store_idx %arg12[%broadcast_in_dim3A_1080, %get3A_1088], %broadcast_in_dim3A_3 : memref<2x4096xf32, #tpu.memory_space<vmem>>[vector<16xi32>, vector<16xi32>], vector<16xf32>,
      %mul3A_1089 = arith.constant 2 : i32
      %mul3A_1090 = arith.muli %add3A_1061, %mul3A_1089 : i32
      %add3A_1091 = arith.addi %mul3A_2, %mul3A_1090 : i32
      %dma_start3A_1092 = arith.constant 0 : i32
      %dma_start3A_1093 = tpu.memref_slice %arg4[%add3A_1091, %dma_start3A_1092] : memref<16384x4096xf32, #tpu.memory_space<hbm>> -> memref<2x4096xf32, #tpu.memory_space<hbm>>
      %dma_start3A_1094 = arith.constant 0 : i32
      %dma_start3A_1095 = tpu.memref_slice %arg4[%add3A_1091, %dma_start3A_1094] : memref<16384x4096xf32, #tpu.memory_space<hbm>> -> memref<2x4096xf32, #tpu.memory_space<hbm>>
      tpu.enqueue_dma source(%arg12 : memref<2x4096xf32, #tpu.memory_space<vmem>>) target(%dma_start3A_1095 : memref<2x4096xf32, #tpu.memory_space<hbm>>) target_semaphore(%arg28 : memref<!tpu.dma_semaphore, #tpu.memory_space<semaphore_mem>>)
      %sub3A_1096 = arith.constant 1 : i32
      %sub3A_1097 = arith.subi %add3A_1061, %sub3A_1096 : i32
      %mul3A_1098 = arith.constant 2 : i32
      %mul3A_1099 = arith.muli %sub3A_1097, %mul3A_1098 : i32
      %add3A_1100 = arith.addi %mul3A_2, %mul3A_1099 : i32
      %dma_wait3A_1101 = arith.constant 0 : i32
      %dma_wait3A_1102 = tpu.memref_slice %arg4[%add3A_1100, %dma_wait3A_1101] : memref<16384x4096xf32, #tpu.memory_space<hbm>> -> memref<2x4096xf32, #tpu.memory_space<hbm>>
      %dma_wait3A_1103 = arith.constant 0 : i32
      %dma_wait3A_1104 = tpu.memref_slice %arg4[%add3A_1100, %dma_wait3A_1103] : memref<16384x4096xf32, #tpu.memory_space<hbm>> -> memref<2x4096xf32, #tpu.memory_space<hbm>>
      tpu.wait_dma2 semaphore(%arg27 : memref<!tpu.dma_semaphore, #tpu.memory_space<semaphore_mem>>) src(%arg11 : memref<2x4096xf32, #tpu.memory_space<vmem>>) dst(%dma_wait3A_1104 : memref<2x4096xf32, #tpu.memory_space<hbm>>)
      %add3A_1105 = arith.constant 8 : i32
      %add3A_1106 = arith.addi %add3A_1061, %add3A_1105 : i32
      %sub3A_1107 = arith.constant 1 : i32
      %sub3A_1108 = arith.subi %add3A_1106, %sub3A_1107 : i32
      %mul3A_1109 = arith.constant 2 : i32
      %mul3A_1110 = arith.muli %sub3A_1108, %mul3A_1109 : i32
      %add3A_1111 = arith.addi %mul3A_2, %mul3A_1110 : i32
      %dma_start3A_1112 = arith.constant 0 : i32
      %dma_start3A_1113 = tpu.memref_slice %arg2[%add3A_1111, %dma_start3A_1112] : memref<16384x4096xf32, #tpu.memory_space<hbm>> -> memref<2x4096xf32, #tpu.memory_space<hbm>>
      %dma_start3A_1114 = arith.constant 0 : i32
      %dma_start3A_1115 = tpu.memref_slice %arg2[%add3A_1111, %dma_start3A_1114] : memref<16384x4096xf32, #tpu.memory_space<hbm>> -> memref<2x4096xf32, #tpu.memory_space<hbm>>
      tpu.enqueue_dma source(%dma_start3A_1115 : memref<2x4096xf32, #tpu.memory_space<hbm>>) target(%arg11 : memref<2x4096xf32, #tpu.memory_space<vmem>>) target_semaphore(%arg19 : memref<!tpu.dma_semaphore, #tpu.memory_space<semaphore_mem>>)
      %mul3A_1116 = arith.constant 8 : i32
      %mul3A_1117 = arith.muli %scan3A_710, %mul3A_1116 : i32
      %add3A_1118 = arith.constant 7 : i32
      %add3A_1119 = arith.addi %mul3A_1117, %add3A_1118 : i32
      %mul3A_1120 = arith.constant 2 : i32
      %mul3A_1121 = arith.muli %add3A_1119, %mul3A_1120 : i32
      %add3A_1122 = arith.addi %mul3A_2, %mul3A_1121 : i32
      %dma_wait3A_1123 = arith.constant 0 : i32
      %dma_wait3A_1124 = tpu.memref_slice %arg2[%add3A_1122, %dma_wait3A_1123] : memref<16384x4096xf32, #tpu.memory_space<hbm>> -> memref<2x4096xf32, #tpu.memory_space<hbm>>
      %dma_wait3A_1125 = arith.constant 0 : i32
      %dma_wait3A_1126 = tpu.memref_slice %arg2[%add3A_1122, %dma_wait3A_1125] : memref<16384x4096xf32, #tpu.memory_space<hbm>> -> memref<2x4096xf32, #tpu.memory_space<hbm>>
      tpu.wait_dma2 semaphore(%arg21 : memref<!tpu.dma_semaphore, #tpu.memory_space<semaphore_mem>>) src(%dma_wait3A_1126 : memref<2x4096xf32, #tpu.memory_space<hbm>>) dst(%arg13 : memref<2x4096xf32, #tpu.memory_space<vmem>>)
      %broadcast_in_dim3A_1127 = arith.constant 0 : i32
      %broadcast_in_dim3A_1128 = vector.broadcast %broadcast_in_dim3A_1127 : i32 to vector<16xi32>
      %get3A_1129 = arith.constant 0 : index
      %get3A_1130 = tpu.vector_load %arg5[%get3A_1129] {strides = array<i32>} : memref<64xi32, #tpu.memory_space<vmem>>, vector<16xi32>,
      tpu.vector_store_idx %arg13[%broadcast_in_dim3A_1128, %get3A_1130], %broadcast_in_dim3A_3 : memref<2x4096xf32, #tpu.memory_space<vmem>>[vector<16xi32>, vector<16xi32>], vector<16xf32>,
      %get3A_1131 = arith.constant 16 : index
      %get3A_1132 = tpu.vector_load %arg5[%get3A_1131] {strides = array<i32>} : memref<64xi32, #tpu.memory_space<vmem>>, vector<16xi32>,
      tpu.vector_store_idx %arg13[%broadcast_in_dim3A_1128, %get3A_1132], %broadcast_in_dim3A_3 : memref<2x4096xf32, #tpu.memory_space<vmem>>[vector<16xi32>, vector<16xi32>], vector<16xf32>,
      %get3A_1133 = arith.constant 32 : index
      %get3A_1134 = tpu.vector_load %arg5[%get3A_1133] {strides = array<i32>} : memref<64xi32, #tpu.memory_space<vmem>>, vector<16xi32>,
      tpu.vector_store_idx %arg13[%broadcast_in_dim3A_1128, %get3A_1134], %broadcast_in_dim3A_3 : memref<2x4096xf32, #tpu.memory_space<vmem>>[vector<16xi32>, vector<16xi32>], vector<16xf32>,
      %get3A_1135 = arith.constant 48 : index
      %get3A_1136 = tpu.vector_load %arg5[%get3A_1135] {strides = array<i32>} : memref<64xi32, #tpu.memory_space<vmem>>, vector<16xi32>,
      tpu.vector_store_idx %arg13[%broadcast_in_dim3A_1128, %get3A_1136], %broadcast_in_dim3A_3 : memref<2x4096xf32, #tpu.memory_space<vmem>>[vector<16xi32>, vector<16xi32>], vector<16xf32>,
      %broadcast_in_dim3A_1137 = arith.constant 1 : i32
      %broadcast_in_dim3A_1138 = vector.broadcast %broadcast_in_dim3A_1137 : i32 to vector<16xi32>
      %get3A_1139 = arith.constant 0 : index
      %get3A_1140 = tpu.vector_load %arg5[%get3A_1139] {strides = array<i32>} : memref<64xi32, #tpu.memory_space<vmem>>, vector<16xi32>,
      tpu.vector_store_idx %arg13[%broadcast_in_dim3A_1138, %get3A_1140], %broadcast_in_dim3A_3 : memref<2x4096xf32, #tpu.memory_space<vmem>>[vector<16xi32>, vector<16xi32>], vector<16xf32>,
      %get3A_1141 = arith.constant 16 : index
      %get3A_1142 = tpu.vector_load %arg5[%get3A_1141] {strides = array<i32>} : memref<64xi32, #tpu.memory_space<vmem>>, vector<16xi32>,
      tpu.vector_store_idx %arg13[%broadcast_in_dim3A_1138, %get3A_1142], %broadcast_in_dim3A_3 : memref<2x4096xf32, #tpu.memory_space<vmem>>[vector<16xi32>, vector<16xi32>], vector<16xf32>,
      %get3A_1143 = arith.constant 32 : index
      %get3A_1144 = tpu.vector_load %arg5[%get3A_1143] {strides = array<i32>} : memref<64xi32, #tpu.memory_space<vmem>>, vector<16xi32>,
      tpu.vector_store_idx %arg13[%broadcast_in_dim3A_1138, %get3A_1144], %broadcast_in_dim3A_3 : memref<2x4096xf32, #tpu.memory_space<vmem>>[vector<16xi32>, vector<16xi32>], vector<16xf32>,
      %get3A_1145 = arith.constant 48 : index
      %get3A_1146 = tpu.vector_load %arg5[%get3A_1145] {strides = array<i32>} : memref<64xi32, #tpu.memory_space<vmem>>, vector<16xi32>,
      tpu.vector_store_idx %arg13[%broadcast_in_dim3A_1138, %get3A_1146], %broadcast_in_dim3A_3 : memref<2x4096xf32, #tpu.memory_space<vmem>>[vector<16xi32>, vector<16xi32>], vector<16xf32>,
      %mul3A_1147 = arith.constant 2 : i32
      %mul3A_1148 = arith.muli %add3A_1119, %mul3A_1147 : i32
      %add3A_1149 = arith.addi %mul3A_2, %mul3A_1148 : i32
      %dma_start3A_1150 = arith.constant 0 : i32
      %dma_start3A_1151 = tpu.memref_slice %arg4[%add3A_1149, %dma_start3A_1150] : memref<16384x4096xf32, #tpu.memory_space<hbm>> -> memref<2x4096xf32, #tpu.memory_space<hbm>>
      %dma_start3A_1152 = arith.constant 0 : i32
      %dma_start3A_1153 = tpu.memref_slice %arg4[%add3A_1149, %dma_start3A_1152] : memref<16384x4096xf32, #tpu.memory_space<hbm>> -> memref<2x4096xf32, #tpu.memory_space<hbm>>
      tpu.enqueue_dma source(%arg13 : memref<2x4096xf32, #tpu.memory_space<vmem>>) target(%dma_start3A_1153 : memref<2x4096xf32, #tpu.memory_space<hbm>>) target_semaphore(%arg29 : memref<!tpu.dma_semaphore, #tpu.memory_space<semaphore_mem>>)
      %sub3A_1154 = arith.constant 1 : i32
      %sub3A_1155 = arith.subi %add3A_1119, %sub3A_1154 : i32
      %mul3A_1156 = arith.constant 2 : i32
      %mul3A_1157 = arith.muli %sub3A_1155, %mul3A_1156 : i32
      %add3A_1158 = arith.addi %mul3A_2, %mul3A_1157 : i32
      %dma_wait3A_1159 = arith.constant 0 : i32
      %dma_wait3A_1160 = tpu.memref_slice %arg4[%add3A_1158, %dma_wait3A_1159] : memref<16384x4096xf32, #tpu.memory_space<hbm>> -> memref<2x4096xf32, #tpu.memory_space<hbm>>
      %dma_wait3A_1161 = arith.constant 0 : i32
      %dma_wait3A_1162 = tpu.memref_slice %arg4[%add3A_1158, %dma_wait3A_1161] : memref<16384x4096xf32, #tpu.memory_space<hbm>> -> memref<2x4096xf32, #tpu.memory_space<hbm>>
      tpu.wait_dma2 semaphore(%arg28 : memref<!tpu.dma_semaphore, #tpu.memory_space<semaphore_mem>>) src(%arg12 : memref<2x4096xf32, #tpu.memory_space<vmem>>) dst(%dma_wait3A_1162 : memref<2x4096xf32, #tpu.memory_space<hbm>>)
      %add3A_1163 = arith.constant 8 : i32
      %add3A_1164 = arith.addi %add3A_1119, %add3A_1163 : i32
      %sub3A_1165 = arith.constant 1 : i32
      %sub3A_1166 = arith.subi %add3A_1164, %sub3A_1165 : i32
      %mul3A_1167 = arith.constant 2 : i32
      %mul3A_1168 = arith.muli %sub3A_1166, %mul3A_1167 : i32
      %add3A_1169 = arith.addi %mul3A_2, %mul3A_1168 : i32
      %dma_start3A_1170 = arith.constant 0 : i32
      %dma_start3A_1171 = tpu.memref_slice %arg2[%add3A_1169, %dma_start3A_1170] : memref<16384x4096xf32, #tpu.memory_space<hbm>> -> memref<2x4096xf32, #tpu.memory_space<hbm>>
      %dma_start3A_1172 = arith.constant 0 : i32
      %dma_start3A_1173 = tpu.memref_slice %arg2[%add3A_1169, %dma_start3A_1172] : memref<16384x4096xf32, #tpu.memory_space<hbm>> -> memref<2x4096xf32, #tpu.memory_space<hbm>>
      tpu.enqueue_dma source(%dma_start3A_1173 : memref<2x4096xf32, #tpu.memory_space<hbm>>) target(%arg12 : memref<2x4096xf32, #tpu.memory_space<vmem>>) target_semaphore(%arg20 : memref<!tpu.dma_semaphore, #tpu.memory_space<semaphore_mem>>)
    }
    %scan3A_393 = arith.constant 30 : i32
    %add3A_394 = arith.constant 496 : i32
    %add3A_395 = arith.addi %mul3A_2, %add3A_394 : i32
    %dma_wait3A_396 = arith.constant 0 : i32
    %dma_wait3A_397 = tpu.memref_slice %arg2[%add3A_395, %dma_wait3A_396] : memref<16384x4096xf32, #tpu.memory_space<hbm>> -> memref<2x4096xf32, #tpu.memory_space<hbm>>
    %dma_wait3A_398 = arith.constant 0 : i32
    %dma_wait3A_399 = tpu.memref_slice %arg2[%add3A_395, %dma_wait3A_398] : memref<16384x4096xf32, #tpu.memory_space<hbm>> -> memref<2x4096xf32, #tpu.memory_space<hbm>>
    tpu.wait_dma2 semaphore(%arg14 : memref<!tpu.dma_semaphore, #tpu.memory_space<semaphore_mem>>) src(%dma_wait3A_399 : memref<2x4096xf32, #tpu.memory_space<hbm>>) dst(%arg6 : memref<2x4096xf32, #tpu.memory_space<vmem>>)
    %broadcast_in_dim3A_400 = arith.constant 0 : i32
    %broadcast_in_dim3A_401 = vector.broadcast %broadcast_in_dim3A_400 : i32 to vector<16xi32>
    %get3A_402 = arith.constant 0 : index
    %get3A_403 = tpu.vector_load %arg5[%get3A_402] {strides = array<i32>} : memref<64xi32, #tpu.memory_space<vmem>>, vector<16xi32>,
    tpu.vector_store_idx %arg6[%broadcast_in_dim3A_401, %get3A_403], %broadcast_in_dim3A_3 : memref<2x4096xf32, #tpu.memory_space<vmem>>[vector<16xi32>, vector<16xi32>], vector<16xf32>,
    %get3A_404 = arith.constant 16 : index
    %get3A_405 = tpu.vector_load %arg5[%get3A_404] {strides = array<i32>} : memref<64xi32, #tpu.memory_space<vmem>>, vector<16xi32>,
    tpu.vector_store_idx %arg6[%broadcast_in_dim3A_401, %get3A_405], %broadcast_in_dim3A_3 : memref<2x4096xf32, #tpu.memory_space<vmem>>[vector<16xi32>, vector<16xi32>], vector<16xf32>,
    %get3A_406 = arith.constant 32 : index
    %get3A_407 = tpu.vector_load %arg5[%get3A_406] {strides = array<i32>} : memref<64xi32, #tpu.memory_space<vmem>>, vector<16xi32>,
    tpu.vector_store_idx %arg6[%broadcast_in_dim3A_401, %get3A_407], %broadcast_in_dim3A_3 : memref<2x4096xf32, #tpu.memory_space<vmem>>[vector<16xi32>, vector<16xi32>], vector<16xf32>,
    %get3A_408 = arith.constant 48 : index
    %get3A_409 = tpu.vector_load %arg5[%get3A_408] {strides = array<i32>} : memref<64xi32, #tpu.memory_space<vmem>>, vector<16xi32>,
    tpu.vector_store_idx %arg6[%broadcast_in_dim3A_401, %get3A_409], %broadcast_in_dim3A_3 : memref<2x4096xf32, #tpu.memory_space<vmem>>[vector<16xi32>, vector<16xi32>], vector<16xf32>,
    %broadcast_in_dim3A_410 = arith.constant 1 : i32
    %broadcast_in_dim3A_411 = vector.broadcast %broadcast_in_dim3A_410 : i32 to vector<16xi32>
    %get3A_412 = arith.constant 0 : index
    %get3A_413 = tpu.vector_load %arg5[%get3A_412] {strides = array<i32>} : memref<64xi32, #tpu.memory_space<vmem>>, vector<16xi32>,
    tpu.vector_store_idx %arg6[%broadcast_in_dim3A_411, %get3A_413], %broadcast_in_dim3A_3 : memref<2x4096xf32, #tpu.memory_space<vmem>>[vector<16xi32>, vector<16xi32>], vector<16xf32>,
    %get3A_414 = arith.constant 16 : index
    %get3A_415 = tpu.vector_load %arg5[%get3A_414] {strides = array<i32>} : memref<64xi32, #tpu.memory_space<vmem>>, vector<16xi32>,
    tpu.vector_store_idx %arg6[%broadcast_in_dim3A_411, %get3A_415], %broadcast_in_dim3A_3 : memref<2x4096xf32, #tpu.memory_space<vmem>>[vector<16xi32>, vector<16xi32>], vector<16xf32>,
    %get3A_416 = arith.constant 32 : index
    %get3A_417 = tpu.vector_load %arg5[%get3A_416] {strides = array<i32>} : memref<64xi32, #tpu.memory_space<vmem>>, vector<16xi32>,
    tpu.vector_store_idx %arg6[%broadcast_in_dim3A_411, %get3A_417], %broadcast_in_dim3A_3 : memref<2x4096xf32, #tpu.memory_space<vmem>>[vector<16xi32>, vector<16xi32>], vector<16xf32>,
    %get3A_418 = arith.constant 48 : index
    %get3A_419 = tpu.vector_load %arg5[%get3A_418] {strides = array<i32>} : memref<64xi32, #tpu.memory_space<vmem>>, vector<16xi32>,
    tpu.vector_store_idx %arg6[%broadcast_in_dim3A_411, %get3A_419], %broadcast_in_dim3A_3 : memref<2x4096xf32, #tpu.memory_space<vmem>>[vector<16xi32>, vector<16xi32>], vector<16xf32>,
    %add3A_420 = arith.constant 496 : i32
    %add3A_421 = arith.addi %mul3A_2, %add3A_420 : i32
    %dma_start3A_422 = arith.constant 0 : i32
    %dma_start3A_423 = tpu.memref_slice %arg4[%add3A_421, %dma_start3A_422] : memref<16384x4096xf32, #tpu.memory_space<hbm>> -> memref<2x4096xf32, #tpu.memory_space<hbm>>
    %dma_start3A_424 = arith.constant 0 : i32
    %dma_start3A_425 = tpu.memref_slice %arg4[%add3A_421, %dma_start3A_424] : memref<16384x4096xf32, #tpu.memory_space<hbm>> -> memref<2x4096xf32, #tpu.memory_space<hbm>>
    tpu.enqueue_dma source(%arg6 : memref<2x4096xf32, #tpu.memory_space<vmem>>) target(%dma_start3A_425 : memref<2x4096xf32, #tpu.memory_space<hbm>>) target_semaphore(%arg22 : memref<!tpu.dma_semaphore, #tpu.memory_space<semaphore_mem>>)
    %add3A_426 = arith.constant 494 : i32
    %add3A_427 = arith.addi %mul3A_2, %add3A_426 : i32
    %dma_wait3A_428 = arith.constant 0 : i32
    %dma_wait3A_429 = tpu.memref_slice %arg4[%add3A_427, %dma_wait3A_428] : memref<16384x4096xf32, #tpu.memory_space<hbm>> -> memref<2x4096xf32, #tpu.memory_space<hbm>>
    %dma_wait3A_430 = arith.constant 0 : i32
    %dma_wait3A_431 = tpu.memref_slice %arg4[%add3A_427, %dma_wait3A_430] : memref<16384x4096xf32, #tpu.memory_space<hbm>> -> memref<2x4096xf32, #tpu.memory_space<hbm>>
    tpu.wait_dma2 semaphore(%arg29 : memref<!tpu.dma_semaphore, #tpu.memory_space<semaphore_mem>>) src(%arg13 : memref<2x4096xf32, #tpu.memory_space<vmem>>) dst(%dma_wait3A_431 : memref<2x4096xf32, #tpu.memory_space<hbm>>)
    %add3A_432 = arith.constant 510 : i32
    %add3A_433 = arith.addi %mul3A_2, %add3A_432 : i32
    %dma_start3A_434 = arith.constant 0 : i32
    %dma_start3A_435 = tpu.memref_slice %arg2[%add3A_433, %dma_start3A_434] : memref<16384x4096xf32, #tpu.memory_space<hbm>> -> memref<2x4096xf32, #tpu.memory_space<hbm>>
    %dma_start3A_436 = arith.constant 0 : i32
    %dma_start3A_437 = tpu.memref_slice %arg2[%add3A_433, %dma_start3A_436] : memref<16384x4096xf32, #tpu.memory_space<hbm>> -> memref<2x4096xf32, #tpu.memory_space<hbm>>
    tpu.enqueue_dma source(%dma_start3A_437 : memref<2x4096xf32, #tpu.memory_space<hbm>>) target(%arg13 : memref<2x4096xf32, #tpu.memory_space<vmem>>) target_semaphore(%arg21 : memref<!tpu.dma_semaphore, #tpu.memory_space<semaphore_mem>>)
    %add3A_438 = arith.constant 498 : i32
    %add3A_439 = arith.addi %mul3A_2, %add3A_438 : i32
    %dma_wait3A_440 = arith.constant 0 : i32
    %dma_wait3A_441 = tpu.memref_slice %arg2[%add3A_439, %dma_wait3A_440] : memref<16384x4096xf32, #tpu.memory_space<hbm>> -> memref<2x4096xf32, #tpu.memory_space<hbm>>
    %dma_wait3A_442 = arith.constant 0 : i32
    %dma_wait3A_443 = tpu.memref_slice %arg2[%add3A_439, %dma_wait3A_442] : memref<16384x4096xf32, #tpu.memory_space<hbm>> -> memref<2x4096xf32, #tpu.memory_space<hbm>>
    tpu.wait_dma2 semaphore(%arg15 : memref<!tpu.dma_semaphore, #tpu.memory_space<semaphore_mem>>) src(%dma_wait3A_443 : memref<2x4096xf32, #tpu.memory_space<hbm>>) dst(%arg7 : memref<2x4096xf32, #tpu.memory_space<vmem>>)
    %broadcast_in_dim3A_444 = arith.constant 0 : i32
    %broadcast_in_dim3A_445 = vector.broadcast %broadcast_in_dim3A_444 : i32 to vector<16xi32>
    %get3A_446 = arith.constant 0 : index
    %get3A_447 = tpu.vector_load %arg5[%get3A_446] {strides = array<i32>} : memref<64xi32, #tpu.memory_space<vmem>>, vector<16xi32>,
    tpu.vector_store_idx %arg7[%broadcast_in_dim3A_445, %get3A_447], %broadcast_in_dim3A_3 : memref<2x4096xf32, #tpu.memory_space<vmem>>[vector<16xi32>, vector<16xi32>], vector<16xf32>,
    %get3A_448 = arith.constant 16 : index
    %get3A_449 = tpu.vector_load %arg5[%get3A_448] {strides = array<i32>} : memref<64xi32, #tpu.memory_space<vmem>>, vector<16xi32>,
    tpu.vector_store_idx %arg7[%broadcast_in_dim3A_445, %get3A_449], %broadcast_in_dim3A_3 : memref<2x4096xf32, #tpu.memory_space<vmem>>[vector<16xi32>, vector<16xi32>], vector<16xf32>,
    %get3A_450 = arith.constant 32 : index
    %get3A_451 = tpu.vector_load %arg5[%get3A_450] {strides = array<i32>} : memref<64xi32, #tpu.memory_space<vmem>>, vector<16xi32>,
    tpu.vector_store_idx %arg7[%broadcast_in_dim3A_445, %get3A_451], %broadcast_in_dim3A_3 : memref<2x4096xf32, #tpu.memory_space<vmem>>[vector<16xi32>, vector<16xi32>], vector<16xf32>,
    %get3A_452 = arith.constant 48 : index
    %get3A_453 = tpu.vector_load %arg5[%get3A_452] {strides = array<i32>} : memref<64xi32, #tpu.memory_space<vmem>>, vector<16xi32>,
    tpu.vector_store_idx %arg7[%broadcast_in_dim3A_445, %get3A_453], %broadcast_in_dim3A_3 : memref<2x4096xf32, #tpu.memory_space<vmem>>[vector<16xi32>, vector<16xi32>], vector<16xf32>,
    %broadcast_in_dim3A_454 = arith.constant 1 : i32
    %broadcast_in_dim3A_455 = vector.broadcast %broadcast_in_dim3A_454 : i32 to vector<16xi32>
    %get3A_456 = arith.constant 0 : index
    %get3A_457 = tpu.vector_load %arg5[%get3A_456] {strides = array<i32>} : memref<64xi32, #tpu.memory_space<vmem>>, vector<16xi32>,
    tpu.vector_store_idx %arg7[%broadcast_in_dim3A_455, %get3A_457], %broadcast_in_dim3A_3 : memref<2x4096xf32, #tpu.memory_space<vmem>>[vector<16xi32>, vector<16xi32>], vector<16xf32>,
    %get3A_458 = arith.constant 16 : index
    %get3A_459 = tpu.vector_load %arg5[%get3A_458] {strides = array<i32>} : memref<64xi32, #tpu.memory_space<vmem>>, vector<16xi32>,
    tpu.vector_store_idx %arg7[%broadcast_in_dim3A_455, %get3A_459], %broadcast_in_dim3A_3 : memref<2x4096xf32, #tpu.memory_space<vmem>>[vector<16xi32>, vector<16xi32>], vector<16xf32>,
    %get3A_460 = arith.constant 32 : index
    %get3A_461 = tpu.vector_load %arg5[%get3A_460] {strides = array<i32>} : memref<64xi32, #tpu.memory_space<vmem>>, vector<16xi32>,
    tpu.vector_store_idx %arg7[%broadcast_in_dim3A_455, %get3A_461], %broadcast_in_dim3A_3 : memref<2x4096xf32, #tpu.memory_space<vmem>>[vector<16xi32>, vector<16xi32>], vector<16xf32>,
    %get3A_462 = arith.constant 48 : index
    %get3A_463 = tpu.vector_load %arg5[%get3A_462] {strides = array<i32>} : memref<64xi32, #tpu.memory_space<vmem>>, vector<16xi32>,
    tpu.vector_store_idx %arg7[%broadcast_in_dim3A_455, %get3A_463], %broadcast_in_dim3A_3 : memref<2x4096xf32, #tpu.memory_space<vmem>>[vector<16xi32>, vector<16xi32>], vector<16xf32>,
    %add3A_464 = arith.constant 498 : i32
    %add3A_465 = arith.addi %mul3A_2, %add3A_464 : i32
    %dma_start3A_466 = arith.constant 0 : i32
    %dma_start3A_467 = tpu.memref_slice %arg4[%add3A_465, %dma_start3A_466] : memref<16384x4096xf32, #tpu.memory_space<hbm>> -> memref<2x4096xf32, #tpu.memory_space<hbm>>
    %dma_start3A_468 = arith.constant 0 : i32
    %dma_start3A_469 = tpu.memref_slice %arg4[%add3A_465, %dma_start3A_468] : memref<16384x4096xf32, #tpu.memory_space<hbm>> -> memref<2x4096xf32, #tpu.memory_space<hbm>>
    tpu.enqueue_dma source(%arg7 : memref<2x4096xf32, #tpu.memory_space<vmem>>) target(%dma_start3A_469 : memref<2x4096xf32, #tpu.memory_space<hbm>>) target_semaphore(%arg23 : memref<!tpu.dma_semaphore, #tpu.memory_space<semaphore_mem>>)
    %add3A_470 = arith.constant 496 : i32
    %add3A_471 = arith.addi %mul3A_2, %add3A_470 : i32
    %dma_wait3A_472 = arith.constant 0 : i32
    %dma_wait3A_473 = tpu.memref_slice %arg4[%add3A_471, %dma_wait3A_472] : memref<16384x4096xf32, #tpu.memory_space<hbm>> -> memref<2x4096xf32, #tpu.memory_space<hbm>>
    %dma_wait3A_474 = arith.constant 0 : i32
    %dma_wait3A_475 = tpu.memref_slice %arg4[%add3A_471, %dma_wait3A_474] : memref<16384x4096xf32, #tpu.memory_space<hbm>> -> memref<2x4096xf32, #tpu.memory_space<hbm>>
    tpu.wait_dma2 semaphore(%arg22 : memref<!tpu.dma_semaphore, #tpu.memory_space<semaphore_mem>>) src(%arg6 : memref<2x4096xf32, #tpu.memory_space<vmem>>) dst(%dma_wait3A_475 : memref<2x4096xf32, #tpu.memory_space<hbm>>)
    %add3A_476 = arith.constant 500 : i32
    %add3A_477 = arith.addi %mul3A_2, %add3A_476 : i32
    %dma_wait3A_478 = arith.constant 0 : i32
    %dma_wait3A_479 = tpu.memref_slice %arg2[%add3A_477, %dma_wait3A_478] : memref<16384x4096xf32, #tpu.memory_space<hbm>> -> memref<2x4096xf32, #tpu.memory_space<hbm>>
    %dma_wait3A_480 = arith.constant 0 : i32
    %dma_wait3A_481 = tpu.memref_slice %arg2[%add3A_477, %dma_wait3A_480] : memref<16384x4096xf32, #tpu.memory_space<hbm>> -> memref<2x4096xf32, #tpu.memory_space<hbm>>
    tpu.wait_dma2 semaphore(%arg16 : memref<!tpu.dma_semaphore, #tpu.memory_space<semaphore_mem>>) src(%dma_wait3A_481 : memref<2x4096xf32, #tpu.memory_space<hbm>>) dst(%arg8 : memref<2x4096xf32, #tpu.memory_space<vmem>>)
    %broadcast_in_dim3A_482 = arith.constant 0 : i32
    %broadcast_in_dim3A_483 = vector.broadcast %broadcast_in_dim3A_482 : i32 to vector<16xi32>
    %get3A_484 = arith.constant 0 : index
    %get3A_485 = tpu.vector_load %arg5[%get3A_484] {strides = array<i32>} : memref<64xi32, #tpu.memory_space<vmem>>, vector<16xi32>,
    tpu.vector_store_idx %arg8[%broadcast_in_dim3A_483, %get3A_485], %broadcast_in_dim3A_3 : memref<2x4096xf32, #tpu.memory_space<vmem>>[vector<16xi32>, vector<16xi32>], vector<16xf32>,
    %get3A_486 = arith.constant 16 : index
    %get3A_487 = tpu.vector_load %arg5[%get3A_486] {strides = array<i32>} : memref<64xi32, #tpu.memory_space<vmem>>, vector<16xi32>,
    tpu.vector_store_idx %arg8[%broadcast_in_dim3A_483, %get3A_487], %broadcast_in_dim3A_3 : memref<2x4096xf32, #tpu.memory_space<vmem>>[vector<16xi32>, vector<16xi32>], vector<16xf32>,
    %get3A_488 = arith.constant 32 : index
    %get3A_489 = tpu.vector_load %arg5[%get3A_488] {strides = array<i32>} : memref<64xi32, #tpu.memory_space<vmem>>, vector<16xi32>,
    tpu.vector_store_idx %arg8[%broadcast_in_dim3A_483, %get3A_489], %broadcast_in_dim3A_3 : memref<2x4096xf32, #tpu.memory_space<vmem>>[vector<16xi32>, vector<16xi32>], vector<16xf32>,
    %get3A_490 = arith.constant 48 : index
    %get3A_491 = tpu.vector_load %arg5[%get3A_490] {strides = array<i32>} : memref<64xi32, #tpu.memory_space<vmem>>, vector<16xi32>,
    tpu.vector_store_idx %arg8[%broadcast_in_dim3A_483, %get3A_491], %broadcast_in_dim3A_3 : memref<2x4096xf32, #tpu.memory_space<vmem>>[vector<16xi32>, vector<16xi32>], vector<16xf32>,
    %broadcast_in_dim3A_492 = arith.constant 1 : i32
    %broadcast_in_dim3A_493 = vector.broadcast %broadcast_in_dim3A_492 : i32 to vector<16xi32>
    %get3A_494 = arith.constant 0 : index
    %get3A_495 = tpu.vector_load %arg5[%get3A_494] {strides = array<i32>} : memref<64xi32, #tpu.memory_space<vmem>>, vector<16xi32>,
    tpu.vector_store_idx %arg8[%broadcast_in_dim3A_493, %get3A_495], %broadcast_in_dim3A_3 : memref<2x4096xf32, #tpu.memory_space<vmem>>[vector<16xi32>, vector<16xi32>], vector<16xf32>,
    %get3A_496 = arith.constant 16 : index
    %get3A_497 = tpu.vector_load %arg5[%get3A_496] {strides = array<i32>} : memref<64xi32, #tpu.memory_space<vmem>>, vector<16xi32>,
    tpu.vector_store_idx %arg8[%broadcast_in_dim3A_493, %get3A_497], %broadcast_in_dim3A_3 : memref<2x4096xf32, #tpu.memory_space<vmem>>[vector<16xi32>, vector<16xi32>], vector<16xf32>,
    %get3A_498 = arith.constant 32 : index
    %get3A_499 = tpu.vector_load %arg5[%get3A_498] {strides = array<i32>} : memref<64xi32, #tpu.memory_space<vmem>>, vector<16xi32>,
    tpu.vector_store_idx %arg8[%broadcast_in_dim3A_493, %get3A_499], %broadcast_in_dim3A_3 : memref<2x4096xf32, #tpu.memory_space<vmem>>[vector<16xi32>, vector<16xi32>], vector<16xf32>,
    %get3A_500 = arith.constant 48 : index
    %get3A_501 = tpu.vector_load %arg5[%get3A_500] {strides = array<i32>} : memref<64xi32, #tpu.memory_space<vmem>>, vector<16xi32>,
    tpu.vector_store_idx %arg8[%broadcast_in_dim3A_493, %get3A_501], %broadcast_in_dim3A_3 : memref<2x4096xf32, #tpu.memory_space<vmem>>[vector<16xi32>, vector<16xi32>], vector<16xf32>,
    %add3A_502 = arith.constant 500 : i32
    %add3A_503 = arith.addi %mul3A_2, %add3A_502 : i32
    %dma_start3A_504 = arith.constant 0 : i32
    %dma_start3A_505 = tpu.memref_slice %arg4[%add3A_503, %dma_start3A_504] : memref<16384x4096xf32, #tpu.memory_space<hbm>> -> memref<2x4096xf32, #tpu.memory_space<hbm>>
    %dma_start3A_506 = arith.constant 0 : i32
    %dma_start3A_507 = tpu.memref_slice %arg4[%add3A_503, %dma_start3A_506] : memref<16384x4096xf32, #tpu.memory_space<hbm>> -> memref<2x4096xf32, #tpu.memory_space<hbm>>
    tpu.enqueue_dma source(%arg8 : memref<2x4096xf32, #tpu.memory_space<vmem>>) target(%dma_start3A_507 : memref<2x4096xf32, #tpu.memory_space<hbm>>) target_semaphore(%arg24 : memref<!tpu.dma_semaphore, #tpu.memory_space<semaphore_mem>>)
    %add3A_508 = arith.constant 498 : i32
    %add3A_509 = arith.addi %mul3A_2, %add3A_508 : i32
    %dma_wait3A_510 = arith.constant 0 : i32
    %dma_wait3A_511 = tpu.memref_slice %arg4[%add3A_509, %dma_wait3A_510] : memref<16384x4096xf32, #tpu.memory_space<hbm>> -> memref<2x4096xf32, #tpu.memory_space<hbm>>
    %dma_wait3A_512 = arith.constant 0 : i32
    %dma_wait3A_513 = tpu.memref_slice %arg4[%add3A_509, %dma_wait3A_512] : memref<16384x4096xf32, #tpu.memory_space<hbm>> -> memref<2x4096xf32, #tpu.memory_space<hbm>>
    tpu.wait_dma2 semaphore(%arg23 : memref<!tpu.dma_semaphore, #tpu.memory_space<semaphore_mem>>) src(%arg7 : memref<2x4096xf32, #tpu.memory_space<vmem>>) dst(%dma_wait3A_513 : memref<2x4096xf32, #tpu.memory_space<hbm>>)
    %add3A_514 = arith.constant 502 : i32
    %add3A_515 = arith.addi %mul3A_2, %add3A_514 : i32
    %dma_wait3A_516 = arith.constant 0 : i32
    %dma_wait3A_517 = tpu.memref_slice %arg2[%add3A_515, %dma_wait3A_516] : memref<16384x4096xf32, #tpu.memory_space<hbm>> -> memref<2x4096xf32, #tpu.memory_space<hbm>>
    %dma_wait3A_518 = arith.constant 0 : i32
    %dma_wait3A_519 = tpu.memref_slice %arg2[%add3A_515, %dma_wait3A_518] : memref<16384x4096xf32, #tpu.memory_space<hbm>> -> memref<2x4096xf32, #tpu.memory_space<hbm>>
    tpu.wait_dma2 semaphore(%arg17 : memref<!tpu.dma_semaphore, #tpu.memory_space<semaphore_mem>>) src(%dma_wait3A_519 : memref<2x4096xf32, #tpu.memory_space<hbm>>) dst(%arg9 : memref<2x4096xf32, #tpu.memory_space<vmem>>)
    %broadcast_in_dim3A_520 = arith.constant 0 : i32
    %broadcast_in_dim3A_521 = vector.broadcast %broadcast_in_dim3A_520 : i32 to vector<16xi32>
    %get3A_522 = arith.constant 0 : index
    %get3A_523 = tpu.vector_load %arg5[%get3A_522] {strides = array<i32>} : memref<64xi32, #tpu.memory_space<vmem>>, vector<16xi32>,
    tpu.vector_store_idx %arg9[%broadcast_in_dim3A_521, %get3A_523], %broadcast_in_dim3A_3 : memref<2x4096xf32, #tpu.memory_space<vmem>>[vector<16xi32>, vector<16xi32>], vector<16xf32>,
    %get3A_524 = arith.constant 16 : index
    %get3A_525 = tpu.vector_load %arg5[%get3A_524] {strides = array<i32>} : memref<64xi32, #tpu.memory_space<vmem>>, vector<16xi32>,
    tpu.vector_store_idx %arg9[%broadcast_in_dim3A_521, %get3A_525], %broadcast_in_dim3A_3 : memref<2x4096xf32, #tpu.memory_space<vmem>>[vector<16xi32>, vector<16xi32>], vector<16xf32>,
    %get3A_526 = arith.constant 32 : index
    %get3A_527 = tpu.vector_load %arg5[%get3A_526] {strides = array<i32>} : memref<64xi32, #tpu.memory_space<vmem>>, vector<16xi32>,
    tpu.vector_store_idx %arg9[%broadcast_in_dim3A_521, %get3A_527], %broadcast_in_dim3A_3 : memref<2x4096xf32, #tpu.memory_space<vmem>>[vector<16xi32>, vector<16xi32>], vector<16xf32>,
    %get3A_528 = arith.constant 48 : index
    %get3A_529 = tpu.vector_load %arg5[%get3A_528] {strides = array<i32>} : memref<64xi32, #tpu.memory_space<vmem>>, vector<16xi32>,
    tpu.vector_store_idx %arg9[%broadcast_in_dim3A_521, %get3A_529], %broadcast_in_dim3A_3 : memref<2x4096xf32, #tpu.memory_space<vmem>>[vector<16xi32>, vector<16xi32>], vector<16xf32>,
    %broadcast_in_dim3A_530 = arith.constant 1 : i32
    %broadcast_in_dim3A_531 = vector.broadcast %broadcast_in_dim3A_530 : i32 to vector<16xi32>
    %get3A_532 = arith.constant 0 : index
    %get3A_533 = tpu.vector_load %arg5[%get3A_532] {strides = array<i32>} : memref<64xi32, #tpu.memory_space<vmem>>, vector<16xi32>,
    tpu.vector_store_idx %arg9[%broadcast_in_dim3A_531, %get3A_533], %broadcast_in_dim3A_3 : memref<2x4096xf32, #tpu.memory_space<vmem>>[vector<16xi32>, vector<16xi32>], vector<16xf32>,
    %get3A_534 = arith.constant 16 : index
    %get3A_535 = tpu.vector_load %arg5[%get3A_534] {strides = array<i32>} : memref<64xi32, #tpu.memory_space<vmem>>, vector<16xi32>,
    tpu.vector_store_idx %arg9[%broadcast_in_dim3A_531, %get3A_535], %broadcast_in_dim3A_3 : memref<2x4096xf32, #tpu.memory_space<vmem>>[vector<16xi32>, vector<16xi32>], vector<16xf32>,
    %get3A_536 = arith.constant 32 : index
    %get3A_537 = tpu.vector_load %arg5[%get3A_536] {strides = array<i32>} : memref<64xi32, #tpu.memory_space<vmem>>, vector<16xi32>,
    tpu.vector_store_idx %arg9[%broadcast_in_dim3A_531, %get3A_537], %broadcast_in_dim3A_3 : memref<2x4096xf32, #tpu.memory_space<vmem>>[vector<16xi32>, vector<16xi32>], vector<16xf32>,
    %get3A_538 = arith.constant 48 : index
    %get3A_539 = tpu.vector_load %arg5[%get3A_538] {strides = array<i32>} : memref<64xi32, #tpu.memory_space<vmem>>, vector<16xi32>,
    tpu.vector_store_idx %arg9[%broadcast_in_dim3A_531, %get3A_539], %broadcast_in_dim3A_3 : memref<2x4096xf32, #tpu.memory_space<vmem>>[vector<16xi32>, vector<16xi32>], vector<16xf32>,
    %add3A_540 = arith.constant 502 : i32
    %add3A_541 = arith.addi %mul3A_2, %add3A_540 : i32
    %dma_start3A_542 = arith.constant 0 : i32
    %dma_start3A_543 = tpu.memref_slice %arg4[%add3A_541, %dma_start3A_542] : memref<16384x4096xf32, #tpu.memory_space<hbm>> -> memref<2x4096xf32, #tpu.memory_space<hbm>>
    %dma_start3A_544 = arith.constant 0 : i32
    %dma_start3A_545 = tpu.memref_slice %arg4[%add3A_541, %dma_start3A_544] : memref<16384x4096xf32, #tpu.memory_space<hbm>> -> memref<2x4096xf32, #tpu.memory_space<hbm>>
    tpu.enqueue_dma source(%arg9 : memref<2x4096xf32, #tpu.memory_space<vmem>>) target(%dma_start3A_545 : memref<2x4096xf32, #tpu.memory_space<hbm>>) target_semaphore(%arg25 : memref<!tpu.dma_semaphore, #tpu.memory_space<semaphore_mem>>)
    %add3A_546 = arith.constant 500 : i32
    %add3A_547 = arith.addi %mul3A_2, %add3A_546 : i32
    %dma_wait3A_548 = arith.constant 0 : i32
    %dma_wait3A_549 = tpu.memref_slice %arg4[%add3A_547, %dma_wait3A_548] : memref<16384x4096xf32, #tpu.memory_space<hbm>> -> memref<2x4096xf32, #tpu.memory_space<hbm>>
    %dma_wait3A_550 = arith.constant 0 : i32
    %dma_wait3A_551 = tpu.memref_slice %arg4[%add3A_547, %dma_wait3A_550] : memref<16384x4096xf32, #tpu.memory_space<hbm>> -> memref<2x4096xf32, #tpu.memory_space<hbm>>
    tpu.wait_dma2 semaphore(%arg24 : memref<!tpu.dma_semaphore, #tpu.memory_space<semaphore_mem>>) src(%arg8 : memref<2x4096xf32, #tpu.memory_space<vmem>>) dst(%dma_wait3A_551 : memref<2x4096xf32, #tpu.memory_space<hbm>>)
    %add3A_552 = arith.constant 504 : i32
    %add3A_553 = arith.addi %mul3A_2, %add3A_552 : i32
    %dma_wait3A_554 = arith.constant 0 : i32
    %dma_wait3A_555 = tpu.memref_slice %arg2[%add3A_553, %dma_wait3A_554] : memref<16384x4096xf32, #tpu.memory_space<hbm>> -> memref<2x4096xf32, #tpu.memory_space<hbm>>
    %dma_wait3A_556 = arith.constant 0 : i32
    %dma_wait3A_557 = tpu.memref_slice %arg2[%add3A_553, %dma_wait3A_556] : memref<16384x4096xf32, #tpu.memory_space<hbm>> -> memref<2x4096xf32, #tpu.memory_space<hbm>>
    tpu.wait_dma2 semaphore(%arg18 : memref<!tpu.dma_semaphore, #tpu.memory_space<semaphore_mem>>) src(%dma_wait3A_557 : memref<2x4096xf32, #tpu.memory_space<hbm>>) dst(%arg10 : memref<2x4096xf32, #tpu.memory_space<vmem>>)
    %broadcast_in_dim3A_558 = arith.constant 0 : i32
    %broadcast_in_dim3A_559 = vector.broadcast %broadcast_in_dim3A_558 : i32 to vector<16xi32>
    %get3A_560 = arith.constant 0 : index
    %get3A_561 = tpu.vector_load %arg5[%get3A_560] {strides = array<i32>} : memref<64xi32, #tpu.memory_space<vmem>>, vector<16xi32>,
    tpu.vector_store_idx %arg10[%broadcast_in_dim3A_559, %get3A_561], %broadcast_in_dim3A_3 : memref<2x4096xf32, #tpu.memory_space<vmem>>[vector<16xi32>, vector<16xi32>], vector<16xf32>,
    %get3A_562 = arith.constant 16 : index
    %get3A_563 = tpu.vector_load %arg5[%get3A_562] {strides = array<i32>} : memref<64xi32, #tpu.memory_space<vmem>>, vector<16xi32>,
    tpu.vector_store_idx %arg10[%broadcast_in_dim3A_559, %get3A_563], %broadcast_in_dim3A_3 : memref<2x4096xf32, #tpu.memory_space<vmem>>[vector<16xi32>, vector<16xi32>], vector<16xf32>,
    %get3A_564 = arith.constant 32 : index
    %get3A_565 = tpu.vector_load %arg5[%get3A_564] {strides = array<i32>} : memref<64xi32, #tpu.memory_space<vmem>>, vector<16xi32>,
    tpu.vector_store_idx %arg10[%broadcast_in_dim3A_559, %get3A_565], %broadcast_in_dim3A_3 : memref<2x4096xf32, #tpu.memory_space<vmem>>[vector<16xi32>, vector<16xi32>], vector<16xf32>,
    %get3A_566 = arith.constant 48 : index
    %get3A_567 = tpu.vector_load %arg5[%get3A_566] {strides = array<i32>} : memref<64xi32, #tpu.memory_space<vmem>>, vector<16xi32>,
    tpu.vector_store_idx %arg10[%broadcast_in_dim3A_559, %get3A_567], %broadcast_in_dim3A_3 : memref<2x4096xf32, #tpu.memory_space<vmem>>[vector<16xi32>, vector<16xi32>], vector<16xf32>,
    %broadcast_in_dim3A_568 = arith.constant 1 : i32
    %broadcast_in_dim3A_569 = vector.broadcast %broadcast_in_dim3A_568 : i32 to vector<16xi32>
    %get3A_570 = arith.constant 0 : index
    %get3A_571 = tpu.vector_load %arg5[%get3A_570] {strides = array<i32>} : memref<64xi32, #tpu.memory_space<vmem>>, vector<16xi32>,
    tpu.vector_store_idx %arg10[%broadcast_in_dim3A_569, %get3A_571], %broadcast_in_dim3A_3 : memref<2x4096xf32, #tpu.memory_space<vmem>>[vector<16xi32>, vector<16xi32>], vector<16xf32>,
    %get3A_572 = arith.constant 16 : index
    %get3A_573 = tpu.vector_load %arg5[%get3A_572] {strides = array<i32>} : memref<64xi32, #tpu.memory_space<vmem>>, vector<16xi32>,
    tpu.vector_store_idx %arg10[%broadcast_in_dim3A_569, %get3A_573], %broadcast_in_dim3A_3 : memref<2x4096xf32, #tpu.memory_space<vmem>>[vector<16xi32>, vector<16xi32>], vector<16xf32>,
    %get3A_574 = arith.constant 32 : index
    %get3A_575 = tpu.vector_load %arg5[%get3A_574] {strides = array<i32>} : memref<64xi32, #tpu.memory_space<vmem>>, vector<16xi32>,
    tpu.vector_store_idx %arg10[%broadcast_in_dim3A_569, %get3A_575], %broadcast_in_dim3A_3 : memref<2x4096xf32, #tpu.memory_space<vmem>>[vector<16xi32>, vector<16xi32>], vector<16xf32>,
    %get3A_576 = arith.constant 48 : index
    %get3A_577 = tpu.vector_load %arg5[%get3A_576] {strides = array<i32>} : memref<64xi32, #tpu.memory_space<vmem>>, vector<16xi32>,
    tpu.vector_store_idx %arg10[%broadcast_in_dim3A_569, %get3A_577], %broadcast_in_dim3A_3 : memref<2x4096xf32, #tpu.memory_space<vmem>>[vector<16xi32>, vector<16xi32>], vector<16xf32>,
    %add3A_578 = arith.constant 504 : i32
    %add3A_579 = arith.addi %mul3A_2, %add3A_578 : i32
    %dma_start3A_580 = arith.constant 0 : i32
    %dma_start3A_581 = tpu.memref_slice %arg4[%add3A_579, %dma_start3A_580] : memref<16384x4096xf32, #tpu.memory_space<hbm>> -> memref<2x4096xf32, #tpu.memory_space<hbm>>
    %dma_start3A_582 = arith.constant 0 : i32
    %dma_start3A_583 = tpu.memref_slice %arg4[%add3A_579, %dma_start3A_582] : memref<16384x4096xf32, #tpu.memory_space<hbm>> -> memref<2x4096xf32, #tpu.memory_space<hbm>>
    tpu.enqueue_dma source(%arg10 : memref<2x4096xf32, #tpu.memory_space<vmem>>) target(%dma_start3A_583 : memref<2x4096xf32, #tpu.memory_space<hbm>>) target_semaphore(%arg26 : memref<!tpu.dma_semaphore, #tpu.memory_space<semaphore_mem>>)
    %add3A_584 = arith.constant 502 : i32
    %add3A_585 = arith.addi %mul3A_2, %add3A_584 : i32
    %dma_wait3A_586 = arith.constant 0 : i32
    %dma_wait3A_587 = tpu.memref_slice %arg4[%add3A_585, %dma_wait3A_586] : memref<16384x4096xf32, #tpu.memory_space<hbm>> -> memref<2x4096xf32, #tpu.memory_space<hbm>>
    %dma_wait3A_588 = arith.constant 0 : i32
    %dma_wait3A_589 = tpu.memref_slice %arg4[%add3A_585, %dma_wait3A_588] : memref<16384x4096xf32, #tpu.memory_space<hbm>> -> memref<2x4096xf32, #tpu.memory_space<hbm>>
    tpu.wait_dma2 semaphore(%arg25 : memref<!tpu.dma_semaphore, #tpu.memory_space<semaphore_mem>>) src(%arg9 : memref<2x4096xf32, #tpu.memory_space<vmem>>) dst(%dma_wait3A_589 : memref<2x4096xf32, #tpu.memory_space<hbm>>)
    %add3A_590 = arith.constant 506 : i32
    %add3A_591 = arith.addi %mul3A_2, %add3A_590 : i32
    %dma_wait3A_592 = arith.constant 0 : i32
    %dma_wait3A_593 = tpu.memref_slice %arg2[%add3A_591, %dma_wait3A_592] : memref<16384x4096xf32, #tpu.memory_space<hbm>> -> memref<2x4096xf32, #tpu.memory_space<hbm>>
    %dma_wait3A_594 = arith.constant 0 : i32
    %dma_wait3A_595 = tpu.memref_slice %arg2[%add3A_591, %dma_wait3A_594] : memref<16384x4096xf32, #tpu.memory_space<hbm>> -> memref<2x4096xf32, #tpu.memory_space<hbm>>
    tpu.wait_dma2 semaphore(%arg19 : memref<!tpu.dma_semaphore, #tpu.memory_space<semaphore_mem>>) src(%dma_wait3A_595 : memref<2x4096xf32, #tpu.memory_space<hbm>>) dst(%arg11 : memref<2x4096xf32, #tpu.memory_space<vmem>>)
    %broadcast_in_dim3A_596 = arith.constant 0 : i32
    %broadcast_in_dim3A_597 = vector.broadcast %broadcast_in_dim3A_596 : i32 to vector<16xi32>
    %get3A_598 = arith.constant 0 : index
    %get3A_599 = tpu.vector_load %arg5[%get3A_598] {strides = array<i32>} : memref<64xi32, #tpu.memory_space<vmem>>, vector<16xi32>,
    tpu.vector_store_idx %arg11[%broadcast_in_dim3A_597, %get3A_599], %broadcast_in_dim3A_3 : memref<2x4096xf32, #tpu.memory_space<vmem>>[vector<16xi32>, vector<16xi32>], vector<16xf32>,
    %get3A_600 = arith.constant 16 : index
    %get3A_601 = tpu.vector_load %arg5[%get3A_600] {strides = array<i32>} : memref<64xi32, #tpu.memory_space<vmem>>, vector<16xi32>,
    tpu.vector_store_idx %arg11[%broadcast_in_dim3A_597, %get3A_601], %broadcast_in_dim3A_3 : memref<2x4096xf32, #tpu.memory_space<vmem>>[vector<16xi32>, vector<16xi32>], vector<16xf32>,
    %get3A_602 = arith.constant 32 : index
    %get3A_603 = tpu.vector_load %arg5[%get3A_602] {strides = array<i32>} : memref<64xi32, #tpu.memory_space<vmem>>, vector<16xi32>,
    tpu.vector_store_idx %arg11[%broadcast_in_dim3A_597, %get3A_603], %broadcast_in_dim3A_3 : memref<2x4096xf32, #tpu.memory_space<vmem>>[vector<16xi32>, vector<16xi32>], vector<16xf32>,
    %get3A_604 = arith.constant 48 : index
    %get3A_605 = tpu.vector_load %arg5[%get3A_604] {strides = array<i32>} : memref<64xi32, #tpu.memory_space<vmem>>, vector<16xi32>,
    tpu.vector_store_idx %arg11[%broadcast_in_dim3A_597, %get3A_605], %broadcast_in_dim3A_3 : memref<2x4096xf32, #tpu.memory_space<vmem>>[vector<16xi32>, vector<16xi32>], vector<16xf32>,
    %broadcast_in_dim3A_606 = arith.constant 1 : i32
    %broadcast_in_dim3A_607 = vector.broadcast %broadcast_in_dim3A_606 : i32 to vector<16xi32>
    %get3A_608 = arith.constant 0 : index
    %get3A_609 = tpu.vector_load %arg5[%get3A_608] {strides = array<i32>} : memref<64xi32, #tpu.memory_space<vmem>>, vector<16xi32>,
    tpu.vector_store_idx %arg11[%broadcast_in_dim3A_607, %get3A_609], %broadcast_in_dim3A_3 : memref<2x4096xf32, #tpu.memory_space<vmem>>[vector<16xi32>, vector<16xi32>], vector<16xf32>,
    %get3A_610 = arith.constant 16 : index
    %get3A_611 = tpu.vector_load %arg5[%get3A_610] {strides = array<i32>} : memref<64xi32, #tpu.memory_space<vmem>>, vector<16xi32>,
    tpu.vector_store_idx %arg11[%broadcast_in_dim3A_607, %get3A_611], %broadcast_in_dim3A_3 : memref<2x4096xf32, #tpu.memory_space<vmem>>[vector<16xi32>, vector<16xi32>], vector<16xf32>,
    %get3A_612 = arith.constant 32 : index
    %get3A_613 = tpu.vector_load %arg5[%get3A_612] {strides = array<i32>} : memref<64xi32, #tpu.memory_space<vmem>>, vector<16xi32>,
    tpu.vector_store_idx %arg11[%broadcast_in_dim3A_607, %get3A_613], %broadcast_in_dim3A_3 : memref<2x4096xf32, #tpu.memory_space<vmem>>[vector<16xi32>, vector<16xi32>], vector<16xf32>,
    %get3A_614 = arith.constant 48 : index
    %get3A_615 = tpu.vector_load %arg5[%get3A_614] {strides = array<i32>} : memref<64xi32, #tpu.memory_space<vmem>>, vector<16xi32>,
    tpu.vector_store_idx %arg11[%broadcast_in_dim3A_607, %get3A_615], %broadcast_in_dim3A_3 : memref<2x4096xf32, #tpu.memory_space<vmem>>[vector<16xi32>, vector<16xi32>], vector<16xf32>,
    %add3A_616 = arith.constant 506 : i32
    %add3A_617 = arith.addi %mul3A_2, %add3A_616 : i32
    %dma_start3A_618 = arith.constant 0 : i32
    %dma_start3A_619 = tpu.memref_slice %arg4[%add3A_617, %dma_start3A_618] : memref<16384x4096xf32, #tpu.memory_space<hbm>> -> memref<2x4096xf32, #tpu.memory_space<hbm>>
    %dma_start3A_620 = arith.constant 0 : i32
    %dma_start3A_621 = tpu.memref_slice %arg4[%add3A_617, %dma_start3A_620] : memref<16384x4096xf32, #tpu.memory_space<hbm>> -> memref<2x4096xf32, #tpu.memory_space<hbm>>
    tpu.enqueue_dma source(%arg11 : memref<2x4096xf32, #tpu.memory_space<vmem>>) target(%dma_start3A_621 : memref<2x4096xf32, #tpu.memory_space<hbm>>) target_semaphore(%arg27 : memref<!tpu.dma_semaphore, #tpu.memory_space<semaphore_mem>>)
    %add3A_622 = arith.constant 504 : i32
    %add3A_623 = arith.addi %mul3A_2, %add3A_622 : i32
    %dma_wait3A_624 = arith.constant 0 : i32
    %dma_wait3A_625 = tpu.memref_slice %arg4[%add3A_623, %dma_wait3A_624] : memref<16384x4096xf32, #tpu.memory_space<hbm>> -> memref<2x4096xf32, #tpu.memory_space<hbm>>
    %dma_wait3A_626 = arith.constant 0 : i32
    %dma_wait3A_627 = tpu.memref_slice %arg4[%add3A_623, %dma_wait3A_626] : memref<16384x4096xf32, #tpu.memory_space<hbm>> -> memref<2x4096xf32, #tpu.memory_space<hbm>>
    tpu.wait_dma2 semaphore(%arg26 : memref<!tpu.dma_semaphore, #tpu.memory_space<semaphore_mem>>) src(%arg10 : memref<2x4096xf32, #tpu.memory_space<vmem>>) dst(%dma_wait3A_627 : memref<2x4096xf32, #tpu.memory_space<hbm>>)
    %add3A_628 = arith.constant 508 : i32
    %add3A_629 = arith.addi %mul3A_2, %add3A_628 : i32
    %dma_wait3A_630 = arith.constant 0 : i32
    %dma_wait3A_631 = tpu.memref_slice %arg2[%add3A_629, %dma_wait3A_630] : memref<16384x4096xf32, #tpu.memory_space<hbm>> -> memref<2x4096xf32, #tpu.memory_space<hbm>>
    %dma_wait3A_632 = arith.constant 0 : i32
    %dma_wait3A_633 = tpu.memref_slice %arg2[%add3A_629, %dma_wait3A_632] : memref<16384x4096xf32, #tpu.memory_space<hbm>> -> memref<2x4096xf32, #tpu.memory_space<hbm>>
    tpu.wait_dma2 semaphore(%arg20 : memref<!tpu.dma_semaphore, #tpu.memory_space<semaphore_mem>>) src(%dma_wait3A_633 : memref<2x4096xf32, #tpu.memory_space<hbm>>) dst(%arg12 : memref<2x4096xf32, #tpu.memory_space<vmem>>)
    %broadcast_in_dim3A_634 = arith.constant 0 : i32
    %broadcast_in_dim3A_635 = vector.broadcast %broadcast_in_dim3A_634 : i32 to vector<16xi32>
    %get3A_636 = arith.constant 0 : index
    %get3A_637 = tpu.vector_load %arg5[%get3A_636] {strides = array<i32>} : memref<64xi32, #tpu.memory_space<vmem>>, vector<16xi32>,
    tpu.vector_store_idx %arg12[%broadcast_in_dim3A_635, %get3A_637], %broadcast_in_dim3A_3 : memref<2x4096xf32, #tpu.memory_space<vmem>>[vector<16xi32>, vector<16xi32>], vector<16xf32>,
    %get3A_638 = arith.constant 16 : index
    %get3A_639 = tpu.vector_load %arg5[%get3A_638] {strides = array<i32>} : memref<64xi32, #tpu.memory_space<vmem>>, vector<16xi32>,
    tpu.vector_store_idx %arg12[%broadcast_in_dim3A_635, %get3A_639], %broadcast_in_dim3A_3 : memref<2x4096xf32, #tpu.memory_space<vmem>>[vector<16xi32>, vector<16xi32>], vector<16xf32>,
    %get3A_640 = arith.constant 32 : index
    %get3A_641 = tpu.vector_load %arg5[%get3A_640] {strides = array<i32>} : memref<64xi32, #tpu.memory_space<vmem>>, vector<16xi32>,
    tpu.vector_store_idx %arg12[%broadcast_in_dim3A_635, %get3A_641], %broadcast_in_dim3A_3 : memref<2x4096xf32, #tpu.memory_space<vmem>>[vector<16xi32>, vector<16xi32>], vector<16xf32>,
    %get3A_642 = arith.constant 48 : index
    %get3A_643 = tpu.vector_load %arg5[%get3A_642] {strides = array<i32>} : memref<64xi32, #tpu.memory_space<vmem>>, vector<16xi32>,
    tpu.vector_store_idx %arg12[%broadcast_in_dim3A_635, %get3A_643], %broadcast_in_dim3A_3 : memref<2x4096xf32, #tpu.memory_space<vmem>>[vector<16xi32>, vector<16xi32>], vector<16xf32>,
    %broadcast_in_dim3A_644 = arith.constant 1 : i32
    %broadcast_in_dim3A_645 = vector.broadcast %broadcast_in_dim3A_644 : i32 to vector<16xi32>
    %get3A_646 = arith.constant 0 : index
    %get3A_647 = tpu.vector_load %arg5[%get3A_646] {strides = array<i32>} : memref<64xi32, #tpu.memory_space<vmem>>, vector<16xi32>,
    tpu.vector_store_idx %arg12[%broadcast_in_dim3A_645, %get3A_647], %broadcast_in_dim3A_3 : memref<2x4096xf32, #tpu.memory_space<vmem>>[vector<16xi32>, vector<16xi32>], vector<16xf32>,
    %get3A_648 = arith.constant 16 : index
    %get3A_649 = tpu.vector_load %arg5[%get3A_648] {strides = array<i32>} : memref<64xi32, #tpu.memory_space<vmem>>, vector<16xi32>,
    tpu.vector_store_idx %arg12[%broadcast_in_dim3A_645, %get3A_649], %broadcast_in_dim3A_3 : memref<2x4096xf32, #tpu.memory_space<vmem>>[vector<16xi32>, vector<16xi32>], vector<16xf32>,
    %get3A_650 = arith.constant 32 : index
    %get3A_651 = tpu.vector_load %arg5[%get3A_650] {strides = array<i32>} : memref<64xi32, #tpu.memory_space<vmem>>, vector<16xi32>,
    tpu.vector_store_idx %arg12[%broadcast_in_dim3A_645, %get3A_651], %broadcast_in_dim3A_3 : memref<2x4096xf32, #tpu.memory_space<vmem>>[vector<16xi32>, vector<16xi32>], vector<16xf32>,
    %get3A_652 = arith.constant 48 : index
    %get3A_653 = tpu.vector_load %arg5[%get3A_652] {strides = array<i32>} : memref<64xi32, #tpu.memory_space<vmem>>, vector<16xi32>,
    tpu.vector_store_idx %arg12[%broadcast_in_dim3A_645, %get3A_653], %broadcast_in_dim3A_3 : memref<2x4096xf32, #tpu.memory_space<vmem>>[vector<16xi32>, vector<16xi32>], vector<16xf32>,
    %add3A_654 = arith.constant 508 : i32
    %add3A_655 = arith.addi %mul3A_2, %add3A_654 : i32
    %dma_start3A_656 = arith.constant 0 : i32
    %dma_start3A_657 = tpu.memref_slice %arg4[%add3A_655, %dma_start3A_656] : memref<16384x4096xf32, #tpu.memory_space<hbm>> -> memref<2x4096xf32, #tpu.memory_space<hbm>>
    %dma_start3A_658 = arith.constant 0 : i32
    %dma_start3A_659 = tpu.memref_slice %arg4[%add3A_655, %dma_start3A_658] : memref<16384x4096xf32, #tpu.memory_space<hbm>> -> memref<2x4096xf32, #tpu.memory_space<hbm>>
    tpu.enqueue_dma source(%arg12 : memref<2x4096xf32, #tpu.memory_space<vmem>>) target(%dma_start3A_659 : memref<2x4096xf32, #tpu.memory_space<hbm>>) target_semaphore(%arg28 : memref<!tpu.dma_semaphore, #tpu.memory_space<semaphore_mem>>)
    %add3A_660 = arith.constant 506 : i32
    %add3A_661 = arith.addi %mul3A_2, %add3A_660 : i32
    %dma_wait3A_662 = arith.constant 0 : i32
    %dma_wait3A_663 = tpu.memref_slice %arg4[%add3A_661, %dma_wait3A_662] : memref<16384x4096xf32, #tpu.memory_space<hbm>> -> memref<2x4096xf32, #tpu.memory_space<hbm>>
    %dma_wait3A_664 = arith.constant 0 : i32
    %dma_wait3A_665 = tpu.memref_slice %arg4[%add3A_661, %dma_wait3A_664] : memref<16384x4096xf32, #tpu.memory_space<hbm>> -> memref<2x4096xf32, #tpu.memory_space<hbm>>
    tpu.wait_dma2 semaphore(%arg27 : memref<!tpu.dma_semaphore, #tpu.memory_space<semaphore_mem>>) src(%arg11 : memref<2x4096xf32, #tpu.memory_space<vmem>>) dst(%dma_wait3A_665 : memref<2x4096xf32, #tpu.memory_space<hbm>>)
    %add3A_666 = arith.constant 510 : i32
    %add3A_667 = arith.addi %mul3A_2, %add3A_666 : i32
    %dma_wait3A_668 = arith.constant 0 : i32
    %dma_wait3A_669 = tpu.memref_slice %arg2[%add3A_667, %dma_wait3A_668] : memref<16384x4096xf32, #tpu.memory_space<hbm>> -> memref<2x4096xf32, #tpu.memory_space<hbm>>
    %dma_wait3A_670 = arith.constant 0 : i32
    %dma_wait3A_671 = tpu.memref_slice %arg2[%add3A_667, %dma_wait3A_670] : memref<16384x4096xf32, #tpu.memory_space<hbm>> -> memref<2x4096xf32, #tpu.memory_space<hbm>>
    tpu.wait_dma2 semaphore(%arg21 : memref<!tpu.dma_semaphore, #tpu.memory_space<semaphore_mem>>) src(%dma_wait3A_671 : memref<2x4096xf32, #tpu.memory_space<hbm>>) dst(%arg13 : memref<2x4096xf32, #tpu.memory_space<vmem>>)
    %broadcast_in_dim3A_672 = arith.constant 0 : i32
    %broadcast_in_dim3A_673 = vector.broadcast %broadcast_in_dim3A_672 : i32 to vector<16xi32>
    %get3A_674 = arith.constant 0 : index
    %get3A_675 = tpu.vector_load %arg5[%get3A_674] {strides = array<i32>} : memref<64xi32, #tpu.memory_space<vmem>>, vector<16xi32>,
    tpu.vector_store_idx %arg13[%broadcast_in_dim3A_673, %get3A_675], %broadcast_in_dim3A_3 : memref<2x4096xf32, #tpu.memory_space<vmem>>[vector<16xi32>, vector<16xi32>], vector<16xf32>,
    %get3A_676 = arith.constant 16 : index
    %get3A_677 = tpu.vector_load %arg5[%get3A_676] {strides = array<i32>} : memref<64xi32, #tpu.memory_space<vmem>>, vector<16xi32>,
    tpu.vector_store_idx %arg13[%broadcast_in_dim3A_673, %get3A_677], %broadcast_in_dim3A_3 : memref<2x4096xf32, #tpu.memory_space<vmem>>[vector<16xi32>, vector<16xi32>], vector<16xf32>,
    %get3A_678 = arith.constant 32 : index
    %get3A_679 = tpu.vector_load %arg5[%get3A_678] {strides = array<i32>} : memref<64xi32, #tpu.memory_space<vmem>>, vector<16xi32>,
    tpu.vector_store_idx %arg13[%broadcast_in_dim3A_673, %get3A_679], %broadcast_in_dim3A_3 : memref<2x4096xf32, #tpu.memory_space<vmem>>[vector<16xi32>, vector<16xi32>], vector<16xf32>,
    %get3A_680 = arith.constant 48 : index
    %get3A_681 = tpu.vector_load %arg5[%get3A_680] {strides = array<i32>} : memref<64xi32, #tpu.memory_space<vmem>>, vector<16xi32>,
    tpu.vector_store_idx %arg13[%broadcast_in_dim3A_673, %get3A_681], %broadcast_in_dim3A_3 : memref<2x4096xf32, #tpu.memory_space<vmem>>[vector<16xi32>, vector<16xi32>], vector<16xf32>,
    %broadcast_in_dim3A_682 = arith.constant 1 : i32
    %broadcast_in_dim3A_683 = vector.broadcast %broadcast_in_dim3A_682 : i32 to vector<16xi32>
    %get3A_684 = arith.constant 0 : index
    %get3A_685 = tpu.vector_load %arg5[%get3A_684] {strides = array<i32>} : memref<64xi32, #tpu.memory_space<vmem>>, vector<16xi32>,
    tpu.vector_store_idx %arg13[%broadcast_in_dim3A_683, %get3A_685], %broadcast_in_dim3A_3 : memref<2x4096xf32, #tpu.memory_space<vmem>>[vector<16xi32>, vector<16xi32>], vector<16xf32>,
    %get3A_686 = arith.constant 16 : index
    %get3A_687 = tpu.vector_load %arg5[%get3A_686] {strides = array<i32>} : memref<64xi32, #tpu.memory_space<vmem>>, vector<16xi32>,
    tpu.vector_store_idx %arg13[%broadcast_in_dim3A_683, %get3A_687], %broadcast_in_dim3A_3 : memref<2x4096xf32, #tpu.memory_space<vmem>>[vector<16xi32>, vector<16xi32>], vector<16xf32>,
    %get3A_688 = arith.constant 32 : index
    %get3A_689 = tpu.vector_load %arg5[%get3A_688] {strides = array<i32>} : memref<64xi32, #tpu.memory_space<vmem>>, vector<16xi32>,
    tpu.vector_store_idx %arg13[%broadcast_in_dim3A_683, %get3A_689], %broadcast_in_dim3A_3 : memref<2x4096xf32, #tpu.memory_space<vmem>>[vector<16xi32>, vector<16xi32>], vector<16xf32>,
    %get3A_690 = arith.constant 48 : index
    %get3A_691 = tpu.vector_load %arg5[%get3A_690] {strides = array<i32>} : memref<64xi32, #tpu.memory_space<vmem>>, vector<16xi32>,
    tpu.vector_store_idx %arg13[%broadcast_in_dim3A_683, %get3A_691], %broadcast_in_dim3A_3 : memref<2x4096xf32, #tpu.memory_space<vmem>>[vector<16xi32>, vector<16xi32>], vector<16xf32>,
    %add3A_692 = arith.constant 510 : i32
    %add3A_693 = arith.addi %mul3A_2, %add3A_692 : i32
    %dma_start3A_694 = arith.constant 0 : i32
    %dma_start3A_695 = tpu.memref_slice %arg4[%add3A_693, %dma_start3A_694] : memref<16384x4096xf32, #tpu.memory_space<hbm>> -> memref<2x4096xf32, #tpu.memory_space<hbm>>
    %dma_start3A_696 = arith.constant 0 : i32
    %dma_start3A_697 = tpu.memref_slice %arg4[%add3A_693, %dma_start3A_696] : memref<16384x4096xf32, #tpu.memory_space<hbm>> -> memref<2x4096xf32, #tpu.memory_space<hbm>>
    tpu.enqueue_dma source(%arg13 : memref<2x4096xf32, #tpu.memory_space<vmem>>) target(%dma_start3A_697 : memref<2x4096xf32, #tpu.memory_space<hbm>>) target_semaphore(%arg29 : memref<!tpu.dma_semaphore, #tpu.memory_space<semaphore_mem>>)
    %add3A_698 = arith.constant 508 : i32
    %add3A_699 = arith.addi %mul3A_2, %add3A_698 : i32
    %dma_wait3A_700 = arith.constant 0 : i32
    %dma_wait3A_701 = tpu.memref_slice %arg4[%add3A_699, %dma_wait3A_700] : memref<16384x4096xf32, #tpu.memory_space<hbm>> -> memref<2x4096xf32, #tpu.memory_space<hbm>>
    %dma_wait3A_702 = arith.constant 0 : i32
    %dma_wait3A_703 = tpu.memref_slice %arg4[%add3A_699, %dma_wait3A_702] : memref<16384x4096xf32, #tpu.memory_space<hbm>> -> memref<2x4096xf32, #tpu.memory_space<hbm>>
    tpu.wait_dma2 semaphore(%arg28 : memref<!tpu.dma_semaphore, #tpu.memory_space<semaphore_mem>>) src(%arg12 : memref<2x4096xf32, #tpu.memory_space<vmem>>) dst(%dma_wait3A_703 : memref<2x4096xf32, #tpu.memory_space<hbm>>)
    %add3A_704 = arith.constant 510 : i32
    %add3A_705 = arith.addi %mul3A_2, %add3A_704 : i32
    %dma_wait3A_706 = arith.constant 0 : i32
    %dma_wait3A_707 = tpu.memref_slice %arg4[%add3A_705, %dma_wait3A_706] : memref<16384x4096xf32, #tpu.memory_space<hbm>> -> memref<2x4096xf32, #tpu.memory_space<hbm>>
    %dma_wait3A_708 = arith.constant 0 : i32
    %dma_wait3A_709 = tpu.memref_slice %arg4[%add3A_705, %dma_wait3A_708] : memref<16384x4096xf32, #tpu.memory_space<hbm>> -> memref<2x4096xf32, #tpu.memory_space<hbm>>
    tpu.wait_dma2 semaphore(%arg29 : memref<!tpu.dma_semaphore, #tpu.memory_space<semaphore_mem>>) src(%arg13 : memref<2x4096xf32, #tpu.memory_space<vmem>>) dst(%dma_wait3A_709 : memref<2x4096xf32, #tpu.memory_space<hbm>>)
    return
  }
}

</mosaic_0001>

<sc_bundles>
// kernel: kernel.3.cloned.1.call-start
scs
__scs_entry_jumppad:
0x0: {  	(pc) =	sbr.rel $0x88, $3  }
0x1: {  	(tag) =	ssettag $0x0;
	lr =	simm.s32 $0x1  }
0x2: {  	[smem:$0x3F9F] =	sst lr;
	_ =	strace $0xD0000000  }
0x3: {  	_ = 	snop  }
0x4: {  	_ = 	snop  }
0x5: {  	_ = 	snop  }
0x6: {  	_ = 	snop  }
0x7: {  	_ = 	snop  }
__scs_overlays_trampoline_lowered:
0x8: {  	[smem:$0x3FAE] =	sst s0  }
0x9: {  	[smem:$0x3FAF] =	sst s1  }
0xa: {  	[smem:$0x3FB0] =	sst s2  }
0xb: {  	[smem:$0x3FB1] =	sst s3  }
0xc: {  	[smem:$0x3FB2] =	sst s4  }
0xd: {  	[smem:$0x3FB3] =	sst s5  }
0xe: {  	[smem:$0x3FB4] =	sst s6  }
0xf: {  	[smem:$0x3FB5] =	sst s7  }
0x10: {  	[smem:$0x3FB6] =	sst s8  }
0x11: {  	[smem:$0x3FB7] =	sst s9;
	s0 =	simm.s32 @!p0 $0x0  }
0x12: {  	s1 =	sld [smem:$0x3F9D];
	s0 =	simm.s32 @p0 $0x1  }
0x13: {  	[smem:$0x3FB8] =	sst s0;
	s0 =	simm.s32 @!p1 $0x0  }
0x14: {  	s2 =	sld [smem:$0x3F9C];
	s0 =	simm.s32 @p1 $0x1  }
0x15: {  	[smem:$0x3FB9] =	sst s0;
	s0 =	simm.s32 @!p2 $0x0  }
0x16: {  	s3 =	sld [smem:$0x3FDB];
	s0 =	simm.s32 @p2 $0x1  }
0x17: {  	s4 =	simm.s32 $0x1BF5;
	[smem:$0x3FBB] =	sst s0  }
0x18: {  	s0 =	sld [smem:$0x3F9E];
	_ =	swait.ge [sflag:s4], $0x0  }
0x19: {  	s7 =	sld [smem:$0x3F9F]  }
0x1a: {  	s8 =	sadd.s32 $0xFFFFE003, lr  }
0x1b: {  	s9 =	sadd.s32 $0xFFFFFEF7, lr;
	s5 =	simm.s32 $0xFFFFFFFF;
	p2 =	slt.u32 s8, $0xFFFFF086  }
0x1c: {  	p1 =	slt.u32 s9, $0xF7A;
	s5 =	simm.s32 @!p2 $0x0  }
0x1d: {  	s5 =	simm.s32 @p1 $0x1;
	p0 =	seq.s32 s7, s2  }
0x1e: {  	s7 =	smul.u32 @!p0 $0xF7A, s2;
	p2 =	seq.s32 @!p0 s5, $0x0  }
0x1f: {  	s9 =	smul.u32 $0xF7A, s1;
	s8 =	simm.s32 @!p0 $0x1BF5;
	p2 =	por !p2, p0  }
0x20: {  	[sflag:s8] =	ssyncset.s32 @!p0 $0xFFFFF086;
	s6 =	sadd.s32 @!p0 s3, s7;
	s7 =	simm.s32 @!p0 $0x108  }
0x21: {  	s3 =	sadd.s32 s3, s9;
	s6 =	sadd.s32 @!p0 $0x88, s6;
	s7 =	simm.s32 @p2 $0x1082  }
0x22: {  	[simem:s7], [sflag:s8] =	dma.local @!p0 [hbm:s6], $0xF7A  }
0x23: {  	s9 =	sor.u32 $0xD0000000, s2;
	s6 =	simm.s32 $0x108;
	_ =	swait.ge @!p0 [sflag:s8], $0x0  }
0x24: {  	s3 =	sadd.s32 $0x88, s3;
	s6 =	simm.s32 @!p1 $0x1082;
	[sflag:s4] =	ssyncset.s32 $0xFFFFF086  }
0x25: {  	[simem:s6], [sflag:s4] =	dma.local [hbm:s3], $0xF7A  }
0x26: {  	[smem:$0x3F9F] =	sst s1;
	(tag) =	ssettag s2;
	_ =	strace s9  }
0x27: {  	s1 =	sld [smem:$0x3FAF]  }
0x28: {  	s2 =	sld [smem:$0x3FB0]  }
0x29: {  	s4 =	sld [smem:$0x3FB2]  }
0x2a: {  	p0 =	seq.s32 s5, $0x0;
	s5 =	sld [smem:$0x3FB3]  }
0x2b: {  	s6 =	sld [smem:$0x3FB4]  }
0x2c: {  	s7 =	sld [smem:$0x3FB5]  }
0x2d: {  	s3 =	simm.s32 $0x108;
	s8 =	sld [smem:$0x3FB6]  }
0x2e: {  	s3 =	simm.s32 @!p0 $0x1082;
	s9 =	sld [smem:$0x3FB7]  }
0x2f: {  	lr =	sadd.s32 s0, s3;
	s0 =	sld [smem:$0x3FAE]  }
0x30: {  	s3 =	sld [smem:$0x3FB1]  }
0x31: {  	[smem:$0x3FBA] =	sst s10  }
0x32: {  	s10 =	sld [smem:$0x3FB8];
	_ =	sdelay $0x3  }
0x33: {  	p0 =	seq.s32 s10, $0x1;
	s10 =	sld [smem:$0x3FBA];
	_ =	sdelay $0x3  }
0x34: {  	[smem:$0x3FBA] =	sst s10  }
0x35: {  	s10 =	sld [smem:$0x3FB9];
	_ =	sdelay $0x3  }
0x36: {  	p1 =	seq.s32 s10, $0x1;
	s10 =	sld [smem:$0x3FBA];
	_ =	sdelay $0x3  }
0x37: {  	[smem:$0x3FBA] =	sst s10  }
0x38: {  	s10 =	sld [smem:$0x3FBB]  }
0x39: {  	_ = 	snop;
	(pc) =	sbr.ind lr, $3  }
0x3a: {  	_ = 	snop  }
0x3b: {  	_ = 	snop  }
0x3c: {  	p2 =	seq.s32 s10, $0x1;
	s10 =	sld [smem:$0x3FBA]  }
0x3d: {  	_ =	shalt  }
0x3e: {  	_ =	shalt  }
0x3f: {  	_ =	shalt  }
0x40: {  	_ =	shalt  }
0x41: {  	_ =	shalt  }
0x42: {  	_ =	shalt  }
0x43: {  	_ =	shalt  }
0x44: {  	_ =	shalt  }
0x45: {  	_ =	shalt  }
0x46: {  	_ =	shalt  }
0x47: {  	_ =	shalt  }
0x48: {  	_ =	shalt  }
0x49: {  	_ =	shalt  }
0x4a: {  	_ =	shalt  }
0x4b: {  	_ =	shalt  }
0x4c: {  	_ =	shalt  }
0x4d: {  	_ =	shalt  }
0x4e: {  	_ =	shalt  }
0x4f: {  	_ =	shalt  }
0x50: {  	_ =	shalt  }
0x51: {  	_ =	shalt  }
0x52: {  	_ =	shalt  }
0x53: {  	_ =	shalt  }
0x54: {  	_ =	shalt  }
0x55: {  	_ =	shalt  }
0x56: {  	_ =	shalt  }
0x57: {  	_ =	shalt  }
0x58: {  	_ =	shalt  }
0x59: {  	_ =	shalt  }
0x5a: {  	_ =	shalt  }
0x5b: {  	_ =	shalt  }
0x5c: {  	_ =	shalt  }
0x5d: {  	_ =	shalt  }
0x5e: {  	_ =	shalt  }
0x5f: {  	_ =	shalt  }
0x60: {  	_ =	shalt  }
0x61: {  	_ =	shalt  }
0x62: {  	_ =	shalt  }
0x63: {  	_ =	shalt  }
0x64: {  	_ =	shalt  }
0x65: {  	_ =	shalt  }
0x66: {  	_ =	shalt  }
0x67: {  	_ =	shalt  }
0x68: {  	_ =	shalt  }
0x69: {  	_ =	shalt  }
0x6a: {  	_ =	shalt  }
0x6b: {  	_ =	shalt  }
0x6c: {  	_ =	shalt  }
0x6d: {  	_ =	shalt  }
0x6e: {  	_ =	shalt  }
0x6f: {  	_ =	shalt  }
0x70: {  	_ =	shalt  }
0x71: {  	_ =	shalt  }
0x72: {  	_ =	shalt  }
0x73: {  	_ =	shalt  }
0x74: {  	_ =	shalt  }
0x75: {  	_ =	shalt  }
0x76: {  	_ =	shalt  }
0x77: {  	_ =	shalt  }
0x78: {  	_ =	shalt  }
0x79: {  	_ =	shalt  }
0x7a: {  	_ =	shalt  }
0x7b: {  	_ =	shalt  }
0x7c: {  	_ =	shalt  }
0x7d: {  	_ =	shalt  }
0x7e: {  	_ =	shalt  }
0x7f: {  	_ =	shalt  }
0x80: {  	_ =	shalt  }
0x81: {  	_ =	shalt  }
0x82: {  	_ =	shalt  }
0x83: {  	_ =	shalt  }
0x84: {  	_ =	shalt  }
0x85: {  	_ =	shalt  }
0x86: {  	_ =	shalt  }
0x87: {  	_ =	shalt  }
.Lfunc_end0:
.L_simem_size_0:
called_computation_lowered:
.L_overlay_start_0:
0x88: {  	s2 =	sld [smem:$0x3FD9]  }
0x89: {  	s3 =	sld [smem:$0x3FFE];
	_ =	sdelay $0x1  }
0x8a: {  	s1 =	srdreg.scid  }
0x8b: {  	s0 =	sand.u32 $0x1, s1  }
0x8c: {  	s18 =	sshll.u32 s0, $0xA;
	s2 =	sadd.s32 s3, s2  }
0x8d: {  	s2 =	sadd.s32 s2, s18  }
0x8e: {  	[smem:$0x3FC6] =	sst s2  }
0x8f: {  	_ = 	snop  }
0x90: {  	s2 =	sld [smem:$0x3FC9]  }
0x91: {  	s19 =	sld [smem:$0x3FC8]  }
0x92: {  	s4 =	sld [smem:$0x3FD0];
	(tm) =	ssettm $0x1  }
0x93: {  	s5 =	sld [smem:$0x3FFB];
	_ =	sdelay $0x3  }
0x94: {  	_ =	strace s5  }
0x95: {  	s5 =	sld [smem:$0x3FFC];
	_ =	sdelay $0x3  }
0x96: {  	_ =	strace s5  }
0x97: {  	s5 =	sld [smem:$0x3FFD];
	_ =	sdelay $0x3  }
0x98: {  	_ =	strace s5  }
0x99: {  	_ =	strace $0x8FFFFFFF  }
0x9a: {  	s20 =	sld [smem:$0x3FDB];
	_ =	sdelay $0x1  }
0x9b: {  	s6 =	simm.s32 $_scs_section_size  }
0x9c: {  	s7 =	simm.s32 $_size__tile_overlayer_lowered;
	s8 =	simm.s32 $_tile_overlayer_lowered  }
0x9d: {  	s23 =	simm.s32 $0x1BFF;
	s22 =	sshll.u32 s8, $0x1;
	s5 =	sadd.s32 s6, s20  }
0x9e: {  	s9 =	simm.s32 $0x0;
	s21 =	sshll.u32 s7, $0x1;
	s7 =	sadd.s32 s22, s5  }
0x9f: {  	[timem:s9], [sflag:s23] =	dma.local [hbm:s7], s21  }
0xa0: {  	_ =	swait.ge [sflag:s23], s21  }
0xa1: {  	s6 =	ssub.s32 $0x0, s21;
	[sflag:s23] =	ssyncset.done $0x0  }
0xa2: {  	[sflag:s23] =	ssyncadd.s32 s6;
	_ =	sdelay $0x1  }
0xa3: {  	s24 =	simm.s32 $0x1B8B  }
0xa4: {  	_ =	swait.ge [sflag:s24], $0x1  }
0xa5: {  	[sflag:s24] =	ssyncset.done $0x0  }
0xa6: {  	s25 =	simm.s32 $0x1B8E;
	[sflag:s24] =	ssyncadd.s32 $0xFFFFFFFF  }
0xa7: {  	s26 =	simm.s32 $execute0_lowered;
	[smem:$0x3FD2] =	sst s25  }
0xa8: {  	s6 =	sshll.u32 s26, $0x1;
	_ =	strace $0x80000046;
	[dreg:$0x1] =	wrdreg $0xFFFFFFFF  }
0xa9: {  	s28 =	simm.s32 $_size_execute0_lowered;
	s5 =	sadd.s32 s5, s6;
	[dreg:$0x0] =	wrdreg $0x0  }
0xaa: {  	s6 =	sshll.u32 s28, $0x1;
	[dreg:$0x2] =	wrdreg s5  }
0xab: {  	[dreg:$0x3] =	wrdreg s6  }
0xac: {  	[dreg:$0x4] =	wrdreg $0xC0  }
0xad: {  	_ =	task [dreg:s9], $0x5FFFF  }
0xae: {  	[dreg:$0x1] =	wrdreg $0xFFFFFFFF  }
0xaf: {  	[dreg:$0x0] =	wrdreg $0x60  }
0xb0: {  	[dreg:$0x2] =	wrdreg s2  }
0xb1: {  	[dreg:$0x3] =	wrdreg s19  }
0xb2: {  	[dreg:$0x4] =	wrdreg s4  }
0xb3: {  	[dreg:$0x5] =	wrdreg $0x9  }
0xb4: {  	_ =	task.clear_ibuf [dreg:s9], $0x6FFFF;
	_ =	strace $0x90000046  }
0xb5: {  	s29 =	simm.s32 $0x9;
	_ =	strace $0x80000048  }
0xb6: {  	_ =	swait.ge [sflag:s29], $0x1  }
0xb7: {  	[sflag:s29] =	ssyncadd.s32 $0xFFFFFFFF  }
0xb8: {  	_ =	strace $0x90000048  }
0xb9: {  	_ =	sfence  }
0xba: {  	s30 =	sld [smem:$0x0];
	_ =	sdelay $0x2  }
0xbb: {  	s31 =	sshll.u32 s1, $0xD;
	s1 =	sshrl.u32 s1, $0x2  }
0xbc: {  	s3 =	sand.u32 $0x4000, s31;
	s1 =	sadd.s32 s1, s30  }
0xbd: {  	s0 =	sor.u32 s3, s0;
	s1 =	sshll.u32 s1, $0x11  }
0xbe: {  	s0 =	sor.u32 s1, s0  }
0xbf: {  	s0 =	sadd.s32 $0x8F2B, s0  }
0xc0: {  	[sflag:s0] =	ssyncadd.remote.s32 $0x1  }
0xc1: {  	_ =	sfence.sel $0xFFFF  }
0xc2: {  	[dreg:$0x0] =	wrdreg $0xFFFFFFFF;
	(pc) =	sbr.abs _section_cstart, $3  }
0xc3: {  	[dreg:$0x1] =	wrdreg $0xFFFFFFFF  }
0xc4: {  	_ =	task.clear_ibuf [dreg:s9], $0x2FFFF;
	_ =	strace $0x9FFFFFFF  }
0xc5: {  	(tm) =	ssettm $0x7FFFFFFF  }
tec
execute0_lowered:
.L_overlay_start_1:
0x0: {  	(tag) =	ssettag $0x1  }
0x1: {  	s0 =	rddreg [dreg:$0x0]  }
0x2: {  	s1 =	rddreg [dreg:$0x2]  }
0x3: {  	s2 =	srdreg.scid;
	s5 =	simm.s32 $0x0;
	s4 =	stileid.u32  }
0x4: {  	s2 =	sand.u32 $0x1, s2;
	s4 =	sshll.u32 s4, $0x13;
	[smem:$0x7FF] =	sst s5  }
0x5: {  	s3 =	ssub.s32 $0x2, s2;
	s2 =	sshll.u32 s2, $0x12;
	s12 =	sadd.s32 s4, s1  }
0x6: {  	s6 =	sor.u32 s2, s4;
	s12 =	sadd.s32 s2, s12;
	s4 =	sadd.s32 s4, s0  }
0x7: {  	_ =	strace $0x80000047;
	[dreg:$0x4] =	wrdreg s12;
	s2 =	sadd.s32 s2, s4  }
0x8: {  	s14 =	sadd.s32 s6, s0;
	[dreg:$0x5] =	wrdreg s2  }
0x9: {  	s24 =	sor.u32 $0x20, s6;
	s15 =	sadd.s32 s1, s6;
	[dreg:$0x8] =	wrdreg s14  }
0xa: {  	s25 =	sor.u32 $0x40, s6;
	s7 =	sadd.s32 s0, s24;
	[dreg:$0xf] =	wrdreg s15  }
0xb: {  	s26 =	sor.u32 $0x60, s6;
	s8 =	sadd.s32 s0, s25;
	[dreg:$0x9] =	wrdreg s7  }
0xc: {  	s9 =	sor.u32 $0x1000, s6;
	s10 =	sadd.s32 s0, s26;
	[dreg:$0xa] =	wrdreg s8  }
0xd: {  	s17 =	sor.u32 $0x1020, s6;
	s16 =	sadd.s32 s0, s9;
	[dreg:$0xb] =	wrdreg s10  }
0xe: {  	s18 =	sor.u32 $0x1040, s6;
	s11 =	sadd.s32 s0, s17;
	[dreg:$0xc] =	wrdreg s16  }
0xf: {  	s19 =	sor.u32 $0x1060, s6;
	s13 =	sadd.s32 s0, s18;
	[dreg:$0xd] =	wrdreg s11  }
0x10: {  	s20 =	sadd.s32 s0, s19;
	[dreg:$0xe] =	wrdreg s13  }
0x11: {  	s5 =	sadd.s32 s1, s24;
	[dreg:$0x10] =	wrdreg s20  }
0x12: {  	s21 =	sadd.s32 $0x2000, s14;
	[dreg:$0x11] =	wrdreg s5  }
0x13: {  	s23 =	sshrl.u32 s3, $0x1;
	s22 =	sadd.s32 s1, s25;
	[dreg:$0x12] =	wrdreg s21  }
0x14: {  	s3 =	ssub.s32 s3, s23;
	s23 =	sadd.s32 s1, s26;
	[dreg:$0x13] =	wrdreg s22  }
0x15: {  	s24 =	sadd.s32 s1, s9;
	[dreg:$0x14] =	wrdreg s23  }
0x16: {  	s25 =	sadd.s32 s1, s17;
	[dreg:$0x15] =	wrdreg s24  }
0x17: {  	s26 =	sor.u32 $0x3F060, s6;
	s6 =	sadd.s32 s1, s18;
	[dreg:$0x16] =	wrdreg s25  }
0x18: {  	s9 =	sadd.s32 $0x5000, s14;
	[dreg:$0x17] =	wrdreg s6  }
0x19: {  	s12 =	sadd.s32 $0x2040, s14;
	[dreg:$0x6] =	wrdreg s9  }
0x1a: {  	s17 =	sadd.s32 $0x3000, s14;
	[dreg:$0x1c] =	wrdreg s12  }
0x1b: {  	s18 =	sadd.s32 $0x3020, s14;
	[dreg:$0x1f] =	wrdreg s17  }
0x1c: {  	s7 =	sadd.s32 s1, s19;
	[smem:$0x7F5] =	sst s18  }
0x1d: {  	s0 =	sadd.s32 s0, s26;
	[dreg:$0x18] =	wrdreg s7  }
0x1e: {  	s28 =	simm.s32 $0xC;
	s8 =	sadd.s32 s1, s26;
	[dreg:$0x19] =	wrdreg s0  }
0x1f: {  	s29 =	simm.s32 $0x6;
	s10 =	sadd.s32 $0x2020, s14;
	[dreg:$0x1a] =	wrdreg s8  }
0x20: {  	s30 =	simm.s32 $0xD;
	s11 =	sadd.s32 $0x4000, s14;
	[dreg:$0x1b] =	wrdreg s10  }
0x21: {  	s31 =	simm.s32 $0x7;
	s13 =	smax.u32 s3, $0x1;
	[dreg:$0x7] =	wrdreg s11  }
0x22: {  	s2 =	simm.s32 $0x8;
	s16 =	sadd.s32 $0x2060, s14;
	[dreg:$0x1d] =	wrdreg s13  }
0x23: {  	s19 =	sadd.s32 $0x3040, s14;
	s20 =	sadd.s32 $0x3E000, s15;
	[dreg:$0x1e] =	wrdreg s16  }
0x24: {  	s21 =	sadd.s32 $0x3E020, s15;
	s22 =	sadd.s32 $0x3E040, s15;
	[smem:$0x7F6] =	sst s19  }
0x25: {  	s23 =	sadd.s32 $0x3E060, s15;
	s24 =	sadd.s32 $0x3F000, s15;
	[smem:$0x7F7] =	sst s20  }
0x26: {  	s25 =	sadd.s32 $0x3F020, s15;
	s26 =	sadd.s32 $0x3F040, s15;
	[smem:$0x7F8] =	sst s21  }
0x27: {  	s9 =	simm.s32 $0x400;
	s12 =	simm.s32 $0x2080;
	[smem:$0x7F9] =	sst s22  }
0x28: {  	s14 =	simm.s32 $0x6080;
	s15 =	simm.s32 $0x8080;
	[smem:$0x7FA] =	sst s23  }
0x29: {  	s17 =	simm.s32 $0xC080;
	s18 =	simm.s32 $0x1;
	[smem:$0x7FB] =	sst s24  }
0x2a: {  	s1 =	simm.s32 $0xF;
	s3 =	simm.s32 $0x10;
	[smem:$0x7FC] =	sst s25  }
0x2b: {  	s5 =	simm.s32 $0x0;
	[smem:$0x7FD] =	sst s26;
	s8 =	simm.s32 $0x100  }
0x2c: {  	s10 =	simm.s32 $0x80;
	s13 =	simm.s32 $0x4080;
	s16 =	simm.s32 $0xA080  }
0x2d: {  	s19 =	simm.s32 $0xE080;
	s20 =	simm.s32 $0x2;
	s21 =	simm.s32 $0x9  }
0x2e: {  	s22 =	simm.s32 $0x3;
	s23 =	simm.s32 $0xA;
	s24 =	simm.s32 $0x4  }
0x2f: {  	v0 =	vimm.f32 $0.0e+00;
	s25 =	simm.s32 $0xB;
	s26 =	simm.s32 $0x5;
	s0 =	simm.s32 $0xE  }
.LBB2_1:
0x30: {  	[smem:$0x7F4] =	sst s5  }
0x31: {  	s4 =	rddreg [dreg:$0x1];
	s11 =	simm.s32 $0x0;
	s5 =	simm.s32 $0x11  }
0x32: {  	[tilespmem:s11], [sflag:$0x11] =	stream.linear.gather [hbm4b:s4+s11], $0x80, $0x38;
	[tilespmem:$0x10080] =	vst v63  }
0x33: {  	_ =	swait.ge [sflag:s5], $0x80  }
0x34: {  	[sflag:s5] =	ssyncset.done $0x0  }
0x35: {  	s6 =	rddreg [dreg:$0x8];
	[sflag:s5] =	ssyncadd.s32 $0xFFFFFF80  }
0x36: {  	[tilespmem:s10], [sflag:$0x1] =	stream.strided.gather [hbm4b:s6+s8], $0x2000, s9, s8, $0x38;
	[tilespmem:$0x10080] =	vst v63  }
0x37: {  	s7 =	rddreg [dreg:$0x9]  }
0x38: {  	[tilespmem:s12], [sflag:$0x2] =	stream.strided.gather [hbm4b:s7+s8], $0x2000, s9, s8, $0x38;
	[tilespmem:$0x10080] =	vst v63  }
0x39: {  	s11 =	rddreg [dreg:$0xa]  }
0x3a: {  	[tilespmem:s13], [sflag:$0x3] =	stream.strided.gather [hbm4b:s11+s8], $0x2000, s9, s8, $0x38;
	[tilespmem:$0x10080] =	vst v63  }
0x3b: {  	s5 =	rddreg [dreg:$0xb]  }
0x3c: {  	[tilespmem:s14], [sflag:$0x4] =	stream.strided.gather [hbm4b:s5+s8], $0x2000, s9, s8, $0x38;
	[tilespmem:$0x10080] =	vst v63  }
0x3d: {  	s6 =	rddreg [dreg:$0xc]  }
0x3e: {  	[tilespmem:s15], [sflag:$0x5] =	stream.strided.gather [hbm4b:s6+s8], $0x2000, s9, s8, $0x38;
	[tilespmem:$0x10080] =	vst v63  }
0x3f: {  	s7 =	rddreg [dreg:$0xd]  }
0x40: {  	[tilespmem:s16], [sflag:$0x6] =	stream.strided.gather [hbm4b:s7+s8], $0x2000, s9, s8, $0x38;
	[tilespmem:$0x10080] =	vst v63  }
0x41: {  	s11 =	rddreg [dreg:$0xe]  }
0x42: {  	[tilespmem:s17], [sflag:$0x7] =	stream.strided.gather [hbm4b:s11+s8], $0x2000, s9, s8, $0x38;
	[tilespmem:$0x10080] =	vst v63  }
0x43: {  	_ =	swait.ge [sflag:s18], $0x2000  }
0x44: {  	[sflag:s18] =	ssyncset.done $0x0  }
0x45: {  	[sflag:s18] =	ssyncadd.s32 $0xFFFFE000  }
0x46: {  	v1 =	vld [tilespmem:$0x0];
	_ =	sdelay $0x4  }
0x47: {  	v2 =	vshll.u32 v1, $0x1  }
0x48: {  	v1 =	vand.u32 $0x7F, v1;
	v2 =	vand.u32 $0xFFFFFF00, v2  }
0x49: {  	v1 =	vor.u32 v1, v2;
	_ =	sdelay $0x4  }
0x4a: {  	[tilespmem:v1+s10+$0x0] =	vst.idx.msk $0xffff, v0  }
0x4b: {  	v1 =	vld [tilespmem:$0x10];
	_ =	sdelay $0x4  }
0x4c: {  	v2 =	vshll.u32 v1, $0x1  }
0x4d: {  	v1 =	vand.u32 $0x7F, v1;
	v2 =	vand.u32 $0xFFFFFF00, v2  }
0x4e: {  	v1 =	vor.u32 v1, v2;
	_ =	sdelay $0x4  }
0x4f: {  	[tilespmem:v1+s10+$0x0] =	vst.idx.msk $0xffff, v0  }
0x50: {  	v1 =	vld [tilespmem:$0x20];
	_ =	sdelay $0x4  }
0x51: {  	v2 =	vshll.u32 v1, $0x1  }
0x52: {  	v1 =	vand.u32 $0x7F, v1;
	v2 =	vand.u32 $0xFFFFFF00, v2  }
0x53: {  	v1 =	vor.u32 v1, v2;
	_ =	sdelay $0x4  }
0x54: {  	[tilespmem:v1+s10+$0x0] =	vst.idx.msk $0xffff, v0  }
0x55: {  	v1 =	vld [tilespmem:$0x30];
	_ =	sdelay $0x4  }
0x56: {  	v2 =	vshll.u32 v1, $0x1  }
0x57: {  	v1 =	vand.u32 $0x7F, v1;
	v2 =	vand.u32 $0xFFFFFF00, v2  }
0x58: {  	v1 =	vor.u32 v1, v2;
	_ =	sdelay $0x4  }
0x59: {  	[tilespmem:v1+s10+$0x0] =	vst.idx.msk $0xffff, v0  }
0x5a: {  	v1 =	vld [tilespmem:$0x0];
	_ =	sdelay $0x4  }
0x5b: {  	v2 =	vshll.u32 v1, $0x1  }
0x5c: {  	v1 =	vand.u32 $0x7F, v1;
	v2 =	vand.u32 $0xFFFFFF00, v2  }
0x5d: {  	v1 =	vor.u32 v2, v1  }
0x5e: {  	v1 =	vor.u32 $0x80, v1;
	_ =	sdelay $0x4  }
0x5f: {  	[tilespmem:v1+s10+$0x0] =	vst.idx.msk $0xffff, v0  }
0x60: {  	v1 =	vld [tilespmem:$0x10];
	_ =	sdelay $0x4  }
0x61: {  	v2 =	vshll.u32 v1, $0x1  }
0x62: {  	v1 =	vand.u32 $0x7F, v1;
	v2 =	vand.u32 $0xFFFFFF00, v2  }
0x63: {  	v1 =	vor.u32 v2, v1  }
0x64: {  	v1 =	vor.u32 $0x80, v1;
	_ =	sdelay $0x4  }
0x65: {  	[tilespmem:v1+s10+$0x0] =	vst.idx.msk $0xffff, v0  }
0x66: {  	v1 =	vld [tilespmem:$0x20];
	_ =	sdelay $0x4  }
0x67: {  	v2 =	vshll.u32 v1, $0x1  }
0x68: {  	v1 =	vand.u32 $0x7F, v1;
	v2 =	vand.u32 $0xFFFFFF00, v2  }
0x69: {  	v1 =	vor.u32 v2, v1  }
0x6a: {  	v1 =	vor.u32 $0x80, v1;
	_ =	sdelay $0x4  }
0x6b: {  	[tilespmem:v1+s10+$0x0] =	vst.idx.msk $0xffff, v0  }
0x6c: {  	v1 =	vld [tilespmem:$0x30];
	_ =	sdelay $0x4  }
0x6d: {  	v2 =	vshll.u32 v1, $0x1  }
0x6e: {  	v1 =	vand.u32 $0x7F, v1;
	v2 =	vand.u32 $0xFFFFFF00, v2  }
0x6f: {  	v1 =	vor.u32 v2, v1  }
0x70: {  	v1 =	vor.u32 $0x80, v1;
	_ =	sdelay $0x4  }
0x71: {  	s5 =	rddreg [dreg:$0xf];
	[tilespmem:v1+s10+$0x0] =	vst.idx.msk $0xffff, v0  }
0x72: {  	[hbm4b:s5+s8] =	stream.strided.scatter [tilespmem:s10], [sflag:$0x9], $0x2000, s9, s8, $0x38;
	[tilespmem:$0x10080] =	vst v63  }
0x73: {  	s6 =	rddreg [dreg:$0x10]  }
0x74: {  	[tilespmem:s19], [sflag:$0x8] =	stream.strided.gather [hbm4b:s6+s8], $0x2000, s9, s8, $0x38;
	[tilespmem:$0x10080] =	vst v63  }
0x75: {  	_ =	swait.ge [sflag:s20], $0x2000  }
0x76: {  	[sflag:s20] =	ssyncset.done $0x0  }
0x77: {  	[sflag:s20] =	ssyncadd.s32 $0xFFFFE000  }
0x78: {  	v1 =	vld [tilespmem:$0x0];
	_ =	sdelay $0x4  }
0x79: {  	v2 =	vshll.u32 v1, $0x1  }
0x7a: {  	v1 =	vand.u32 $0x7F, v1;
	v2 =	vand.u32 $0xFFFFFF00, v2  }
0x7b: {  	v1 =	vor.u32 v1, v2;
	_ =	sdelay $0x4  }
0x7c: {  	[tilespmem:v1+s12+$0x0] =	vst.idx.msk $0xffff, v0  }
0x7d: {  	v1 =	vld [tilespmem:$0x10];
	_ =	sdelay $0x4  }
0x7e: {  	v2 =	vshll.u32 v1, $0x1  }
0x7f: {  	v1 =	vand.u32 $0x7F, v1;
	v2 =	vand.u32 $0xFFFFFF00, v2  }
0x80: {  	v1 =	vor.u32 v1, v2;
	_ =	sdelay $0x4  }
0x81: {  	[tilespmem:v1+s12+$0x0] =	vst.idx.msk $0xffff, v0  }
0x82: {  	v1 =	vld [tilespmem:$0x20];
	_ =	sdelay $0x4  }
0x83: {  	v2 =	vshll.u32 v1, $0x1  }
0x84: {  	v1 =	vand.u32 $0x7F, v1;
	v2 =	vand.u32 $0xFFFFFF00, v2  }
0x85: {  	v1 =	vor.u32 v1, v2;
	_ =	sdelay $0x4  }
0x86: {  	[tilespmem:v1+s12+$0x0] =	vst.idx.msk $0xffff, v0  }
0x87: {  	v1 =	vld [tilespmem:$0x30];
	_ =	sdelay $0x4  }
0x88: {  	v2 =	vshll.u32 v1, $0x1  }
0x89: {  	v1 =	vand.u32 $0x7F, v1;
	v2 =	vand.u32 $0xFFFFFF00, v2  }
0x8a: {  	v1 =	vor.u32 v1, v2;
	_ =	sdelay $0x4  }
0x8b: {  	[tilespmem:v1+s12+$0x0] =	vst.idx.msk $0xffff, v0  }
0x8c: {  	v1 =	vld [tilespmem:$0x0];
	_ =	sdelay $0x4  }
0x8d: {  	v2 =	vshll.u32 v1, $0x1  }
0x8e: {  	v1 =	vand.u32 $0x7F, v1;
	v2 =	vand.u32 $0xFFFFFF00, v2  }
0x8f: {  	v1 =	vor.u32 v2, v1  }
0x90: {  	v1 =	vor.u32 $0x80, v1;
	_ =	sdelay $0x4  }
0x91: {  	[tilespmem:v1+s12+$0x0] =	vst.idx.msk $0xffff, v0  }
0x92: {  	v1 =	vld [tilespmem:$0x10];
	_ =	sdelay $0x4  }
0x93: {  	v2 =	vshll.u32 v1, $0x1  }
0x94: {  	v1 =	vand.u32 $0x7F, v1;
	v2 =	vand.u32 $0xFFFFFF00, v2  }
0x95: {  	v1 =	vor.u32 v2, v1  }
0x96: {  	v1 =	vor.u32 $0x80, v1;
	_ =	sdelay $0x4  }
0x97: {  	[tilespmem:v1+s12+$0x0] =	vst.idx.msk $0xffff, v0  }
0x98: {  	v1 =	vld [tilespmem:$0x20];
	_ =	sdelay $0x4  }
0x99: {  	v2 =	vshll.u32 v1, $0x1  }
0x9a: {  	v1 =	vand.u32 $0x7F, v1;
	v2 =	vand.u32 $0xFFFFFF00, v2  }
0x9b: {  	v1 =	vor.u32 v2, v1  }
0x9c: {  	v1 =	vor.u32 $0x80, v1;
	_ =	sdelay $0x4  }
0x9d: {  	[tilespmem:v1+s12+$0x0] =	vst.idx.msk $0xffff, v0  }
0x9e: {  	v1 =	vld [tilespmem:$0x30];
	_ =	sdelay $0x4  }
0x9f: {  	v2 =	vshll.u32 v1, $0x1  }
0xa0: {  	v1 =	vand.u32 $0x7F, v1;
	v2 =	vand.u32 $0xFFFFFF00, v2  }
0xa1: {  	v1 =	vor.u32 v2, v1  }
0xa2: {  	v1 =	vor.u32 $0x80, v1;
	_ =	sdelay $0x4  }
0xa3: {  	s7 =	rddreg [dreg:$0x11];
	[tilespmem:v1+s12+$0x0] =	vst.idx.msk $0xffff, v0  }
0xa4: {  	[hbm4b:s7+s8] =	stream.strided.scatter [tilespmem:s12], [sflag:$0xA], $0x2000, s9, s8, $0x38;
	[tilespmem:$0x10080] =	vst v63  }
0xa5: {  	_ =	swait.ge [sflag:s21], $0x2000  }
0xa6: {  	[sflag:s21] =	ssyncset.done $0x0  }
0xa7: {  	s11 =	rddreg [dreg:$0x12];
	[sflag:s21] =	ssyncadd.s32 $0xFFFFE000  }
0xa8: {  	[tilespmem:s10], [sflag:$0x1] =	stream.strided.gather [hbm4b:s11+s8], $0x2000, s9, s8, $0x38;
	[tilespmem:$0x10080] =	vst v63  }
0xa9: {  	_ =	swait.ge [sflag:s22], $0x2000  }
0xaa: {  	[sflag:s22] =	ssyncset.done $0x0  }
0xab: {  	[sflag:s22] =	ssyncadd.s32 $0xFFFFE000  }
0xac: {  	v1 =	vld [tilespmem:$0x0];
	_ =	sdelay $0x4  }
0xad: {  	v2 =	vshll.u32 v1, $0x1  }
0xae: {  	v1 =	vand.u32 $0x7F, v1;
	v2 =	vand.u32 $0xFFFFFF00, v2  }
0xaf: {  	v1 =	vor.u32 v1, v2;
	_ =	sdelay $0x4  }
0xb0: {  	[tilespmem:v1+s13+$0x0] =	vst.idx.msk $0xffff, v0  }
0xb1: {  	v1 =	vld [tilespmem:$0x10];
	_ =	sdelay $0x4  }
0xb2: {  	v2 =	vshll.u32 v1, $0x1  }
0xb3: {  	v1 =	vand.u32 $0x7F, v1;
	v2 =	vand.u32 $0xFFFFFF00, v2  }
0xb4: {  	v1 =	vor.u32 v1, v2;
	_ =	sdelay $0x4  }
0xb5: {  	[tilespmem:v1+s13+$0x0] =	vst.idx.msk $0xffff, v0  }
0xb6: {  	v1 =	vld [tilespmem:$0x20];
	_ =	sdelay $0x4  }
0xb7: {  	v2 =	vshll.u32 v1, $0x1  }
0xb8: {  	v1 =	vand.u32 $0x7F, v1;
	v2 =	vand.u32 $0xFFFFFF00, v2  }
0xb9: {  	v1 =	vor.u32 v1, v2;
	_ =	sdelay $0x4  }
0xba: {  	[tilespmem:v1+s13+$0x0] =	vst.idx.msk $0xffff, v0  }
0xbb: {  	v1 =	vld [tilespmem:$0x30];
	_ =	sdelay $0x4  }
0xbc: {  	v2 =	vshll.u32 v1, $0x1  }
0xbd: {  	v1 =	vand.u32 $0x7F, v1;
	v2 =	vand.u32 $0xFFFFFF00, v2  }
0xbe: {  	v1 =	vor.u32 v1, v2;
	_ =	sdelay $0x4  }
0xbf: {  	[tilespmem:v1+s13+$0x0] =	vst.idx.msk $0xffff, v0  }
0xc0: {  	v1 =	vld [tilespmem:$0x0];
	_ =	sdelay $0x4  }
0xc1: {  	v2 =	vshll.u32 v1, $0x1  }
0xc2: {  	v1 =	vand.u32 $0x7F, v1;
	v2 =	vand.u32 $0xFFFFFF00, v2  }
0xc3: {  	v1 =	vor.u32 v2, v1  }
0xc4: {  	v1 =	vor.u32 $0x80, v1;
	_ =	sdelay $0x4  }
0xc5: {  	[tilespmem:v1+s13+$0x0] =	vst.idx.msk $0xffff, v0  }
0xc6: {  	v1 =	vld [tilespmem:$0x10];
	_ =	sdelay $0x4  }
0xc7: {  	v2 =	vshll.u32 v1, $0x1  }
0xc8: {  	v1 =	vand.u32 $0x7F, v1;
	v2 =	vand.u32 $0xFFFFFF00, v2  }
0xc9: {  	v1 =	vor.u32 v2, v1  }
0xca: {  	v1 =	vor.u32 $0x80, v1;
	_ =	sdelay $0x4  }
0xcb: {  	[tilespmem:v1+s13+$0x0] =	vst.idx.msk $0xffff, v0  }
0xcc: {  	v1 =	vld [tilespmem:$0x20];
	_ =	sdelay $0x4  }
0xcd: {  	v2 =	vshll.u32 v1, $0x1  }
0xce: {  	v1 =	vand.u32 $0x7F, v1;
	v2 =	vand.u32 $0xFFFFFF00, v2  }
0xcf: {  	v1 =	vor.u32 v2, v1  }
0xd0: {  	v1 =	vor.u32 $0x80, v1;
	_ =	sdelay $0x4  }
0xd1: {  	[tilespmem:v1+s13+$0x0] =	vst.idx.msk $0xffff, v0  }
0xd2: {  	v1 =	vld [tilespmem:$0x30];
	_ =	sdelay $0x4  }
0xd3: {  	v2 =	vshll.u32 v1, $0x1  }
0xd4: {  	v1 =	vand.u32 $0x7F, v1;
	v2 =	vand.u32 $0xFFFFFF00, v2  }
0xd5: {  	v1 =	vor.u32 v2, v1  }
0xd6: {  	v1 =	vor.u32 $0x80, v1;
	_ =	sdelay $0x4  }
0xd7: {  	s5 =	rddreg [dreg:$0x13];
	[tilespmem:v1+s13+$0x0] =	vst.idx.msk $0xffff, v0  }
0xd8: {  	[hbm4b:s5+s8] =	stream.strided.scatter [tilespmem:s13], [sflag:$0xB], $0x2000, s9, s8, $0x38;
	[tilespmem:$0x10080] =	vst v63  }
0xd9: {  	_ =	swait.ge [sflag:s23], $0x2000  }
0xda: {  	[sflag:s23] =	ssyncset.done $0x0  }
0xdb: {  	s6 =	rddreg [dreg:$0x1b];
	[sflag:s23] =	ssyncadd.s32 $0xFFFFE000  }
0xdc: {  	[tilespmem:s12], [sflag:$0x2] =	stream.strided.gather [hbm4b:s6+s8], $0x2000, s9, s8, $0x38;
	[tilespmem:$0x10080] =	vst v63  }
0xdd: {  	_ =	swait.ge [sflag:s24], $0x2000  }
0xde: {  	[sflag:s24] =	ssyncset.done $0x0  }
0xdf: {  	[sflag:s24] =	ssyncadd.s32 $0xFFFFE000  }
0xe0: {  	v1 =	vld [tilespmem:$0x0];
	_ =	sdelay $0x4  }
0xe1: {  	v2 =	vshll.u32 v1, $0x1  }
0xe2: {  	v1 =	vand.u32 $0x7F, v1;
	v2 =	vand.u32 $0xFFFFFF00, v2  }
0xe3: {  	v1 =	vor.u32 v1, v2;
	_ =	sdelay $0x4  }
0xe4: {  	[tilespmem:v1+s14+$0x0] =	vst.idx.msk $0xffff, v0  }
0xe5: {  	v1 =	vld [tilespmem:$0x10];
	_ =	sdelay $0x4  }
0xe6: {  	v2 =	vshll.u32 v1, $0x1  }
0xe7: {  	v1 =	vand.u32 $0x7F, v1;
	v2 =	vand.u32 $0xFFFFFF00, v2  }
0xe8: {  	v1 =	vor.u32 v1, v2;
	_ =	sdelay $0x4  }
0xe9: {  	[tilespmem:v1+s14+$0x0] =	vst.idx.msk $0xffff, v0  }
0xea: {  	v1 =	vld [tilespmem:$0x20];
	_ =	sdelay $0x4  }
0xeb: {  	v2 =	vshll.u32 v1, $0x1  }
0xec: {  	v1 =	vand.u32 $0x7F, v1;
	v2 =	vand.u32 $0xFFFFFF00, v2  }
0xed: {  	v1 =	vor.u32 v1, v2;
	_ =	sdelay $0x4  }
0xee: {  	[tilespmem:v1+s14+$0x0] =	vst.idx.msk $0xffff, v0  }
0xef: {  	v1 =	vld [tilespmem:$0x30];
	_ =	sdelay $0x4  }
0xf0: {  	v2 =	vshll.u32 v1, $0x1  }
0xf1: {  	v1 =	vand.u32 $0x7F, v1;
	v2 =	vand.u32 $0xFFFFFF00, v2  }
0xf2: {  	v1 =	vor.u32 v1, v2;
	_ =	sdelay $0x4  }
0xf3: {  	[tilespmem:v1+s14+$0x0] =	vst.idx.msk $0xffff, v0  }
0xf4: {  	v1 =	vld [tilespmem:$0x0];
	_ =	sdelay $0x4  }
0xf5: {  	v2 =	vshll.u32 v1, $0x1  }
0xf6: {  	v1 =	vand.u32 $0x7F, v1;
	v2 =	vand.u32 $0xFFFFFF00, v2  }
0xf7: {  	v1 =	vor.u32 v2, v1  }
0xf8: {  	v1 =	vor.u32 $0x80, v1;
	_ =	sdelay $0x4  }
0xf9: {  	[tilespmem:v1+s14+$0x0] =	vst.idx.msk $0xffff, v0  }
0xfa: {  	v1 =	vld [tilespmem:$0x10];
	_ =	sdelay $0x4  }
0xfb: {  	v2 =	vshll.u32 v1, $0x1  }
0xfc: {  	v1 =	vand.u32 $0x7F, v1;
	v2 =	vand.u32 $0xFFFFFF00, v2  }
0xfd: {  	v1 =	vor.u32 v2, v1  }
0xfe: {  	v1 =	vor.u32 $0x80, v1;
	_ =	sdelay $0x4  }
0xff: {  	[tilespmem:v1+s14+$0x0] =	vst.idx.msk $0xffff, v0  }
0x100: {  	v1 =	vld [tilespmem:$0x20];
	_ =	sdelay $0x4  }
0x101: {  	v2 =	vshll.u32 v1, $0x1  }
0x102: {  	v1 =	vand.u32 $0x7F, v1;
	v2 =	vand.u32 $0xFFFFFF00, v2  }
0x103: {  	v1 =	vor.u32 v2, v1  }
0x104: {  	v1 =	vor.u32 $0x80, v1;
	_ =	sdelay $0x4  }
0x105: {  	[tilespmem:v1+s14+$0x0] =	vst.idx.msk $0xffff, v0  }
0x106: {  	v1 =	vld [tilespmem:$0x30];
	_ =	sdelay $0x4  }
0x107: {  	v2 =	vshll.u32 v1, $0x1  }
0x108: {  	v1 =	vand.u32 $0x7F, v1;
	v2 =	vand.u32 $0xFFFFFF00, v2  }
0x109: {  	v1 =	vor.u32 v2, v1  }
0x10a: {  	v1 =	vor.u32 $0x80, v1;
	_ =	sdelay $0x4  }
0x10b: {  	s7 =	rddreg [dreg:$0x14];
	[tilespmem:v1+s14+$0x0] =	vst.idx.msk $0xffff, v0  }
0x10c: {  	[hbm4b:s7+s8] =	stream.strided.scatter [tilespmem:s14], [sflag:$0xC], $0x2000, s9, s8, $0x38;
	[tilespmem:$0x10080] =	vst v63  }
0x10d: {  	_ =	swait.ge [sflag:s25], $0x2000  }
0x10e: {  	[sflag:s25] =	ssyncset.done $0x0  }
0x10f: {  	s11 =	rddreg [dreg:$0x1c];
	[sflag:s25] =	ssyncadd.s32 $0xFFFFE000  }
0x110: {  	[tilespmem:s13], [sflag:$0x3] =	stream.strided.gather [hbm4b:s11+s8], $0x2000, s9, s8, $0x38;
	[tilespmem:$0x10080] =	vst v63  }
0x111: {  	_ =	swait.ge [sflag:s26], $0x2000  }
0x112: {  	[sflag:s26] =	ssyncset.done $0x0  }
0x113: {  	[sflag:s26] =	ssyncadd.s32 $0xFFFFE000  }
0x114: {  	v1 =	vld [tilespmem:$0x0];
	_ =	sdelay $0x4  }
0x115: {  	v2 =	vshll.u32 v1, $0x1  }
0x116: {  	v1 =	vand.u32 $0x7F, v1;
	v2 =	vand.u32 $0xFFFFFF00, v2  }
0x117: {  	v1 =	vor.u32 v1, v2;
	_ =	sdelay $0x4  }
0x118: {  	[tilespmem:v1+s15+$0x0] =	vst.idx.msk $0xffff, v0  }
0x119: {  	v1 =	vld [tilespmem:$0x10];
	_ =	sdelay $0x4  }
0x11a: {  	v2 =	vshll.u32 v1, $0x1  }
0x11b: {  	v1 =	vand.u32 $0x7F, v1;
	v2 =	vand.u32 $0xFFFFFF00, v2  }
0x11c: {  	v1 =	vor.u32 v1, v2;
	_ =	sdelay $0x4  }
0x11d: {  	[tilespmem:v1+s15+$0x0] =	vst.idx.msk $0xffff, v0  }
0x11e: {  	v1 =	vld [tilespmem:$0x20];
	_ =	sdelay $0x4  }
0x11f: {  	v2 =	vshll.u32 v1, $0x1  }
0x120: {  	v1 =	vand.u32 $0x7F, v1;
	v2 =	vand.u32 $0xFFFFFF00, v2  }
0x121: {  	v1 =	vor.u32 v1, v2;
	_ =	sdelay $0x4  }
0x122: {  	[tilespmem:v1+s15+$0x0] =	vst.idx.msk $0xffff, v0  }
0x123: {  	v1 =	vld [tilespmem:$0x30];
	_ =	sdelay $0x4  }
0x124: {  	v2 =	vshll.u32 v1, $0x1  }
0x125: {  	v1 =	vand.u32 $0x7F, v1;
	v2 =	vand.u32 $0xFFFFFF00, v2  }
0x126: {  	v1 =	vor.u32 v1, v2;
	_ =	sdelay $0x4  }
0x127: {  	[tilespmem:v1+s15+$0x0] =	vst.idx.msk $0xffff, v0  }
0x128: {  	v1 =	vld [tilespmem:$0x0];
	_ =	sdelay $0x4  }
0x129: {  	v2 =	vshll.u32 v1, $0x1  }
0x12a: {  	v1 =	vand.u32 $0x7F, v1;
	v2 =	vand.u32 $0xFFFFFF00, v2  }
0x12b: {  	v1 =	vor.u32 v2, v1  }
0x12c: {  	v1 =	vor.u32 $0x80, v1;
	_ =	sdelay $0x4  }
0x12d: {  	[tilespmem:v1+s15+$0x0] =	vst.idx.msk $0xffff, v0  }
0x12e: {  	v1 =	vld [tilespmem:$0x10];
	_ =	sdelay $0x4  }
0x12f: {  	v2 =	vshll.u32 v1, $0x1  }
0x130: {  	v1 =	vand.u32 $0x7F, v1;
	v2 =	vand.u32 $0xFFFFFF00, v2  }
0x131: {  	v1 =	vor.u32 v2, v1  }
0x132: {  	v1 =	vor.u32 $0x80, v1;
	_ =	sdelay $0x4  }
0x133: {  	[tilespmem:v1+s15+$0x0] =	vst.idx.msk $0xffff, v0  }
0x134: {  	v1 =	vld [tilespmem:$0x20];
	_ =	sdelay $0x4  }
0x135: {  	v2 =	vshll.u32 v1, $0x1  }
0x136: {  	v1 =	vand.u32 $0x7F, v1;
	v2 =	vand.u32 $0xFFFFFF00, v2  }
0x137: {  	v1 =	vor.u32 v2, v1  }
0x138: {  	v1 =	vor.u32 $0x80, v1;
	_ =	sdelay $0x4  }
0x139: {  	[tilespmem:v1+s15+$0x0] =	vst.idx.msk $0xffff, v0  }
0x13a: {  	v1 =	vld [tilespmem:$0x30];
	_ =	sdelay $0x4  }
0x13b: {  	v2 =	vshll.u32 v1, $0x1  }
0x13c: {  	v1 =	vand.u32 $0x7F, v1;
	v2 =	vand.u32 $0xFFFFFF00, v2  }
0x13d: {  	v1 =	vor.u32 v2, v1  }
0x13e: {  	v1 =	vor.u32 $0x80, v1;
	_ =	sdelay $0x4  }
0x13f: {  	s5 =	rddreg [dreg:$0x15];
	[tilespmem:v1+s15+$0x0] =	vst.idx.msk $0xffff, v0  }
0x140: {  	[hbm4b:s5+s8] =	stream.strided.scatter [tilespmem:s15], [sflag:$0xD], $0x2000, s9, s8, $0x38;
	[tilespmem:$0x10080] =	vst v63  }
0x141: {  	_ =	swait.ge [sflag:s28], $0x2000  }
0x142: {  	[sflag:s28] =	ssyncset.done $0x0  }
0x143: {  	s6 =	rddreg [dreg:$0x1e];
	[sflag:s28] =	ssyncadd.s32 $0xFFFFE000  }
0x144: {  	[tilespmem:s14], [sflag:$0x4] =	stream.strided.gather [hbm4b:s6+s8], $0x2000, s9, s8, $0x38;
	[tilespmem:$0x10080] =	vst v63  }
0x145: {  	_ =	swait.ge [sflag:s29], $0x2000  }
0x146: {  	[sflag:s29] =	ssyncset.done $0x0  }
0x147: {  	[sflag:s29] =	ssyncadd.s32 $0xFFFFE000  }
0x148: {  	v1 =	vld [tilespmem:$0x0];
	_ =	sdelay $0x4  }
0x149: {  	v2 =	vshll.u32 v1, $0x1  }
0x14a: {  	v1 =	vand.u32 $0x7F, v1;
	v2 =	vand.u32 $0xFFFFFF00, v2  }
0x14b: {  	v1 =	vor.u32 v1, v2;
	_ =	sdelay $0x4  }
0x14c: {  	[tilespmem:v1+s16+$0x0] =	vst.idx.msk $0xffff, v0  }
0x14d: {  	v1 =	vld [tilespmem:$0x10];
	_ =	sdelay $0x4  }
0x14e: {  	v2 =	vshll.u32 v1, $0x1  }
0x14f: {  	v1 =	vand.u32 $0x7F, v1;
	v2 =	vand.u32 $0xFFFFFF00, v2  }
0x150: {  	v1 =	vor.u32 v1, v2;
	_ =	sdelay $0x4  }
0x151: {  	[tilespmem:v1+s16+$0x0] =	vst.idx.msk $0xffff, v0  }
0x152: {  	v1 =	vld [tilespmem:$0x20];
	_ =	sdelay $0x4  }
0x153: {  	v2 =	vshll.u32 v1, $0x1  }
0x154: {  	v1 =	vand.u32 $0x7F, v1;
	v2 =	vand.u32 $0xFFFFFF00, v2  }
0x155: {  	v1 =	vor.u32 v1, v2;
	_ =	sdelay $0x4  }
0x156: {  	[tilespmem:v1+s16+$0x0] =	vst.idx.msk $0xffff, v0  }
0x157: {  	v1 =	vld [tilespmem:$0x30];
	_ =	sdelay $0x4  }
0x158: {  	v2 =	vshll.u32 v1, $0x1  }
0x159: {  	v1 =	vand.u32 $0x7F, v1;
	v2 =	vand.u32 $0xFFFFFF00, v2  }
0x15a: {  	v1 =	vor.u32 v1, v2;
	_ =	sdelay $0x4  }
0x15b: {  	[tilespmem:v1+s16+$0x0] =	vst.idx.msk $0xffff, v0  }
0x15c: {  	v1 =	vld [tilespmem:$0x0];
	_ =	sdelay $0x4  }
0x15d: {  	v2 =	vshll.u32 v1, $0x1  }
0x15e: {  	v1 =	vand.u32 $0x7F, v1;
	v2 =	vand.u32 $0xFFFFFF00, v2  }
0x15f: {  	v1 =	vor.u32 v2, v1  }
0x160: {  	v1 =	vor.u32 $0x80, v1;
	_ =	sdelay $0x4  }
0x161: {  	[tilespmem:v1+s16+$0x0] =	vst.idx.msk $0xffff, v0  }
0x162: {  	v1 =	vld [tilespmem:$0x10];
	_ =	sdelay $0x4  }
0x163: {  	v2 =	vshll.u32 v1, $0x1  }
0x164: {  	v1 =	vand.u32 $0x7F, v1;
	v2 =	vand.u32 $0xFFFFFF00, v2  }
0x165: {  	v1 =	vor.u32 v2, v1  }
0x166: {  	v1 =	vor.u32 $0x80, v1;
	_ =	sdelay $0x4  }
0x167: {  	[tilespmem:v1+s16+$0x0] =	vst.idx.msk $0xffff, v0  }
0x168: {  	v1 =	vld [tilespmem:$0x20];
	_ =	sdelay $0x4  }
0x169: {  	v2 =	vshll.u32 v1, $0x1  }
0x16a: {  	v1 =	vand.u32 $0x7F, v1;
	v2 =	vand.u32 $0xFFFFFF00, v2  }
0x16b: {  	v1 =	vor.u32 v2, v1  }
0x16c: {  	v1 =	vor.u32 $0x80, v1;
	_ =	sdelay $0x4  }
0x16d: {  	[tilespmem:v1+s16+$0x0] =	vst.idx.msk $0xffff, v0  }
0x16e: {  	v1 =	vld [tilespmem:$0x30];
	_ =	sdelay $0x4  }
0x16f: {  	v2 =	vshll.u32 v1, $0x1  }
0x170: {  	v1 =	vand.u32 $0x7F, v1;
	v2 =	vand.u32 $0xFFFFFF00, v2  }
0x171: {  	v1 =	vor.u32 v2, v1  }
0x172: {  	v1 =	vor.u32 $0x80, v1;
	_ =	sdelay $0x4  }
0x173: {  	s7 =	rddreg [dreg:$0x16];
	[tilespmem:v1+s16+$0x0] =	vst.idx.msk $0xffff, v0  }
0x174: {  	[hbm4b:s7+s8] =	stream.strided.scatter [tilespmem:s16], [sflag:$0xE], $0x2000, s9, s8, $0x38;
	[tilespmem:$0x10080] =	vst v63  }
0x175: {  	_ =	swait.ge [sflag:s30], $0x2000  }
0x176: {  	[sflag:s30] =	ssyncset.done $0x0  }
0x177: {  	s11 =	rddreg [dreg:$0x1f];
	[sflag:s30] =	ssyncadd.s32 $0xFFFFE000  }
0x178: {  	[tilespmem:s15], [sflag:$0x5] =	stream.strided.gather [hbm4b:s11+s8], $0x2000, s9, s8, $0x38;
	[tilespmem:$0x10080] =	vst v63  }
0x179: {  	_ =	swait.ge [sflag:s31], $0x2000  }
0x17a: {  	[sflag:s31] =	ssyncset.done $0x0  }
0x17b: {  	[sflag:s31] =	ssyncadd.s32 $0xFFFFE000  }
0x17c: {  	v1 =	vld [tilespmem:$0x0];
	_ =	sdelay $0x4  }
0x17d: {  	v2 =	vshll.u32 v1, $0x1  }
0x17e: {  	v1 =	vand.u32 $0x7F, v1;
	v2 =	vand.u32 $0xFFFFFF00, v2  }
0x17f: {  	v1 =	vor.u32 v1, v2;
	_ =	sdelay $0x4  }
0x180: {  	[tilespmem:v1+s17+$0x0] =	vst.idx.msk $0xffff, v0  }
0x181: {  	v1 =	vld [tilespmem:$0x10];
	_ =	sdelay $0x4  }
0x182: {  	v2 =	vshll.u32 v1, $0x1  }
0x183: {  	v1 =	vand.u32 $0x7F, v1;
	v2 =	vand.u32 $0xFFFFFF00, v2  }
0x184: {  	v1 =	vor.u32 v1, v2;
	_ =	sdelay $0x4  }
0x185: {  	[tilespmem:v1+s17+$0x0] =	vst.idx.msk $0xffff, v0  }
0x186: {  	v1 =	vld [tilespmem:$0x20];
	_ =	sdelay $0x4  }
0x187: {  	v2 =	vshll.u32 v1, $0x1  }
0x188: {  	v1 =	vand.u32 $0x7F, v1;
	v2 =	vand.u32 $0xFFFFFF00, v2  }
0x189: {  	v1 =	vor.u32 v1, v2;
	_ =	sdelay $0x4  }
0x18a: {  	[tilespmem:v1+s17+$0x0] =	vst.idx.msk $0xffff, v0  }
0x18b: {  	v1 =	vld [tilespmem:$0x30];
	_ =	sdelay $0x4  }
0x18c: {  	v2 =	vshll.u32 v1, $0x1  }
0x18d: {  	v1 =	vand.u32 $0x7F, v1;
	v2 =	vand.u32 $0xFFFFFF00, v2  }
0x18e: {  	v1 =	vor.u32 v1, v2;
	_ =	sdelay $0x4  }
0x18f: {  	[tilespmem:v1+s17+$0x0] =	vst.idx.msk $0xffff, v0  }
0x190: {  	v1 =	vld [tilespmem:$0x0];
	_ =	sdelay $0x4  }
0x191: {  	v2 =	vshll.u32 v1, $0x1  }
0x192: {  	v1 =	vand.u32 $0x7F, v1;
	v2 =	vand.u32 $0xFFFFFF00, v2  }
0x193: {  	v1 =	vor.u32 v2, v1  }
0x194: {  	v1 =	vor.u32 $0x80, v1;
	_ =	sdelay $0x4  }
0x195: {  	[tilespmem:v1+s17+$0x0] =	vst.idx.msk $0xffff, v0  }
0x196: {  	v1 =	vld [tilespmem:$0x10];
	_ =	sdelay $0x4  }
0x197: {  	v2 =	vshll.u32 v1, $0x1  }
0x198: {  	v1 =	vand.u32 $0x7F, v1;
	v2 =	vand.u32 $0xFFFFFF00, v2  }
0x199: {  	v1 =	vor.u32 v2, v1  }
0x19a: {  	v1 =	vor.u32 $0x80, v1;
	_ =	sdelay $0x4  }
0x19b: {  	[tilespmem:v1+s17+$0x0] =	vst.idx.msk $0xffff, v0  }
0x19c: {  	v1 =	vld [tilespmem:$0x20];
	_ =	sdelay $0x4  }
0x19d: {  	v2 =	vshll.u32 v1, $0x1  }
0x19e: {  	v1 =	vand.u32 $0x7F, v1;
	v2 =	vand.u32 $0xFFFFFF00, v2  }
0x19f: {  	v1 =	vor.u32 v2, v1  }
0x1a0: {  	v1 =	vor.u32 $0x80, v1;
	_ =	sdelay $0x4  }
0x1a1: {  	[tilespmem:v1+s17+$0x0] =	vst.idx.msk $0xffff, v0  }
0x1a2: {  	v1 =	vld [tilespmem:$0x30];
	_ =	sdelay $0x4  }
0x1a3: {  	v2 =	vshll.u32 v1, $0x1  }
0x1a4: {  	v1 =	vand.u32 $0x7F, v1;
	v2 =	vand.u32 $0xFFFFFF00, v2  }
0x1a5: {  	v1 =	vor.u32 v2, v1  }
0x1a6: {  	v1 =	vor.u32 $0x80, v1;
	_ =	sdelay $0x4  }
0x1a7: {  	s5 =	rddreg [dreg:$0x17];
	[tilespmem:v1+s17+$0x0] =	vst.idx.msk $0xffff, v0  }
0x1a8: {  	[hbm4b:s5+s8] =	stream.strided.scatter [tilespmem:s17], [sflag:$0xF], $0x2000, s9, s8, $0x38;
	[tilespmem:$0x10080] =	vst v63  }
0x1a9: {  	_ =	swait.ge [sflag:s0], $0x2000  }
0x1aa: {  	s6 =	sld [smem:$0x7F5]  }
0x1ab: {  	[sflag:s0] =	ssyncset.done $0x0  }
0x1ac: {  	[sflag:s0] =	ssyncadd.s32 $0xFFFFE000  }
0x1ad: {  	[tilespmem:s16], [sflag:$0x6] =	stream.strided.gather [hbm4b:s6+s8], $0x2000, s9, s8, $0x38;
	[tilespmem:$0x10080] =	vst v63  }
0x1ae: {  	_ =	swait.ge [sflag:s2], $0x2000  }
0x1af: {  	[sflag:s2] =	ssyncset.done $0x0  }
0x1b0: {  	[sflag:s2] =	ssyncadd.s32 $0xFFFFE000  }
0x1b1: {  	v1 =	vld [tilespmem:$0x0];
	_ =	sdelay $0x4  }
0x1b2: {  	v2 =	vshll.u32 v1, $0x1  }
0x1b3: {  	v1 =	vand.u32 $0x7F, v1;
	v2 =	vand.u32 $0xFFFFFF00, v2  }
0x1b4: {  	v1 =	vor.u32 v1, v2;
	_ =	sdelay $0x4  }
0x1b5: {  	[tilespmem:v1+s19+$0x0] =	vst.idx.msk $0xffff, v0  }
0x1b6: {  	v1 =	vld [tilespmem:$0x10];
	_ =	sdelay $0x4  }
0x1b7: {  	v2 =	vshll.u32 v1, $0x1  }
0x1b8: {  	v1 =	vand.u32 $0x7F, v1;
	v2 =	vand.u32 $0xFFFFFF00, v2  }
0x1b9: {  	v1 =	vor.u32 v1, v2;
	_ =	sdelay $0x4  }
0x1ba: {  	[tilespmem:v1+s19+$0x0] =	vst.idx.msk $0xffff, v0  }
0x1bb: {  	v1 =	vld [tilespmem:$0x20];
	_ =	sdelay $0x4  }
0x1bc: {  	v2 =	vshll.u32 v1, $0x1  }
0x1bd: {  	v1 =	vand.u32 $0x7F, v1;
	v2 =	vand.u32 $0xFFFFFF00, v2  }
0x1be: {  	v1 =	vor.u32 v1, v2;
	_ =	sdelay $0x4  }
0x1bf: {  	[tilespmem:v1+s19+$0x0] =	vst.idx.msk $0xffff, v0  }
0x1c0: {  	v1 =	vld [tilespmem:$0x30];
	_ =	sdelay $0x4  }
0x1c1: {  	v2 =	vshll.u32 v1, $0x1  }
0x1c2: {  	v1 =	vand.u32 $0x7F, v1;
	v2 =	vand.u32 $0xFFFFFF00, v2  }
0x1c3: {  	v1 =	vor.u32 v1, v2;
	_ =	sdelay $0x4  }
0x1c4: {  	[tilespmem:v1+s19+$0x0] =	vst.idx.msk $0xffff, v0  }
0x1c5: {  	v1 =	vld [tilespmem:$0x0];
	_ =	sdelay $0x4  }
0x1c6: {  	v2 =	vshll.u32 v1, $0x1  }
0x1c7: {  	v1 =	vand.u32 $0x7F, v1;
	v2 =	vand.u32 $0xFFFFFF00, v2  }
0x1c8: {  	v1 =	vor.u32 v2, v1  }
0x1c9: {  	v1 =	vor.u32 $0x80, v1;
	_ =	sdelay $0x4  }
0x1ca: {  	[tilespmem:v1+s19+$0x0] =	vst.idx.msk $0xffff, v0  }
0x1cb: {  	v1 =	vld [tilespmem:$0x10];
	_ =	sdelay $0x4  }
0x1cc: {  	v2 =	vshll.u32 v1, $0x1  }
0x1cd: {  	v1 =	vand.u32 $0x7F, v1;
	v2 =	vand.u32 $0xFFFFFF00, v2  }
0x1ce: {  	v1 =	vor.u32 v2, v1  }
0x1cf: {  	v1 =	vor.u32 $0x80, v1;
	_ =	sdelay $0x4  }
0x1d0: {  	[tilespmem:v1+s19+$0x0] =	vst.idx.msk $0xffff, v0  }
0x1d1: {  	v1 =	vld [tilespmem:$0x20];
	_ =	sdelay $0x4  }
0x1d2: {  	v2 =	vshll.u32 v1, $0x1  }
0x1d3: {  	v1 =	vand.u32 $0x7F, v1;
	v2 =	vand.u32 $0xFFFFFF00, v2  }
0x1d4: {  	v1 =	vor.u32 v2, v1  }
0x1d5: {  	v1 =	vor.u32 $0x80, v1;
	_ =	sdelay $0x4  }
0x1d6: {  	[tilespmem:v1+s19+$0x0] =	vst.idx.msk $0xffff, v0  }
0x1d7: {  	v1 =	vld [tilespmem:$0x30];
	_ =	sdelay $0x4  }
0x1d8: {  	v2 =	vshll.u32 v1, $0x1  }
0x1d9: {  	v1 =	vand.u32 $0x7F, v1;
	v2 =	vand.u32 $0xFFFFFF00, v2  }
0x1da: {  	v1 =	vor.u32 v2, v1  }
0x1db: {  	v1 =	vor.u32 $0x80, v1;
	_ =	sdelay $0x4  }
0x1dc: {  	s7 =	rddreg [dreg:$0x18];
	[tilespmem:v1+s19+$0x0] =	vst.idx.msk $0xffff, v0  }
0x1dd: {  	[hbm4b:s7+s8] =	stream.strided.scatter [tilespmem:s19], [sflag:$0x10], $0x2000, s9, s8, $0x38;
	[tilespmem:$0x10080] =	vst v63  }
0x1de: {  	_ =	swait.ge [sflag:s1], $0x2000  }
0x1df: {  	s11 =	sld [smem:$0x7F6]  }
0x1e0: {  	[sflag:s1] =	ssyncset.done $0x0  }
0x1e1: {  	s6 =	simm.s32 $0x0;
	[sflag:s1] =	ssyncadd.s32 $0xFFFFE000  }
0x1e2: {  	[tilespmem:s17], [sflag:$0x7] =	stream.strided.gather [hbm4b:s11+s8], $0x2000, s9, s8, $0x38;
	[tilespmem:$0x10080] =	vst v63  }
.LBB2_2:
0x1e3: {  	_ =	swait.ge [sflag:s18], $0x2000  }
0x1e4: {  	[sflag:s18] =	ssyncset.done $0x0  }
0x1e5: {  	[sflag:s18] =	ssyncadd.s32 $0xFFFFE000  }
0x1e6: {  	v1 =	vld [tilespmem:$0x0];
	_ =	sdelay $0x4  }
0x1e7: {  	v2 =	vshll.u32 v1, $0x1  }
0x1e8: {  	v1 =	vand.u32 $0x7F, v1;
	v2 =	vand.u32 $0xFFFFFF00, v2  }
0x1e9: {  	v1 =	vor.u32 v1, v2;
	_ =	sdelay $0x4  }
0x1ea: {  	[tilespmem:v1+s10+$0x0] =	vst.idx.msk $0xffff, v0  }
0x1eb: {  	v1 =	vld [tilespmem:$0x10];
	_ =	sdelay $0x4  }
0x1ec: {  	v2 =	vshll.u32 v1, $0x1  }
0x1ed: {  	v1 =	vand.u32 $0x7F, v1;
	v2 =	vand.u32 $0xFFFFFF00, v2  }
0x1ee: {  	v1 =	vor.u32 v1, v2;
	_ =	sdelay $0x4  }
0x1ef: {  	[tilespmem:v1+s10+$0x0] =	vst.idx.msk $0xffff, v0  }
0x1f0: {  	v1 =	vld [tilespmem:$0x20];
	_ =	sdelay $0x4  }
0x1f1: {  	v2 =	vshll.u32 v1, $0x1  }
0x1f2: {  	v1 =	vand.u32 $0x7F, v1;
	v2 =	vand.u32 $0xFFFFFF00, v2  }
0x1f3: {  	v1 =	vor.u32 v1, v2;
	_ =	sdelay $0x4  }
0x1f4: {  	[tilespmem:v1+s10+$0x0] =	vst.idx.msk $0xffff, v0  }
0x1f5: {  	v1 =	vld [tilespmem:$0x30];
	_ =	sdelay $0x4  }
0x1f6: {  	v2 =	vshll.u32 v1, $0x1  }
0x1f7: {  	v1 =	vand.u32 $0x7F, v1;
	v2 =	vand.u32 $0xFFFFFF00, v2  }
0x1f8: {  	v1 =	vor.u32 v1, v2;
	_ =	sdelay $0x4  }
0x1f9: {  	[tilespmem:v1+s10+$0x0] =	vst.idx.msk $0xffff, v0  }
0x1fa: {  	v1 =	vld [tilespmem:$0x0];
	_ =	sdelay $0x4  }
0x1fb: {  	v2 =	vshll.u32 v1, $0x1  }
0x1fc: {  	v1 =	vand.u32 $0x7F, v1;
	v2 =	vand.u32 $0xFFFFFF00, v2  }
0x1fd: {  	v1 =	vor.u32 v2, v1  }
0x1fe: {  	v1 =	vor.u32 $0x80, v1;
	_ =	sdelay $0x4  }
0x1ff: {  	[tilespmem:v1+s10+$0x0] =	vst.idx.msk $0xffff, v0  }
0x200: {  	v1 =	vld [tilespmem:$0x10];
	_ =	sdelay $0x4  }
0x201: {  	v2 =	vshll.u32 v1, $0x1  }
0x202: {  	v1 =	vand.u32 $0x7F, v1;
	v2 =	vand.u32 $0xFFFFFF00, v2  }
0x203: {  	v1 =	vor.u32 v2, v1  }
0x204: {  	v1 =	vor.u32 $0x80, v1;
	_ =	sdelay $0x4  }
0x205: {  	[tilespmem:v1+s10+$0x0] =	vst.idx.msk $0xffff, v0  }
0x206: {  	v1 =	vld [tilespmem:$0x20];
	_ =	sdelay $0x4  }
0x207: {  	v2 =	vshll.u32 v1, $0x1  }
0x208: {  	v1 =	vand.u32 $0x7F, v1;
	v2 =	vand.u32 $0xFFFFFF00, v2  }
0x209: {  	v1 =	vor.u32 v2, v1  }
0x20a: {  	v1 =	vor.u32 $0x80, v1;
	_ =	sdelay $0x4  }
0x20b: {  	[tilespmem:v1+s10+$0x0] =	vst.idx.msk $0xffff, v0  }
0x20c: {  	v1 =	vld [tilespmem:$0x30];
	_ =	sdelay $0x4  }
0x20d: {  	v2 =	vshll.u32 v1, $0x1  }
0x20e: {  	v1 =	vand.u32 $0x7F, v1;
	v2 =	vand.u32 $0xFFFFFF00, v2  }
0x20f: {  	v1 =	vor.u32 v2, v1  }
0x210: {  	v1 =	vor.u32 $0x80, v1;
	_ =	sdelay $0x2  }
0x211: {  	s4 =	rddreg [dreg:$0x4]  }
0x212: {  	s11 =	sadd.s32 s6, s4  }
0x213: {  	s4 =	sadd.s32 $0x2000, s11;
	[tilespmem:v1+s10+$0x0] =	vst.idx.msk $0xffff, v0  }
0x214: {  	[hbm4b:s4+s8] =	stream.strided.scatter [tilespmem:s10], [sflag:$0x9], $0x2000, s9, s8, $0x38;
	[tilespmem:$0x10080] =	vst v63  }
0x215: {  	_ =	swait.ge [sflag:s3], $0x2000  }
0x216: {  	s7 =	rddreg [dreg:$0x5]  }
0x217: {  	[sflag:s3] =	ssyncset.done $0x0;
	s4 =	sadd.s32 s6, s7  }
0x218: {  	[sflag:s3] =	ssyncadd.s32 $0xFFFFE000;
	s7 =	sadd.s32 $0x3060, s4  }
0x219: {  	[tilespmem:s19], [sflag:$0x8] =	stream.strided.gather [hbm4b:s7+s8], $0x2000, s9, s8, $0x38;
	[tilespmem:$0x10080] =	vst v63  }
0x21a: {  	_ =	swait.ge [sflag:s20], $0x2000  }
0x21b: {  	[sflag:s20] =	ssyncset.done $0x0  }
0x21c: {  	[sflag:s20] =	ssyncadd.s32 $0xFFFFE000  }
0x21d: {  	v1 =	vld [tilespmem:$0x0];
	_ =	sdelay $0x4  }
0x21e: {  	v2 =	vshll.u32 v1, $0x1  }
0x21f: {  	v1 =	vand.u32 $0x7F, v1;
	v2 =	vand.u32 $0xFFFFFF00, v2  }
0x220: {  	v1 =	vor.u32 v1, v2;
	_ =	sdelay $0x4  }
0x221: {  	[tilespmem:v1+s12+$0x0] =	vst.idx.msk $0xffff, v0  }
0x222: {  	v1 =	vld [tilespmem:$0x10];
	_ =	sdelay $0x4  }
0x223: {  	v2 =	vshll.u32 v1, $0x1  }
0x224: {  	v1 =	vand.u32 $0x7F, v1;
	v2 =	vand.u32 $0xFFFFFF00, v2  }
0x225: {  	v1 =	vor.u32 v1, v2;
	_ =	sdelay $0x4  }
0x226: {  	[tilespmem:v1+s12+$0x0] =	vst.idx.msk $0xffff, v0  }
0x227: {  	v1 =	vld [tilespmem:$0x20];
	_ =	sdelay $0x4  }
0x228: {  	v2 =	vshll.u32 v1, $0x1  }
0x229: {  	v1 =	vand.u32 $0x7F, v1;
	v2 =	vand.u32 $0xFFFFFF00, v2  }
0x22a: {  	v1 =	vor.u32 v1, v2;
	_ =	sdelay $0x4  }
0x22b: {  	[tilespmem:v1+s12+$0x0] =	vst.idx.msk $0xffff, v0  }
0x22c: {  	v1 =	vld [tilespmem:$0x30];
	_ =	sdelay $0x4  }
0x22d: {  	v2 =	vshll.u32 v1, $0x1  }
0x22e: {  	v1 =	vand.u32 $0x7F, v1;
	v2 =	vand.u32 $0xFFFFFF00, v2  }
0x22f: {  	v1 =	vor.u32 v1, v2;
	_ =	sdelay $0x4  }
0x230: {  	[tilespmem:v1+s12+$0x0] =	vst.idx.msk $0xffff, v0  }
0x231: {  	v1 =	vld [tilespmem:$0x0];
	_ =	sdelay $0x4  }
0x232: {  	v2 =	vshll.u32 v1, $0x1  }
0x233: {  	v1 =	vand.u32 $0x7F, v1;
	v2 =	vand.u32 $0xFFFFFF00, v2  }
0x234: {  	v1 =	vor.u32 v2, v1  }
0x235: {  	v1 =	vor.u32 $0x80, v1;
	_ =	sdelay $0x4  }
0x236: {  	[tilespmem:v1+s12+$0x0] =	vst.idx.msk $0xffff, v0  }
0x237: {  	v1 =	vld [tilespmem:$0x10];
	_ =	sdelay $0x4  }
0x238: {  	v2 =	vshll.u32 v1, $0x1  }
0x239: {  	v1 =	vand.u32 $0x7F, v1;
	v2 =	vand.u32 $0xFFFFFF00, v2  }
0x23a: {  	v1 =	vor.u32 v2, v1  }
0x23b: {  	v1 =	vor.u32 $0x80, v1;
	_ =	sdelay $0x4  }
0x23c: {  	[tilespmem:v1+s12+$0x0] =	vst.idx.msk $0xffff, v0  }
0x23d: {  	v1 =	vld [tilespmem:$0x20];
	_ =	sdelay $0x4  }
0x23e: {  	v2 =	vshll.u32 v1, $0x1  }
0x23f: {  	v1 =	vand.u32 $0x7F, v1;
	v2 =	vand.u32 $0xFFFFFF00, v2  }
0x240: {  	v1 =	vor.u32 v2, v1  }
0x241: {  	v1 =	vor.u32 $0x80, v1;
	_ =	sdelay $0x4  }
0x242: {  	[tilespmem:v1+s12+$0x0] =	vst.idx.msk $0xffff, v0  }
0x243: {  	v1 =	vld [tilespmem:$0x30];
	_ =	sdelay $0x4  }
0x244: {  	v2 =	vshll.u32 v1, $0x1  }
0x245: {  	v1 =	vand.u32 $0x7F, v1;
	v2 =	vand.u32 $0xFFFFFF00, v2  }
0x246: {  	v1 =	vor.u32 v2, v1  }
0x247: {  	v1 =	vor.u32 $0x80, v1;
	_ =	sdelay $0x4  }
0x248: {  	s5 =	sadd.s32 $0x2020, s11;
	[tilespmem:v1+s12+$0x0] =	vst.idx.msk $0xffff, v0  }
0x249: {  	[hbm4b:s5+s8] =	stream.strided.scatter [tilespmem:s12], [sflag:$0xA], $0x2000, s9, s8, $0x38;
	[tilespmem:$0x10080] =	vst v63  }
0x24a: {  	_ =	swait.ge [sflag:s21], $0x2000  }
0x24b: {  	[sflag:s21] =	ssyncset.done $0x0  }
0x24c: {  	s5 =	sadd.s32 $0x4000, s4;
	[sflag:s21] =	ssyncadd.s32 $0xFFFFE000  }
0x24d: {  	[tilespmem:s10], [sflag:$0x1] =	stream.strided.gather [hbm4b:s5+s8], $0x2000, s9, s8, $0x38;
	[tilespmem:$0x10080] =	vst v63  }
0x24e: {  	_ =	swait.ge [sflag:s22], $0x2000  }
0x24f: {  	[sflag:s22] =	ssyncset.done $0x0  }
0x250: {  	[sflag:s22] =	ssyncadd.s32 $0xFFFFE000  }
0x251: {  	v1 =	vld [tilespmem:$0x0];
	_ =	sdelay $0x4  }
0x252: {  	v2 =	vshll.u32 v1, $0x1  }
0x253: {  	v1 =	vand.u32 $0x7F, v1;
	v2 =	vand.u32 $0xFFFFFF00, v2  }
0x254: {  	v1 =	vor.u32 v1, v2;
	_ =	sdelay $0x4  }
0x255: {  	[tilespmem:v1+s13+$0x0] =	vst.idx.msk $0xffff, v0  }
0x256: {  	v1 =	vld [tilespmem:$0x10];
	_ =	sdelay $0x4  }
0x257: {  	v2 =	vshll.u32 v1, $0x1  }
0x258: {  	v1 =	vand.u32 $0x7F, v1;
	v2 =	vand.u32 $0xFFFFFF00, v2  }
0x259: {  	v1 =	vor.u32 v1, v2;
	_ =	sdelay $0x4  }
0x25a: {  	[tilespmem:v1+s13+$0x0] =	vst.idx.msk $0xffff, v0  }
0x25b: {  	v1 =	vld [tilespmem:$0x20];
	_ =	sdelay $0x4  }
0x25c: {  	v2 =	vshll.u32 v1, $0x1  }
0x25d: {  	v1 =	vand.u32 $0x7F, v1;
	v2 =	vand.u32 $0xFFFFFF00, v2  }
0x25e: {  	v1 =	vor.u32 v1, v2;
	_ =	sdelay $0x4  }
0x25f: {  	[tilespmem:v1+s13+$0x0] =	vst.idx.msk $0xffff, v0  }
0x260: {  	v1 =	vld [tilespmem:$0x30];
	_ =	sdelay $0x4  }
0x261: {  	v2 =	vshll.u32 v1, $0x1  }
0x262: {  	v1 =	vand.u32 $0x7F, v1;
	v2 =	vand.u32 $0xFFFFFF00, v2  }
0x263: {  	v1 =	vor.u32 v1, v2;
	_ =	sdelay $0x4  }
0x264: {  	[tilespmem:v1+s13+$0x0] =	vst.idx.msk $0xffff, v0  }
0x265: {  	v1 =	vld [tilespmem:$0x0];
	_ =	sdelay $0x4  }
0x266: {  	v2 =	vshll.u32 v1, $0x1  }
0x267: {  	v1 =	vand.u32 $0x7F, v1;
	v2 =	vand.u32 $0xFFFFFF00, v2  }
0x268: {  	v1 =	vor.u32 v2, v1  }
0x269: {  	v1 =	vor.u32 $0x80, v1;
	_ =	sdelay $0x4  }
0x26a: {  	[tilespmem:v1+s13+$0x0] =	vst.idx.msk $0xffff, v0  }
0x26b: {  	v1 =	vld [tilespmem:$0x10];
	_ =	sdelay $0x4  }
0x26c: {  	v2 =	vshll.u32 v1, $0x1  }
0x26d: {  	v1 =	vand.u32 $0x7F, v1;
	v2 =	vand.u32 $0xFFFFFF00, v2  }
0x26e: {  	v1 =	vor.u32 v2, v1  }
0x26f: {  	v1 =	vor.u32 $0x80, v1;
	_ =	sdelay $0x4  }
0x270: {  	[tilespmem:v1+s13+$0x0] =	vst.idx.msk $0xffff, v0  }
0x271: {  	v1 =	vld [tilespmem:$0x20];
	_ =	sdelay $0x4  }
0x272: {  	v2 =	vshll.u32 v1, $0x1  }
0x273: {  	v1 =	vand.u32 $0x7F, v1;
	v2 =	vand.u32 $0xFFFFFF00, v2  }
0x274: {  	v1 =	vor.u32 v2, v1  }
0x275: {  	v1 =	vor.u32 $0x80, v1;
	_ =	sdelay $0x4  }
0x276: {  	[tilespmem:v1+s13+$0x0] =	vst.idx.msk $0xffff, v0  }
0x277: {  	v1 =	vld [tilespmem:$0x30];
	_ =	sdelay $0x4  }
0x278: {  	v2 =	vshll.u32 v1, $0x1  }
0x279: {  	v1 =	vand.u32 $0x7F, v1;
	v2 =	vand.u32 $0xFFFFFF00, v2  }
0x27a: {  	v1 =	vor.u32 v2, v1  }
0x27b: {  	v1 =	vor.u32 $0x80, v1;
	_ =	sdelay $0x4  }
0x27c: {  	s5 =	sadd.s32 $0x2040, s11;
	[tilespmem:v1+s13+$0x0] =	vst.idx.msk $0xffff, v0  }
0x27d: {  	[hbm4b:s5+s8] =	stream.strided.scatter [tilespmem:s13], [sflag:$0xB], $0x2000, s9, s8, $0x38;
	[tilespmem:$0x10080] =	vst v63  }
0x27e: {  	_ =	swait.ge [sflag:s23], $0x2000  }
0x27f: {  	s5 =	rddreg [dreg:$0x7]  }
0x280: {  	[sflag:s23] =	ssyncset.done $0x0;
	s7 =	sadd.s32 s6, s5  }
0x281: {  	[sflag:s23] =	ssyncadd.s32 $0xFFFFE000;
	s5 =	sadd.s32 $0x20, s7  }
0x282: {  	[tilespmem:s12], [sflag:$0x2] =	stream.strided.gather [hbm4b:s5+s8], $0x2000, s9, s8, $0x38;
	[tilespmem:$0x10080] =	vst v63  }
0x283: {  	_ =	swait.ge [sflag:s24], $0x2000  }
0x284: {  	[sflag:s24] =	ssyncset.done $0x0  }
0x285: {  	[sflag:s24] =	ssyncadd.s32 $0xFFFFE000  }
0x286: {  	v1 =	vld [tilespmem:$0x0];
	_ =	sdelay $0x4  }
0x287: {  	v2 =	vshll.u32 v1, $0x1  }
0x288: {  	v1 =	vand.u32 $0x7F, v1;
	v2 =	vand.u32 $0xFFFFFF00, v2  }
0x289: {  	v1 =	vor.u32 v1, v2;
	_ =	sdelay $0x4  }
0x28a: {  	[tilespmem:v1+s14+$0x0] =	vst.idx.msk $0xffff, v0  }
0x28b: {  	v1 =	vld [tilespmem:$0x10];
	_ =	sdelay $0x4  }
0x28c: {  	v2 =	vshll.u32 v1, $0x1  }
0x28d: {  	v1 =	vand.u32 $0x7F, v1;
	v2 =	vand.u32 $0xFFFFFF00, v2  }
0x28e: {  	v1 =	vor.u32 v1, v2;
	_ =	sdelay $0x4  }
0x28f: {  	[tilespmem:v1+s14+$0x0] =	vst.idx.msk $0xffff, v0  }
0x290: {  	v1 =	vld [tilespmem:$0x20];
	_ =	sdelay $0x4  }
0x291: {  	v2 =	vshll.u32 v1, $0x1  }
0x292: {  	v1 =	vand.u32 $0x7F, v1;
	v2 =	vand.u32 $0xFFFFFF00, v2  }
0x293: {  	v1 =	vor.u32 v1, v2;
	_ =	sdelay $0x4  }
0x294: {  	[tilespmem:v1+s14+$0x0] =	vst.idx.msk $0xffff, v0  }
0x295: {  	v1 =	vld [tilespmem:$0x30];
	_ =	sdelay $0x4  }
0x296: {  	v2 =	vshll.u32 v1, $0x1  }
0x297: {  	v1 =	vand.u32 $0x7F, v1;
	v2 =	vand.u32 $0xFFFFFF00, v2  }
0x298: {  	v1 =	vor.u32 v1, v2;
	_ =	sdelay $0x4  }
0x299: {  	[tilespmem:v1+s14+$0x0] =	vst.idx.msk $0xffff, v0  }
0x29a: {  	v1 =	vld [tilespmem:$0x0];
	_ =	sdelay $0x4  }
0x29b: {  	v2 =	vshll.u32 v1, $0x1  }
0x29c: {  	v1 =	vand.u32 $0x7F, v1;
	v2 =	vand.u32 $0xFFFFFF00, v2  }
0x29d: {  	v1 =	vor.u32 v2, v1  }
0x29e: {  	v1 =	vor.u32 $0x80, v1;
	_ =	sdelay $0x4  }
0x29f: {  	[tilespmem:v1+s14+$0x0] =	vst.idx.msk $0xffff, v0  }
0x2a0: {  	v1 =	vld [tilespmem:$0x10];
	_ =	sdelay $0x4  }
0x2a1: {  	v2 =	vshll.u32 v1, $0x1  }
0x2a2: {  	v1 =	vand.u32 $0x7F, v1;
	v2 =	vand.u32 $0xFFFFFF00, v2  }
0x2a3: {  	v1 =	vor.u32 v2, v1  }
0x2a4: {  	v1 =	vor.u32 $0x80, v1;
	_ =	sdelay $0x4  }
0x2a5: {  	[tilespmem:v1+s14+$0x0] =	vst.idx.msk $0xffff, v0  }
0x2a6: {  	v1 =	vld [tilespmem:$0x20];
	_ =	sdelay $0x4  }
0x2a7: {  	v2 =	vshll.u32 v1, $0x1  }
0x2a8: {  	v1 =	vand.u32 $0x7F, v1;
	v2 =	vand.u32 $0xFFFFFF00, v2  }
0x2a9: {  	v1 =	vor.u32 v2, v1  }
0x2aa: {  	v1 =	vor.u32 $0x80, v1;
	_ =	sdelay $0x4  }
0x2ab: {  	[tilespmem:v1+s14+$0x0] =	vst.idx.msk $0xffff, v0  }
0x2ac: {  	v1 =	vld [tilespmem:$0x30];
	_ =	sdelay $0x4  }
0x2ad: {  	v2 =	vshll.u32 v1, $0x1  }
0x2ae: {  	v1 =	vand.u32 $0x7F, v1;
	v2 =	vand.u32 $0xFFFFFF00, v2  }
0x2af: {  	v1 =	vor.u32 v2, v1  }
0x2b0: {  	v1 =	vor.u32 $0x80, v1;
	_ =	sdelay $0x4  }
0x2b1: {  	s5 =	sadd.s32 $0x2060, s11;
	[tilespmem:v1+s14+$0x0] =	vst.idx.msk $0xffff, v0  }
0x2b2: {  	[hbm4b:s5+s8] =	stream.strided.scatter [tilespmem:s14], [sflag:$0xC], $0x2000, s9, s8, $0x38;
	[tilespmem:$0x10080] =	vst v63  }
0x2b3: {  	_ =	swait.ge [sflag:s25], $0x2000  }
0x2b4: {  	[sflag:s25] =	ssyncset.done $0x0  }
0x2b5: {  	s5 =	sadd.s32 $0x40, s7;
	[sflag:s25] =	ssyncadd.s32 $0xFFFFE000  }
0x2b6: {  	[tilespmem:s13], [sflag:$0x3] =	stream.strided.gather [hbm4b:s5+s8], $0x2000, s9, s8, $0x38;
	[tilespmem:$0x10080] =	vst v63  }
0x2b7: {  	_ =	swait.ge [sflag:s26], $0x2000  }
0x2b8: {  	[sflag:s26] =	ssyncset.done $0x0  }
0x2b9: {  	[sflag:s26] =	ssyncadd.s32 $0xFFFFE000  }
0x2ba: {  	v1 =	vld [tilespmem:$0x0];
	_ =	sdelay $0x4  }
0x2bb: {  	v2 =	vshll.u32 v1, $0x1  }
0x2bc: {  	v1 =	vand.u32 $0x7F, v1;
	v2 =	vand.u32 $0xFFFFFF00, v2  }
0x2bd: {  	v1 =	vor.u32 v1, v2;
	_ =	sdelay $0x4  }
0x2be: {  	[tilespmem:v1+s15+$0x0] =	vst.idx.msk $0xffff, v0  }
0x2bf: {  	v1 =	vld [tilespmem:$0x10];
	_ =	sdelay $0x4  }
0x2c0: {  	v2 =	vshll.u32 v1, $0x1  }
0x2c1: {  	v1 =	vand.u32 $0x7F, v1;
	v2 =	vand.u32 $0xFFFFFF00, v2  }
0x2c2: {  	v1 =	vor.u32 v1, v2;
	_ =	sdelay $0x4  }
0x2c3: {  	[tilespmem:v1+s15+$0x0] =	vst.idx.msk $0xffff, v0  }
0x2c4: {  	v1 =	vld [tilespmem:$0x20];
	_ =	sdelay $0x4  }
0x2c5: {  	v2 =	vshll.u32 v1, $0x1  }
0x2c6: {  	v1 =	vand.u32 $0x7F, v1;
	v2 =	vand.u32 $0xFFFFFF00, v2  }
0x2c7: {  	v1 =	vor.u32 v1, v2;
	_ =	sdelay $0x4  }
0x2c8: {  	[tilespmem:v1+s15+$0x0] =	vst.idx.msk $0xffff, v0  }
0x2c9: {  	v1 =	vld [tilespmem:$0x30];
	_ =	sdelay $0x4  }
0x2ca: {  	v2 =	vshll.u32 v1, $0x1  }
0x2cb: {  	v1 =	vand.u32 $0x7F, v1;
	v2 =	vand.u32 $0xFFFFFF00, v2  }
0x2cc: {  	v1 =	vor.u32 v1, v2;
	_ =	sdelay $0x4  }
0x2cd: {  	[tilespmem:v1+s15+$0x0] =	vst.idx.msk $0xffff, v0  }
0x2ce: {  	v1 =	vld [tilespmem:$0x0];
	_ =	sdelay $0x4  }
0x2cf: {  	v2 =	vshll.u32 v1, $0x1  }
0x2d0: {  	v1 =	vand.u32 $0x7F, v1;
	v2 =	vand.u32 $0xFFFFFF00, v2  }
0x2d1: {  	v1 =	vor.u32 v2, v1  }
0x2d2: {  	v1 =	vor.u32 $0x80, v1;
	_ =	sdelay $0x4  }
0x2d3: {  	[tilespmem:v1+s15+$0x0] =	vst.idx.msk $0xffff, v0  }
0x2d4: {  	v1 =	vld [tilespmem:$0x10];
	_ =	sdelay $0x4  }
0x2d5: {  	v2 =	vshll.u32 v1, $0x1  }
0x2d6: {  	v1 =	vand.u32 $0x7F, v1;
	v2 =	vand.u32 $0xFFFFFF00, v2  }
0x2d7: {  	v1 =	vor.u32 v2, v1  }
0x2d8: {  	v1 =	vor.u32 $0x80, v1;
	_ =	sdelay $0x4  }
0x2d9: {  	[tilespmem:v1+s15+$0x0] =	vst.idx.msk $0xffff, v0  }
0x2da: {  	v1 =	vld [tilespmem:$0x20];
	_ =	sdelay $0x4  }
0x2db: {  	v2 =	vshll.u32 v1, $0x1  }
0x2dc: {  	v1 =	vand.u32 $0x7F, v1;
	v2 =	vand.u32 $0xFFFFFF00, v2  }
0x2dd: {  	v1 =	vor.u32 v2, v1  }
0x2de: {  	v1 =	vor.u32 $0x80, v1;
	_ =	sdelay $0x4  }
0x2df: {  	[tilespmem:v1+s15+$0x0] =	vst.idx.msk $0xffff, v0  }
0x2e0: {  	v1 =	vld [tilespmem:$0x30];
	_ =	sdelay $0x4  }
0x2e1: {  	v2 =	vshll.u32 v1, $0x1  }
0x2e2: {  	v1 =	vand.u32 $0x7F, v1;
	v2 =	vand.u32 $0xFFFFFF00, v2  }
0x2e3: {  	v1 =	vor.u32 v2, v1  }
0x2e4: {  	v1 =	vor.u32 $0x80, v1;
	_ =	sdelay $0x4  }
0x2e5: {  	s5 =	sadd.s32 $0x3000, s11;
	[tilespmem:v1+s15+$0x0] =	vst.idx.msk $0xffff, v0  }
0x2e6: {  	[hbm4b:s5+s8] =	stream.strided.scatter [tilespmem:s15], [sflag:$0xD], $0x2000, s9, s8, $0x38;
	[tilespmem:$0x10080] =	vst v63  }
0x2e7: {  	_ =	swait.ge [sflag:s28], $0x2000  }
0x2e8: {  	[sflag:s28] =	ssyncset.done $0x0  }
0x2e9: {  	s7 =	sadd.s32 $0x60, s7;
	[sflag:s28] =	ssyncadd.s32 $0xFFFFE000  }
0x2ea: {  	[tilespmem:s14], [sflag:$0x4] =	stream.strided.gather [hbm4b:s7+s8], $0x2000, s9, s8, $0x38;
	[tilespmem:$0x10080] =	vst v63  }
0x2eb: {  	_ =	swait.ge [sflag:s29], $0x2000  }
0x2ec: {  	[sflag:s29] =	ssyncset.done $0x0  }
0x2ed: {  	[sflag:s29] =	ssyncadd.s32 $0xFFFFE000  }
0x2ee: {  	v1 =	vld [tilespmem:$0x0];
	_ =	sdelay $0x4  }
0x2ef: {  	v2 =	vshll.u32 v1, $0x1  }
0x2f0: {  	v1 =	vand.u32 $0x7F, v1;
	v2 =	vand.u32 $0xFFFFFF00, v2  }
0x2f1: {  	v1 =	vor.u32 v1, v2;
	_ =	sdelay $0x4  }
0x2f2: {  	[tilespmem:v1+s16+$0x0] =	vst.idx.msk $0xffff, v0  }
0x2f3: {  	v1 =	vld [tilespmem:$0x10];
	_ =	sdelay $0x4  }
0x2f4: {  	v2 =	vshll.u32 v1, $0x1  }
0x2f5: {  	v1 =	vand.u32 $0x7F, v1;
	v2 =	vand.u32 $0xFFFFFF00, v2  }
0x2f6: {  	v1 =	vor.u32 v1, v2;
	_ =	sdelay $0x4  }
0x2f7: {  	[tilespmem:v1+s16+$0x0] =	vst.idx.msk $0xffff, v0  }
0x2f8: {  	v1 =	vld [tilespmem:$0x20];
	_ =	sdelay $0x4  }
0x2f9: {  	v2 =	vshll.u32 v1, $0x1  }
0x2fa: {  	v1 =	vand.u32 $0x7F, v1;
	v2 =	vand.u32 $0xFFFFFF00, v2  }
0x2fb: {  	v1 =	vor.u32 v1, v2;
	_ =	sdelay $0x4  }
0x2fc: {  	[tilespmem:v1+s16+$0x0] =	vst.idx.msk $0xffff, v0  }
0x2fd: {  	v1 =	vld [tilespmem:$0x30];
	_ =	sdelay $0x4  }
0x2fe: {  	v2 =	vshll.u32 v1, $0x1  }
0x2ff: {  	v1 =	vand.u32 $0x7F, v1;
	v2 =	vand.u32 $0xFFFFFF00, v2  }
0x300: {  	v1 =	vor.u32 v1, v2;
	_ =	sdelay $0x4  }
0x301: {  	[tilespmem:v1+s16+$0x0] =	vst.idx.msk $0xffff, v0  }
0x302: {  	v1 =	vld [tilespmem:$0x0];
	_ =	sdelay $0x4  }
0x303: {  	v2 =	vshll.u32 v1, $0x1  }
0x304: {  	v1 =	vand.u32 $0x7F, v1;
	v2 =	vand.u32 $0xFFFFFF00, v2  }
0x305: {  	v1 =	vor.u32 v2, v1  }
0x306: {  	v1 =	vor.u32 $0x80, v1;
	_ =	sdelay $0x4  }
0x307: {  	[tilespmem:v1+s16+$0x0] =	vst.idx.msk $0xffff, v0  }
0x308: {  	v1 =	vld [tilespmem:$0x10];
	_ =	sdelay $0x4  }
0x309: {  	v2 =	vshll.u32 v1, $0x1  }
0x30a: {  	v1 =	vand.u32 $0x7F, v1;
	v2 =	vand.u32 $0xFFFFFF00, v2  }
0x30b: {  	v1 =	vor.u32 v2, v1  }
0x30c: {  	v1 =	vor.u32 $0x80, v1;
	_ =	sdelay $0x4  }
0x30d: {  	[tilespmem:v1+s16+$0x0] =	vst.idx.msk $0xffff, v0  }
0x30e: {  	v1 =	vld [tilespmem:$0x20];
	_ =	sdelay $0x4  }
0x30f: {  	v2 =	vshll.u32 v1, $0x1  }
0x310: {  	v1 =	vand.u32 $0x7F, v1;
	v2 =	vand.u32 $0xFFFFFF00, v2  }
0x311: {  	v1 =	vor.u32 v2, v1  }
0x312: {  	v1 =	vor.u32 $0x80, v1;
	_ =	sdelay $0x4  }
0x313: {  	[tilespmem:v1+s16+$0x0] =	vst.idx.msk $0xffff, v0  }
0x314: {  	v1 =	vld [tilespmem:$0x30];
	_ =	sdelay $0x4  }
0x315: {  	v2 =	vshll.u32 v1, $0x1  }
0x316: {  	v1 =	vand.u32 $0x7F, v1;
	v2 =	vand.u32 $0xFFFFFF00, v2  }
0x317: {  	v1 =	vor.u32 v2, v1  }
0x318: {  	v1 =	vor.u32 $0x80, v1;
	_ =	sdelay $0x4  }
0x319: {  	s7 =	sadd.s32 $0x3020, s11;
	[tilespmem:v1+s16+$0x0] =	vst.idx.msk $0xffff, v0  }
0x31a: {  	[hbm4b:s7+s8] =	stream.strided.scatter [tilespmem:s16], [sflag:$0xE], $0x2000, s9, s8, $0x38;
	[tilespmem:$0x10080] =	vst v63  }
0x31b: {  	_ =	swait.ge [sflag:s30], $0x2000  }
0x31c: {  	[sflag:s30] =	ssyncset.done $0x0  }
0x31d: {  	s4 =	sadd.s32 $0x5000, s4;
	[sflag:s30] =	ssyncadd.s32 $0xFFFFE000  }
0x31e: {  	[tilespmem:s15], [sflag:$0x5] =	stream.strided.gather [hbm4b:s4+s8], $0x2000, s9, s8, $0x38;
	[tilespmem:$0x10080] =	vst v63  }
0x31f: {  	_ =	swait.ge [sflag:s31], $0x2000  }
0x320: {  	[sflag:s31] =	ssyncset.done $0x0  }
0x321: {  	[sflag:s31] =	ssyncadd.s32 $0xFFFFE000  }
0x322: {  	v1 =	vld [tilespmem:$0x0];
	_ =	sdelay $0x4  }
0x323: {  	v2 =	vshll.u32 v1, $0x1  }
0x324: {  	v1 =	vand.u32 $0x7F, v1;
	v2 =	vand.u32 $0xFFFFFF00, v2  }
0x325: {  	v1 =	vor.u32 v1, v2;
	_ =	sdelay $0x4  }
0x326: {  	[tilespmem:v1+s17+$0x0] =	vst.idx.msk $0xffff, v0  }
0x327: {  	v1 =	vld [tilespmem:$0x10];
	_ =	sdelay $0x4  }
0x328: {  	v2 =	vshll.u32 v1, $0x1  }
0x329: {  	v1 =	vand.u32 $0x7F, v1;
	v2 =	vand.u32 $0xFFFFFF00, v2  }
0x32a: {  	v1 =	vor.u32 v1, v2;
	_ =	sdelay $0x4  }
0x32b: {  	[tilespmem:v1+s17+$0x0] =	vst.idx.msk $0xffff, v0  }
0x32c: {  	v1 =	vld [tilespmem:$0x20];
	_ =	sdelay $0x4  }
0x32d: {  	v2 =	vshll.u32 v1, $0x1  }
0x32e: {  	v1 =	vand.u32 $0x7F, v1;
	v2 =	vand.u32 $0xFFFFFF00, v2  }
0x32f: {  	v1 =	vor.u32 v1, v2;
	_ =	sdelay $0x4  }
0x330: {  	[tilespmem:v1+s17+$0x0] =	vst.idx.msk $0xffff, v0  }
0x331: {  	v1 =	vld [tilespmem:$0x30];
	_ =	sdelay $0x4  }
0x332: {  	v2 =	vshll.u32 v1, $0x1  }
0x333: {  	v1 =	vand.u32 $0x7F, v1;
	v2 =	vand.u32 $0xFFFFFF00, v2  }
0x334: {  	v1 =	vor.u32 v1, v2;
	_ =	sdelay $0x4  }
0x335: {  	[tilespmem:v1+s17+$0x0] =	vst.idx.msk $0xffff, v0  }
0x336: {  	v1 =	vld [tilespmem:$0x0];
	_ =	sdelay $0x4  }
0x337: {  	v2 =	vshll.u32 v1, $0x1  }
0x338: {  	v1 =	vand.u32 $0x7F, v1;
	v2 =	vand.u32 $0xFFFFFF00, v2  }
0x339: {  	v1 =	vor.u32 v2, v1  }
0x33a: {  	v1 =	vor.u32 $0x80, v1;
	_ =	sdelay $0x4  }
0x33b: {  	[tilespmem:v1+s17+$0x0] =	vst.idx.msk $0xffff, v0  }
0x33c: {  	v1 =	vld [tilespmem:$0x10];
	_ =	sdelay $0x4  }
0x33d: {  	v2 =	vshll.u32 v1, $0x1  }
0x33e: {  	v1 =	vand.u32 $0x7F, v1;
	v2 =	vand.u32 $0xFFFFFF00, v2  }
0x33f: {  	v1 =	vor.u32 v2, v1  }
0x340: {  	v1 =	vor.u32 $0x80, v1;
	_ =	sdelay $0x4  }
0x341: {  	[tilespmem:v1+s17+$0x0] =	vst.idx.msk $0xffff, v0  }
0x342: {  	v1 =	vld [tilespmem:$0x20];
	_ =	sdelay $0x4  }
0x343: {  	v2 =	vshll.u32 v1, $0x1  }
0x344: {  	v1 =	vand.u32 $0x7F, v1;
	v2 =	vand.u32 $0xFFFFFF00, v2  }
0x345: {  	v1 =	vor.u32 v2, v1  }
0x346: {  	v1 =	vor.u32 $0x80, v1;
	_ =	sdelay $0x4  }
0x347: {  	[tilespmem:v1+s17+$0x0] =	vst.idx.msk $0xffff, v0  }
0x348: {  	v1 =	vld [tilespmem:$0x30];
	_ =	sdelay $0x4  }
0x349: {  	v2 =	vshll.u32 v1, $0x1  }
0x34a: {  	v1 =	vand.u32 $0x7F, v1;
	v2 =	vand.u32 $0xFFFFFF00, v2  }
0x34b: {  	v1 =	vor.u32 v2, v1  }
0x34c: {  	v1 =	vor.u32 $0x80, v1;
	_ =	sdelay $0x4  }
0x34d: {  	s7 =	sadd.s32 $0x3040, s11;
	[tilespmem:v1+s17+$0x0] =	vst.idx.msk $0xffff, v0  }
0x34e: {  	[hbm4b:s7+s8] =	stream.strided.scatter [tilespmem:s17], [sflag:$0xF], $0x2000, s9, s8, $0x38;
	[tilespmem:$0x10080] =	vst v63  }
0x34f: {  	_ =	swait.ge [sflag:s0], $0x2000  }
0x350: {  	s5 =	rddreg [dreg:$0x6]  }
0x351: {  	[sflag:s0] =	ssyncset.done $0x0;
	s4 =	sadd.s32 s6, s5  }
0x352: {  	[sflag:s0] =	ssyncadd.s32 $0xFFFFE000;
	s7 =	sadd.s32 $0x20, s4  }
0x353: {  	[tilespmem:s16], [sflag:$0x6] =	stream.strided.gather [hbm4b:s7+s8], $0x2000, s9, s8, $0x38;
	[tilespmem:$0x10080] =	vst v63  }
0x354: {  	_ =	swait.ge [sflag:s2], $0x2000  }
0x355: {  	[sflag:s2] =	ssyncset.done $0x0  }
0x356: {  	[sflag:s2] =	ssyncadd.s32 $0xFFFFE000  }
0x357: {  	v1 =	vld [tilespmem:$0x0];
	_ =	sdelay $0x4  }
0x358: {  	v2 =	vshll.u32 v1, $0x1  }
0x359: {  	v1 =	vand.u32 $0x7F, v1;
	v2 =	vand.u32 $0xFFFFFF00, v2  }
0x35a: {  	v1 =	vor.u32 v1, v2;
	_ =	sdelay $0x4  }
0x35b: {  	[tilespmem:v1+s19+$0x0] =	vst.idx.msk $0xffff, v0  }
0x35c: {  	v1 =	vld [tilespmem:$0x10];
	_ =	sdelay $0x4  }
0x35d: {  	v2 =	vshll.u32 v1, $0x1  }
0x35e: {  	v1 =	vand.u32 $0x7F, v1;
	v2 =	vand.u32 $0xFFFFFF00, v2  }
0x35f: {  	v1 =	vor.u32 v1, v2;
	_ =	sdelay $0x4  }
0x360: {  	[tilespmem:v1+s19+$0x0] =	vst.idx.msk $0xffff, v0  }
0x361: {  	v1 =	vld [tilespmem:$0x20];
	_ =	sdelay $0x4  }
0x362: {  	v2 =	vshll.u32 v1, $0x1  }
0x363: {  	v1 =	vand.u32 $0x7F, v1;
	v2 =	vand.u32 $0xFFFFFF00, v2  }
0x364: {  	v1 =	vor.u32 v1, v2;
	_ =	sdelay $0x4  }
0x365: {  	[tilespmem:v1+s19+$0x0] =	vst.idx.msk $0xffff, v0  }
0x366: {  	v1 =	vld [tilespmem:$0x30];
	_ =	sdelay $0x4  }
0x367: {  	v2 =	vshll.u32 v1, $0x1  }
0x368: {  	v1 =	vand.u32 $0x7F, v1;
	v2 =	vand.u32 $0xFFFFFF00, v2  }
0x369: {  	v1 =	vor.u32 v1, v2;
	_ =	sdelay $0x4  }
0x36a: {  	[tilespmem:v1+s19+$0x0] =	vst.idx.msk $0xffff, v0  }
0x36b: {  	v1 =	vld [tilespmem:$0x0];
	_ =	sdelay $0x4  }
0x36c: {  	v2 =	vshll.u32 v1, $0x1  }
0x36d: {  	v1 =	vand.u32 $0x7F, v1;
	v2 =	vand.u32 $0xFFFFFF00, v2  }
0x36e: {  	v1 =	vor.u32 v2, v1  }
0x36f: {  	v1 =	vor.u32 $0x80, v1;
	_ =	sdelay $0x4  }
0x370: {  	[tilespmem:v1+s19+$0x0] =	vst.idx.msk $0xffff, v0  }
0x371: {  	v1 =	vld [tilespmem:$0x10];
	_ =	sdelay $0x4  }
0x372: {  	v2 =	vshll.u32 v1, $0x1  }
0x373: {  	v1 =	vand.u32 $0x7F, v1;
	v2 =	vand.u32 $0xFFFFFF00, v2  }
0x374: {  	v1 =	vor.u32 v2, v1  }
0x375: {  	v1 =	vor.u32 $0x80, v1;
	_ =	sdelay $0x4  }
0x376: {  	[tilespmem:v1+s19+$0x0] =	vst.idx.msk $0xffff, v0  }
0x377: {  	v1 =	vld [tilespmem:$0x20];
	_ =	sdelay $0x4  }
0x378: {  	v2 =	vshll.u32 v1, $0x1  }
0x379: {  	v1 =	vand.u32 $0x7F, v1;
	v2 =	vand.u32 $0xFFFFFF00, v2  }
0x37a: {  	v1 =	vor.u32 v2, v1  }
0x37b: {  	v1 =	vor.u32 $0x80, v1;
	_ =	sdelay $0x4  }
0x37c: {  	[tilespmem:v1+s19+$0x0] =	vst.idx.msk $0xffff, v0  }
0x37d: {  	v1 =	vld [tilespmem:$0x30];
	_ =	sdelay $0x4  }
0x37e: {  	v2 =	vshll.u32 v1, $0x1  }
0x37f: {  	v1 =	vand.u32 $0x7F, v1;
	v2 =	vand.u32 $0xFFFFFF00, v2  }
0x380: {  	v1 =	vor.u32 v2, v1  }
0x381: {  	v1 =	vor.u32 $0x80, v1;
	_ =	sdelay $0x4  }
0x382: {  	p0 =	sne.s32 s6, $0x3A000;
	s11 =	sadd.s32 $0x3060, s11;
	[tilespmem:v1+s19+$0x0] =	vst.idx.msk $0xffff, v0  }
0x383: {  	[hbm4b:s11+s8] =	stream.strided.scatter [tilespmem:s19], [sflag:$0x10], $0x2000, s9, s8, $0x38;
	[tilespmem:$0x10080] =	vst v63  }
.Ltmp0:
0x384: {  	_ = 	snop;
	(pc) =	sbr.rel @p0 .LBB2_2-.Ltmp0, $4  }
0x385: {  	_ =	swait.ge [sflag:s1], $0x2000  }
0x386: {  	[sflag:s1] =	ssyncset.done $0x0  }
0x387: {  	s6 =	sadd.s32 $0x2000, s6;
	s4 =	sadd.s32 $0x40, s4;
	[sflag:s1] =	ssyncadd.s32 $0xFFFFE000  }
0x388: {  	[tilespmem:s17], [sflag:$0x7] =	stream.strided.gather [hbm4b:s4+s8], $0x2000, s9, s8, $0x38;
	[tilespmem:$0x10080] =	vst v63  }
0x389: {  	_ =	swait.ge [sflag:s18], $0x2000  }
0x38a: {  	[sflag:s18] =	ssyncset.done $0x0  }
0x38b: {  	[sflag:s18] =	ssyncadd.s32 $0xFFFFE000  }
0x38c: {  	v1 =	vld [tilespmem:$0x0];
	_ =	sdelay $0x4  }
0x38d: {  	v2 =	vshll.u32 v1, $0x1  }
0x38e: {  	v1 =	vand.u32 $0x7F, v1;
	v2 =	vand.u32 $0xFFFFFF00, v2  }
0x38f: {  	v1 =	vor.u32 v1, v2;
	_ =	sdelay $0x4  }
0x390: {  	[tilespmem:v1+s10+$0x0] =	vst.idx.msk $0xffff, v0  }
0x391: {  	v1 =	vld [tilespmem:$0x10];
	_ =	sdelay $0x4  }
0x392: {  	v2 =	vshll.u32 v1, $0x1  }
0x393: {  	v1 =	vand.u32 $0x7F, v1;
	v2 =	vand.u32 $0xFFFFFF00, v2  }
0x394: {  	v1 =	vor.u32 v1, v2;
	_ =	sdelay $0x4  }
0x395: {  	[tilespmem:v1+s10+$0x0] =	vst.idx.msk $0xffff, v0  }
0x396: {  	v1 =	vld [tilespmem:$0x20];
	_ =	sdelay $0x4  }
0x397: {  	v2 =	vshll.u32 v1, $0x1  }
0x398: {  	v1 =	vand.u32 $0x7F, v1;
	v2 =	vand.u32 $0xFFFFFF00, v2  }
0x399: {  	v1 =	vor.u32 v1, v2;
	_ =	sdelay $0x4  }
0x39a: {  	[tilespmem:v1+s10+$0x0] =	vst.idx.msk $0xffff, v0  }
0x39b: {  	v1 =	vld [tilespmem:$0x30];
	_ =	sdelay $0x4  }
0x39c: {  	v2 =	vshll.u32 v1, $0x1  }
0x39d: {  	v1 =	vand.u32 $0x7F, v1;
	v2 =	vand.u32 $0xFFFFFF00, v2  }
0x39e: {  	v1 =	vor.u32 v1, v2;
	_ =	sdelay $0x4  }
0x39f: {  	[tilespmem:v1+s10+$0x0] =	vst.idx.msk $0xffff, v0  }
0x3a0: {  	v1 =	vld [tilespmem:$0x0];
	_ =	sdelay $0x4  }
0x3a1: {  	v2 =	vshll.u32 v1, $0x1  }
0x3a2: {  	v1 =	vand.u32 $0x7F, v1;
	v2 =	vand.u32 $0xFFFFFF00, v2  }
0x3a3: {  	v1 =	vor.u32 v2, v1  }
0x3a4: {  	v1 =	vor.u32 $0x80, v1;
	_ =	sdelay $0x4  }
0x3a5: {  	[tilespmem:v1+s10+$0x0] =	vst.idx.msk $0xffff, v0  }
0x3a6: {  	v1 =	vld [tilespmem:$0x10];
	_ =	sdelay $0x4  }
0x3a7: {  	v2 =	vshll.u32 v1, $0x1  }
0x3a8: {  	v1 =	vand.u32 $0x7F, v1;
	v2 =	vand.u32 $0xFFFFFF00, v2  }
0x3a9: {  	v1 =	vor.u32 v2, v1  }
0x3aa: {  	v1 =	vor.u32 $0x80, v1;
	_ =	sdelay $0x4  }
0x3ab: {  	[tilespmem:v1+s10+$0x0] =	vst.idx.msk $0xffff, v0  }
0x3ac: {  	v1 =	vld [tilespmem:$0x20];
	_ =	sdelay $0x4  }
0x3ad: {  	v2 =	vshll.u32 v1, $0x1  }
0x3ae: {  	v1 =	vand.u32 $0x7F, v1;
	v2 =	vand.u32 $0xFFFFFF00, v2  }
0x3af: {  	v1 =	vor.u32 v2, v1  }
0x3b0: {  	v1 =	vor.u32 $0x80, v1;
	_ =	sdelay $0x4  }
0x3b1: {  	[tilespmem:v1+s10+$0x0] =	vst.idx.msk $0xffff, v0  }
0x3b2: {  	v1 =	vld [tilespmem:$0x30];
	_ =	sdelay $0x4  }
0x3b3: {  	v2 =	vshll.u32 v1, $0x1  }
0x3b4: {  	v1 =	vand.u32 $0x7F, v1;
	v2 =	vand.u32 $0xFFFFFF00, v2  }
0x3b5: {  	v1 =	vor.u32 v2, v1  }
0x3b6: {  	v1 =	vor.u32 $0x80, v1;
	_ =	sdelay $0x2  }
0x3b7: {  	s4 =	sld [smem:$0x7F7];
	_ =	sdelay $0x1  }
0x3b8: {  	[tilespmem:v1+s10+$0x0] =	vst.idx.msk $0xffff, v0  }
0x3b9: {  	[hbm4b:s4+s8] =	stream.strided.scatter [tilespmem:s10], [sflag:$0x9], $0x2000, s9, s8, $0x38;
	[tilespmem:$0x10080] =	vst v63  }
0x3ba: {  	_ =	swait.ge [sflag:s3], $0x2000  }
0x3bb: {  	[sflag:s3] =	ssyncset.done $0x0  }
0x3bc: {  	s11 =	rddreg [dreg:$0x19];
	[sflag:s3] =	ssyncadd.s32 $0xFFFFE000  }
0x3bd: {  	[tilespmem:s19], [sflag:$0x8] =	stream.strided.gather [hbm4b:s11+s8], $0x2000, s9, s8, $0x38;
	[tilespmem:$0x10080] =	vst v63  }
0x3be: {  	_ =	swait.ge [sflag:s20], $0x2000  }
0x3bf: {  	[sflag:s20] =	ssyncset.done $0x0  }
0x3c0: {  	[sflag:s20] =	ssyncadd.s32 $0xFFFFE000  }
0x3c1: {  	v1 =	vld [tilespmem:$0x0];
	_ =	sdelay $0x4  }
0x3c2: {  	v2 =	vshll.u32 v1, $0x1  }
0x3c3: {  	v1 =	vand.u32 $0x7F, v1;
	v2 =	vand.u32 $0xFFFFFF00, v2  }
0x3c4: {  	v1 =	vor.u32 v1, v2;
	_ =	sdelay $0x4  }
0x3c5: {  	[tilespmem:v1+s12+$0x0] =	vst.idx.msk $0xffff, v0  }
0x3c6: {  	v1 =	vld [tilespmem:$0x10];
	_ =	sdelay $0x4  }
0x3c7: {  	v2 =	vshll.u32 v1, $0x1  }
0x3c8: {  	v1 =	vand.u32 $0x7F, v1;
	v2 =	vand.u32 $0xFFFFFF00, v2  }
0x3c9: {  	v1 =	vor.u32 v1, v2;
	_ =	sdelay $0x4  }
0x3ca: {  	[tilespmem:v1+s12+$0x0] =	vst.idx.msk $0xffff, v0  }
0x3cb: {  	v1 =	vld [tilespmem:$0x20];
	_ =	sdelay $0x4  }
0x3cc: {  	v2 =	vshll.u32 v1, $0x1  }
0x3cd: {  	v1 =	vand.u32 $0x7F, v1;
	v2 =	vand.u32 $0xFFFFFF00, v2  }
0x3ce: {  	v1 =	vor.u32 v1, v2;
	_ =	sdelay $0x4  }
0x3cf: {  	[tilespmem:v1+s12+$0x0] =	vst.idx.msk $0xffff, v0  }
0x3d0: {  	v1 =	vld [tilespmem:$0x30];
	_ =	sdelay $0x4  }
0x3d1: {  	v2 =	vshll.u32 v1, $0x1  }
0x3d2: {  	v1 =	vand.u32 $0x7F, v1;
	v2 =	vand.u32 $0xFFFFFF00, v2  }
0x3d3: {  	v1 =	vor.u32 v1, v2;
	_ =	sdelay $0x4  }
0x3d4: {  	[tilespmem:v1+s12+$0x0] =	vst.idx.msk $0xffff, v0  }
0x3d5: {  	v1 =	vld [tilespmem:$0x0];
	_ =	sdelay $0x4  }
0x3d6: {  	v2 =	vshll.u32 v1, $0x1  }
0x3d7: {  	v1 =	vand.u32 $0x7F, v1;
	v2 =	vand.u32 $0xFFFFFF00, v2  }
0x3d8: {  	v1 =	vor.u32 v2, v1  }
0x3d9: {  	v1 =	vor.u32 $0x80, v1;
	_ =	sdelay $0x4  }
0x3da: {  	[tilespmem:v1+s12+$0x0] =	vst.idx.msk $0xffff, v0  }
0x3db: {  	v1 =	vld [tilespmem:$0x10];
	_ =	sdelay $0x4  }
0x3dc: {  	v2 =	vshll.u32 v1, $0x1  }
0x3dd: {  	v1 =	vand.u32 $0x7F, v1;
	v2 =	vand.u32 $0xFFFFFF00, v2  }
0x3de: {  	v1 =	vor.u32 v2, v1  }
0x3df: {  	v1 =	vor.u32 $0x80, v1;
	_ =	sdelay $0x4  }
0x3e0: {  	[tilespmem:v1+s12+$0x0] =	vst.idx.msk $0xffff, v0  }
0x3e1: {  	v1 =	vld [tilespmem:$0x20];
	_ =	sdelay $0x4  }
0x3e2: {  	v2 =	vshll.u32 v1, $0x1  }
0x3e3: {  	v1 =	vand.u32 $0x7F, v1;
	v2 =	vand.u32 $0xFFFFFF00, v2  }
0x3e4: {  	v1 =	vor.u32 v2, v1  }
0x3e5: {  	v1 =	vor.u32 $0x80, v1;
	_ =	sdelay $0x4  }
0x3e6: {  	[tilespmem:v1+s12+$0x0] =	vst.idx.msk $0xffff, v0  }
0x3e7: {  	v1 =	vld [tilespmem:$0x30];
	_ =	sdelay $0x4  }
0x3e8: {  	v2 =	vshll.u32 v1, $0x1  }
0x3e9: {  	v1 =	vand.u32 $0x7F, v1;
	v2 =	vand.u32 $0xFFFFFF00, v2  }
0x3ea: {  	v1 =	vor.u32 v2, v1  }
0x3eb: {  	v1 =	vor.u32 $0x80, v1;
	_ =	sdelay $0x2  }
0x3ec: {  	s5 =	sld [smem:$0x7F8];
	_ =	sdelay $0x1  }
0x3ed: {  	[tilespmem:v1+s12+$0x0] =	vst.idx.msk $0xffff, v0  }
0x3ee: {  	[hbm4b:s5+s8] =	stream.strided.scatter [tilespmem:s12], [sflag:$0xA], $0x2000, s9, s8, $0x38;
	[tilespmem:$0x10080] =	vst v63  }
0x3ef: {  	_ =	swait.ge [sflag:s21], $0x2000  }
0x3f0: {  	[sflag:s21] =	ssyncset.done $0x0  }
0x3f1: {  	[sflag:s21] =	ssyncadd.s32 $0xFFFFE000  }
0x3f2: {  	_ =	swait.ge [sflag:s22], $0x2000  }
0x3f3: {  	[sflag:s22] =	ssyncset.done $0x0  }
0x3f4: {  	[sflag:s22] =	ssyncadd.s32 $0xFFFFE000  }
0x3f5: {  	v1 =	vld [tilespmem:$0x0];
	_ =	sdelay $0x4  }
0x3f6: {  	v2 =	vshll.u32 v1, $0x1  }
0x3f7: {  	v1 =	vand.u32 $0x7F, v1;
	v2 =	vand.u32 $0xFFFFFF00, v2  }
0x3f8: {  	v1 =	vor.u32 v1, v2;
	_ =	sdelay $0x4  }
0x3f9: {  	[tilespmem:v1+s13+$0x0] =	vst.idx.msk $0xffff, v0  }
0x3fa: {  	v1 =	vld [tilespmem:$0x10];
	_ =	sdelay $0x4  }
0x3fb: {  	v2 =	vshll.u32 v1, $0x1  }
0x3fc: {  	v1 =	vand.u32 $0x7F, v1;
	v2 =	vand.u32 $0xFFFFFF00, v2  }
0x3fd: {  	v1 =	vor.u32 v1, v2;
	_ =	sdelay $0x4  }
0x3fe: {  	[tilespmem:v1+s13+$0x0] =	vst.idx.msk $0xffff, v0  }
0x3ff: {  	v1 =	vld [tilespmem:$0x20];
	_ =	sdelay $0x4  }
0x400: {  	v2 =	vshll.u32 v1, $0x1  }
0x401: {  	v1 =	vand.u32 $0x7F, v1;
	v2 =	vand.u32 $0xFFFFFF00, v2  }
0x402: {  	v1 =	vor.u32 v1, v2;
	_ =	sdelay $0x4  }
0x403: {  	[tilespmem:v1+s13+$0x0] =	vst.idx.msk $0xffff, v0  }
0x404: {  	v1 =	vld [tilespmem:$0x30];
	_ =	sdelay $0x4  }
0x405: {  	v2 =	vshll.u32 v1, $0x1  }
0x406: {  	v1 =	vand.u32 $0x7F, v1;
	v2 =	vand.u32 $0xFFFFFF00, v2  }
0x407: {  	v1 =	vor.u32 v1, v2;
	_ =	sdelay $0x4  }
0x408: {  	[tilespmem:v1+s13+$0x0] =	vst.idx.msk $0xffff, v0  }
0x409: {  	v1 =	vld [tilespmem:$0x0];
	_ =	sdelay $0x4  }
0x40a: {  	v2 =	vshll.u32 v1, $0x1  }
0x40b: {  	v1 =	vand.u32 $0x7F, v1;
	v2 =	vand.u32 $0xFFFFFF00, v2  }
0x40c: {  	v1 =	vor.u32 v2, v1  }
0x40d: {  	v1 =	vor.u32 $0x80, v1;
	_ =	sdelay $0x4  }
0x40e: {  	[tilespmem:v1+s13+$0x0] =	vst.idx.msk $0xffff, v0  }
0x40f: {  	v1 =	vld [tilespmem:$0x10];
	_ =	sdelay $0x4  }
0x410: {  	v2 =	vshll.u32 v1, $0x1  }
0x411: {  	v1 =	vand.u32 $0x7F, v1;
	v2 =	vand.u32 $0xFFFFFF00, v2  }
0x412: {  	v1 =	vor.u32 v2, v1  }
0x413: {  	v1 =	vor.u32 $0x80, v1;
	_ =	sdelay $0x4  }
0x414: {  	[tilespmem:v1+s13+$0x0] =	vst.idx.msk $0xffff, v0  }
0x415: {  	v1 =	vld [tilespmem:$0x20];
	_ =	sdelay $0x4  }
0x416: {  	v2 =	vshll.u32 v1, $0x1  }
0x417: {  	v1 =	vand.u32 $0x7F, v1;
	v2 =	vand.u32 $0xFFFFFF00, v2  }
0x418: {  	v1 =	vor.u32 v2, v1  }
0x419: {  	v1 =	vor.u32 $0x80, v1;
	_ =	sdelay $0x4  }
0x41a: {  	[tilespmem:v1+s13+$0x0] =	vst.idx.msk $0xffff, v0  }
0x41b: {  	v1 =	vld [tilespmem:$0x30];
	_ =	sdelay $0x4  }
0x41c: {  	v2 =	vshll.u32 v1, $0x1  }
0x41d: {  	v1 =	vand.u32 $0x7F, v1;
	v2 =	vand.u32 $0xFFFFFF00, v2  }
0x41e: {  	v1 =	vor.u32 v2, v1  }
0x41f: {  	v1 =	vor.u32 $0x80, v1;
	_ =	sdelay $0x2  }
0x420: {  	s6 =	sld [smem:$0x7F9];
	_ =	sdelay $0x1  }
0x421: {  	[tilespmem:v1+s13+$0x0] =	vst.idx.msk $0xffff, v0  }
0x422: {  	[hbm4b:s6+s8] =	stream.strided.scatter [tilespmem:s13], [sflag:$0xB], $0x2000, s9, s8, $0x38;
	[tilespmem:$0x10080] =	vst v63  }
0x423: {  	_ =	swait.ge [sflag:s23], $0x2000  }
0x424: {  	[sflag:s23] =	ssyncset.done $0x0  }
0x425: {  	[sflag:s23] =	ssyncadd.s32 $0xFFFFE000  }
0x426: {  	_ =	swait.ge [sflag:s24], $0x2000  }
0x427: {  	[sflag:s24] =	ssyncset.done $0x0  }
0x428: {  	[sflag:s24] =	ssyncadd.s32 $0xFFFFE000  }
0x429: {  	v1 =	vld [tilespmem:$0x0];
	_ =	sdelay $0x4  }
0x42a: {  	v2 =	vshll.u32 v1, $0x1  }
0x42b: {  	v1 =	vand.u32 $0x7F, v1;
	v2 =	vand.u32 $0xFFFFFF00, v2  }
0x42c: {  	v1 =	vor.u32 v1, v2;
	_ =	sdelay $0x4  }
0x42d: {  	[tilespmem:v1+s14+$0x0] =	vst.idx.msk $0xffff, v0  }
0x42e: {  	v1 =	vld [tilespmem:$0x10];
	_ =	sdelay $0x4  }
0x42f: {  	v2 =	vshll.u32 v1, $0x1  }
0x430: {  	v1 =	vand.u32 $0x7F, v1;
	v2 =	vand.u32 $0xFFFFFF00, v2  }
0x431: {  	v1 =	vor.u32 v1, v2;
	_ =	sdelay $0x4  }
0x432: {  	[tilespmem:v1+s14+$0x0] =	vst.idx.msk $0xffff, v0  }
0x433: {  	v1 =	vld [tilespmem:$0x20];
	_ =	sdelay $0x4  }
0x434: {  	v2 =	vshll.u32 v1, $0x1  }
0x435: {  	v1 =	vand.u32 $0x7F, v1;
	v2 =	vand.u32 $0xFFFFFF00, v2  }
0x436: {  	v1 =	vor.u32 v1, v2;
	_ =	sdelay $0x4  }
0x437: {  	[tilespmem:v1+s14+$0x0] =	vst.idx.msk $0xffff, v0  }
0x438: {  	v1 =	vld [tilespmem:$0x30];
	_ =	sdelay $0x4  }
0x439: {  	v2 =	vshll.u32 v1, $0x1  }
0x43a: {  	v1 =	vand.u32 $0x7F, v1;
	v2 =	vand.u32 $0xFFFFFF00, v2  }
0x43b: {  	v1 =	vor.u32 v1, v2;
	_ =	sdelay $0x4  }
0x43c: {  	[tilespmem:v1+s14+$0x0] =	vst.idx.msk $0xffff, v0  }
0x43d: {  	v1 =	vld [tilespmem:$0x0];
	_ =	sdelay $0x4  }
0x43e: {  	v2 =	vshll.u32 v1, $0x1  }
0x43f: {  	v1 =	vand.u32 $0x7F, v1;
	v2 =	vand.u32 $0xFFFFFF00, v2  }
0x440: {  	v1 =	vor.u32 v2, v1  }
0x441: {  	v1 =	vor.u32 $0x80, v1;
	_ =	sdelay $0x4  }
0x442: {  	[tilespmem:v1+s14+$0x0] =	vst.idx.msk $0xffff, v0  }
0x443: {  	v1 =	vld [tilespmem:$0x10];
	_ =	sdelay $0x4  }
0x444: {  	v2 =	vshll.u32 v1, $0x1  }
0x445: {  	v1 =	vand.u32 $0x7F, v1;
	v2 =	vand.u32 $0xFFFFFF00, v2  }
0x446: {  	v1 =	vor.u32 v2, v1  }
0x447: {  	v1 =	vor.u32 $0x80, v1;
	_ =	sdelay $0x4  }
0x448: {  	[tilespmem:v1+s14+$0x0] =	vst.idx.msk $0xffff, v0  }
0x449: {  	v1 =	vld [tilespmem:$0x20];
	_ =	sdelay $0x4  }
0x44a: {  	v2 =	vshll.u32 v1, $0x1  }
0x44b: {  	v1 =	vand.u32 $0x7F, v1;
	v2 =	vand.u32 $0xFFFFFF00, v2  }
0x44c: {  	v1 =	vor.u32 v2, v1  }
0x44d: {  	v1 =	vor.u32 $0x80, v1;
	_ =	sdelay $0x4  }
0x44e: {  	[tilespmem:v1+s14+$0x0] =	vst.idx.msk $0xffff, v0  }
0x44f: {  	v1 =	vld [tilespmem:$0x30];
	_ =	sdelay $0x4  }
0x450: {  	v2 =	vshll.u32 v1, $0x1  }
0x451: {  	v1 =	vand.u32 $0x7F, v1;
	v2 =	vand.u32 $0xFFFFFF00, v2  }
0x452: {  	v1 =	vor.u32 v2, v1  }
0x453: {  	v1 =	vor.u32 $0x80, v1;
	_ =	sdelay $0x2  }
0x454: {  	s7 =	sld [smem:$0x7FA];
	_ =	sdelay $0x1  }
0x455: {  	[tilespmem:v1+s14+$0x0] =	vst.idx.msk $0xffff, v0  }
0x456: {  	[hbm4b:s7+s8] =	stream.strided.scatter [tilespmem:s14], [sflag:$0xC], $0x2000, s9, s8, $0x38;
	[tilespmem:$0x10080] =	vst v63  }
0x457: {  	_ =	swait.ge [sflag:s25], $0x2000  }
0x458: {  	[sflag:s25] =	ssyncset.done $0x0  }
0x459: {  	[sflag:s25] =	ssyncadd.s32 $0xFFFFE000  }
0x45a: {  	_ =	swait.ge [sflag:s26], $0x2000  }
0x45b: {  	[sflag:s26] =	ssyncset.done $0x0  }
0x45c: {  	[sflag:s26] =	ssyncadd.s32 $0xFFFFE000  }
0x45d: {  	v1 =	vld [tilespmem:$0x0];
	_ =	sdelay $0x4  }
0x45e: {  	v2 =	vshll.u32 v1, $0x1  }
0x45f: {  	v1 =	vand.u32 $0x7F, v1;
	v2 =	vand.u32 $0xFFFFFF00, v2  }
0x460: {  	v1 =	vor.u32 v1, v2;
	_ =	sdelay $0x4  }
0x461: {  	[tilespmem:v1+s15+$0x0] =	vst.idx.msk $0xffff, v0  }
0x462: {  	v1 =	vld [tilespmem:$0x10];
	_ =	sdelay $0x4  }
0x463: {  	v2 =	vshll.u32 v1, $0x1  }
0x464: {  	v1 =	vand.u32 $0x7F, v1;
	v2 =	vand.u32 $0xFFFFFF00, v2  }
0x465: {  	v1 =	vor.u32 v1, v2;
	_ =	sdelay $0x4  }
0x466: {  	[tilespmem:v1+s15+$0x0] =	vst.idx.msk $0xffff, v0  }
0x467: {  	v1 =	vld [tilespmem:$0x20];
	_ =	sdelay $0x4  }
0x468: {  	v2 =	vshll.u32 v1, $0x1  }
0x469: {  	v1 =	vand.u32 $0x7F, v1;
	v2 =	vand.u32 $0xFFFFFF00, v2  }
0x46a: {  	v1 =	vor.u32 v1, v2;
	_ =	sdelay $0x4  }
0x46b: {  	[tilespmem:v1+s15+$0x0] =	vst.idx.msk $0xffff, v0  }
0x46c: {  	v1 =	vld [tilespmem:$0x30];
	_ =	sdelay $0x4  }
0x46d: {  	v2 =	vshll.u32 v1, $0x1  }
0x46e: {  	v1 =	vand.u32 $0x7F, v1;
	v2 =	vand.u32 $0xFFFFFF00, v2  }
0x46f: {  	v1 =	vor.u32 v1, v2;
	_ =	sdelay $0x4  }
0x470: {  	[tilespmem:v1+s15+$0x0] =	vst.idx.msk $0xffff, v0  }
0x471: {  	v1 =	vld [tilespmem:$0x0];
	_ =	sdelay $0x4  }
0x472: {  	v2 =	vshll.u32 v1, $0x1  }
0x473: {  	v1 =	vand.u32 $0x7F, v1;
	v2 =	vand.u32 $0xFFFFFF00, v2  }
0x474: {  	v1 =	vor.u32 v2, v1  }
0x475: {  	v1 =	vor.u32 $0x80, v1;
	_ =	sdelay $0x4  }
0x476: {  	[tilespmem:v1+s15+$0x0] =	vst.idx.msk $0xffff, v0  }
0x477: {  	v1 =	vld [tilespmem:$0x10];
	_ =	sdelay $0x4  }
0x478: {  	v2 =	vshll.u32 v1, $0x1  }
0x479: {  	v1 =	vand.u32 $0x7F, v1;
	v2 =	vand.u32 $0xFFFFFF00, v2  }
0x47a: {  	v1 =	vor.u32 v2, v1  }
0x47b: {  	v1 =	vor.u32 $0x80, v1;
	_ =	sdelay $0x4  }
0x47c: {  	[tilespmem:v1+s15+$0x0] =	vst.idx.msk $0xffff, v0  }
0x47d: {  	v1 =	vld [tilespmem:$0x20];
	_ =	sdelay $0x4  }
0x47e: {  	v2 =	vshll.u32 v1, $0x1  }
0x47f: {  	v1 =	vand.u32 $0x7F, v1;
	v2 =	vand.u32 $0xFFFFFF00, v2  }
0x480: {  	v1 =	vor.u32 v2, v1  }
0x481: {  	v1 =	vor.u32 $0x80, v1;
	_ =	sdelay $0x4  }
0x482: {  	[tilespmem:v1+s15+$0x0] =	vst.idx.msk $0xffff, v0  }
0x483: {  	v1 =	vld [tilespmem:$0x30];
	_ =	sdelay $0x4  }
0x484: {  	v2 =	vshll.u32 v1, $0x1  }
0x485: {  	v1 =	vand.u32 $0x7F, v1;
	v2 =	vand.u32 $0xFFFFFF00, v2  }
0x486: {  	v1 =	vor.u32 v2, v1  }
0x487: {  	v1 =	vor.u32 $0x80, v1;
	_ =	sdelay $0x2  }
0x488: {  	s11 =	sld [smem:$0x7FB];
	_ =	sdelay $0x1  }
0x489: {  	[tilespmem:v1+s15+$0x0] =	vst.idx.msk $0xffff, v0  }
0x48a: {  	[hbm4b:s11+s8] =	stream.strided.scatter [tilespmem:s15], [sflag:$0xD], $0x2000, s9, s8, $0x38;
	[tilespmem:$0x10080] =	vst v63  }
0x48b: {  	_ =	swait.ge [sflag:s28], $0x2000  }
0x48c: {  	[sflag:s28] =	ssyncset.done $0x0  }
0x48d: {  	[sflag:s28] =	ssyncadd.s32 $0xFFFFE000  }
0x48e: {  	_ =	swait.ge [sflag:s29], $0x2000  }
0x48f: {  	[sflag:s29] =	ssyncset.done $0x0  }
0x490: {  	[sflag:s29] =	ssyncadd.s32 $0xFFFFE000  }
0x491: {  	v1 =	vld [tilespmem:$0x0];
	_ =	sdelay $0x4  }
0x492: {  	v2 =	vshll.u32 v1, $0x1  }
0x493: {  	v1 =	vand.u32 $0x7F, v1;
	v2 =	vand.u32 $0xFFFFFF00, v2  }
0x494: {  	v1 =	vor.u32 v1, v2;
	_ =	sdelay $0x4  }
0x495: {  	[tilespmem:v1+s16+$0x0] =	vst.idx.msk $0xffff, v0  }
0x496: {  	v1 =	vld [tilespmem:$0x10];
	_ =	sdelay $0x4  }
0x497: {  	v2 =	vshll.u32 v1, $0x1  }
0x498: {  	v1 =	vand.u32 $0x7F, v1;
	v2 =	vand.u32 $0xFFFFFF00, v2  }
0x499: {  	v1 =	vor.u32 v1, v2;
	_ =	sdelay $0x4  }
0x49a: {  	[tilespmem:v1+s16+$0x0] =	vst.idx.msk $0xffff, v0  }
0x49b: {  	v1 =	vld [tilespmem:$0x20];
	_ =	sdelay $0x4  }
0x49c: {  	v2 =	vshll.u32 v1, $0x1  }
0x49d: {  	v1 =	vand.u32 $0x7F, v1;
	v2 =	vand.u32 $0xFFFFFF00, v2  }
0x49e: {  	v1 =	vor.u32 v1, v2;
	_ =	sdelay $0x4  }
0x49f: {  	[tilespmem:v1+s16+$0x0] =	vst.idx.msk $0xffff, v0  }
0x4a0: {  	v1 =	vld [tilespmem:$0x30];
	_ =	sdelay $0x4  }
0x4a1: {  	v2 =	vshll.u32 v1, $0x1  }
0x4a2: {  	v1 =	vand.u32 $0x7F, v1;
	v2 =	vand.u32 $0xFFFFFF00, v2  }
0x4a3: {  	v1 =	vor.u32 v1, v2;
	_ =	sdelay $0x4  }
0x4a4: {  	[tilespmem:v1+s16+$0x0] =	vst.idx.msk $0xffff, v0  }
0x4a5: {  	v1 =	vld [tilespmem:$0x0];
	_ =	sdelay $0x4  }
0x4a6: {  	v2 =	vshll.u32 v1, $0x1  }
0x4a7: {  	v1 =	vand.u32 $0x7F, v1;
	v2 =	vand.u32 $0xFFFFFF00, v2  }
0x4a8: {  	v1 =	vor.u32 v2, v1  }
0x4a9: {  	v1 =	vor.u32 $0x80, v1;
	_ =	sdelay $0x4  }
0x4aa: {  	[tilespmem:v1+s16+$0x0] =	vst.idx.msk $0xffff, v0  }
0x4ab: {  	v1 =	vld [tilespmem:$0x10];
	_ =	sdelay $0x4  }
0x4ac: {  	v2 =	vshll.u32 v1, $0x1  }
0x4ad: {  	v1 =	vand.u32 $0x7F, v1;
	v2 =	vand.u32 $0xFFFFFF00, v2  }
0x4ae: {  	v1 =	vor.u32 v2, v1  }
0x4af: {  	v1 =	vor.u32 $0x80, v1;
	_ =	sdelay $0x4  }
0x4b0: {  	[tilespmem:v1+s16+$0x0] =	vst.idx.msk $0xffff, v0  }
0x4b1: {  	v1 =	vld [tilespmem:$0x20];
	_ =	sdelay $0x4  }
0x4b2: {  	v2 =	vshll.u32 v1, $0x1  }
0x4b3: {  	v1 =	vand.u32 $0x7F, v1;
	v2 =	vand.u32 $0xFFFFFF00, v2  }
0x4b4: {  	v1 =	vor.u32 v2, v1  }
0x4b5: {  	v1 =	vor.u32 $0x80, v1;
	_ =	sdelay $0x4  }
0x4b6: {  	[tilespmem:v1+s16+$0x0] =	vst.idx.msk $0xffff, v0  }
0x4b7: {  	v1 =	vld [tilespmem:$0x30];
	_ =	sdelay $0x4  }
0x4b8: {  	v2 =	vshll.u32 v1, $0x1  }
0x4b9: {  	v1 =	vand.u32 $0x7F, v1;
	v2 =	vand.u32 $0xFFFFFF00, v2  }
0x4ba: {  	v1 =	vor.u32 v2, v1  }
0x4bb: {  	v1 =	vor.u32 $0x80, v1;
	_ =	sdelay $0x2  }
0x4bc: {  	s5 =	sld [smem:$0x7FC];
	_ =	sdelay $0x1  }
0x4bd: {  	[tilespmem:v1+s16+$0x0] =	vst.idx.msk $0xffff, v0  }
0x4be: {  	[hbm4b:s5+s8] =	stream.strided.scatter [tilespmem:s16], [sflag:$0xE], $0x2000, s9, s8, $0x38;
	[tilespmem:$0x10080] =	vst v63  }
0x4bf: {  	_ =	swait.ge [sflag:s30], $0x2000  }
0x4c0: {  	[sflag:s30] =	ssyncset.done $0x0  }
0x4c1: {  	[sflag:s30] =	ssyncadd.s32 $0xFFFFE000  }
0x4c2: {  	_ =	swait.ge [sflag:s31], $0x2000  }
0x4c3: {  	[sflag:s31] =	ssyncset.done $0x0  }
0x4c4: {  	[sflag:s31] =	ssyncadd.s32 $0xFFFFE000  }
0x4c5: {  	v1 =	vld [tilespmem:$0x0];
	_ =	sdelay $0x4  }
0x4c6: {  	v2 =	vshll.u32 v1, $0x1  }
0x4c7: {  	v1 =	vand.u32 $0x7F, v1;
	v2 =	vand.u32 $0xFFFFFF00, v2  }
0x4c8: {  	v1 =	vor.u32 v1, v2;
	_ =	sdelay $0x4  }
0x4c9: {  	[tilespmem:v1+s17+$0x0] =	vst.idx.msk $0xffff, v0  }
0x4ca: {  	v1 =	vld [tilespmem:$0x10];
	_ =	sdelay $0x4  }
0x4cb: {  	v2 =	vshll.u32 v1, $0x1  }
0x4cc: {  	v1 =	vand.u32 $0x7F, v1;
	v2 =	vand.u32 $0xFFFFFF00, v2  }
0x4cd: {  	v1 =	vor.u32 v1, v2;
	_ =	sdelay $0x4  }
0x4ce: {  	[tilespmem:v1+s17+$0x0] =	vst.idx.msk $0xffff, v0  }
0x4cf: {  	v1 =	vld [tilespmem:$0x20];
	_ =	sdelay $0x4  }
0x4d0: {  	v2 =	vshll.u32 v1, $0x1  }
0x4d1: {  	v1 =	vand.u32 $0x7F, v1;
	v2 =	vand.u32 $0xFFFFFF00, v2  }
0x4d2: {  	v1 =	vor.u32 v1, v2;
	_ =	sdelay $0x4  }
0x4d3: {  	[tilespmem:v1+s17+$0x0] =	vst.idx.msk $0xffff, v0  }
0x4d4: {  	v1 =	vld [tilespmem:$0x30];
	_ =	sdelay $0x4  }
0x4d5: {  	v2 =	vshll.u32 v1, $0x1  }
0x4d6: {  	v1 =	vand.u32 $0x7F, v1;
	v2 =	vand.u32 $0xFFFFFF00, v2  }
0x4d7: {  	v1 =	vor.u32 v1, v2;
	_ =	sdelay $0x4  }
0x4d8: {  	[tilespmem:v1+s17+$0x0] =	vst.idx.msk $0xffff, v0  }
0x4d9: {  	v1 =	vld [tilespmem:$0x0];
	_ =	sdelay $0x4  }
0x4da: {  	v2 =	vshll.u32 v1, $0x1  }
0x4db: {  	v1 =	vand.u32 $0x7F, v1;
	v2 =	vand.u32 $0xFFFFFF00, v2  }
0x4dc: {  	v1 =	vor.u32 v2, v1  }
0x4dd: {  	v1 =	vor.u32 $0x80, v1;
	_ =	sdelay $0x4  }
0x4de: {  	[tilespmem:v1+s17+$0x0] =	vst.idx.msk $0xffff, v0  }
0x4df: {  	v1 =	vld [tilespmem:$0x10];
	_ =	sdelay $0x4  }
0x4e0: {  	v2 =	vshll.u32 v1, $0x1  }
0x4e1: {  	v1 =	vand.u32 $0x7F, v1;
	v2 =	vand.u32 $0xFFFFFF00, v2  }
0x4e2: {  	v1 =	vor.u32 v2, v1  }
0x4e3: {  	v1 =	vor.u32 $0x80, v1;
	_ =	sdelay $0x4  }
0x4e4: {  	[tilespmem:v1+s17+$0x0] =	vst.idx.msk $0xffff, v0  }
0x4e5: {  	v1 =	vld [tilespmem:$0x20];
	_ =	sdelay $0x4  }
0x4e6: {  	v2 =	vshll.u32 v1, $0x1  }
0x4e7: {  	v1 =	vand.u32 $0x7F, v1;
	v2 =	vand.u32 $0xFFFFFF00, v2  }
0x4e8: {  	v1 =	vor.u32 v2, v1  }
0x4e9: {  	v1 =	vor.u32 $0x80, v1;
	_ =	sdelay $0x4  }
0x4ea: {  	[tilespmem:v1+s17+$0x0] =	vst.idx.msk $0xffff, v0  }
0x4eb: {  	v1 =	vld [tilespmem:$0x30];
	_ =	sdelay $0x4  }
0x4ec: {  	v2 =	vshll.u32 v1, $0x1  }
0x4ed: {  	v1 =	vand.u32 $0x7F, v1;
	v2 =	vand.u32 $0xFFFFFF00, v2  }
0x4ee: {  	v1 =	vor.u32 v2, v1  }
0x4ef: {  	v1 =	vor.u32 $0x80, v1;
	_ =	sdelay $0x2  }
0x4f0: {  	s6 =	sld [smem:$0x7FD];
	_ =	sdelay $0x1  }
0x4f1: {  	[tilespmem:v1+s17+$0x0] =	vst.idx.msk $0xffff, v0  }
0x4f2: {  	[hbm4b:s6+s8] =	stream.strided.scatter [tilespmem:s17], [sflag:$0xF], $0x2000, s9, s8, $0x38;
	[tilespmem:$0x10080] =	vst v63  }
0x4f3: {  	_ =	swait.ge [sflag:s0], $0x2000  }
0x4f4: {  	[sflag:s0] =	ssyncset.done $0x0  }
0x4f5: {  	[sflag:s0] =	ssyncadd.s32 $0xFFFFE000  }
0x4f6: {  	_ =	swait.ge [sflag:s2], $0x2000  }
0x4f7: {  	[sflag:s2] =	ssyncset.done $0x0  }
0x4f8: {  	[sflag:s2] =	ssyncadd.s32 $0xFFFFE000  }
0x4f9: {  	v1 =	vld [tilespmem:$0x0];
	_ =	sdelay $0x4  }
0x4fa: {  	v2 =	vshll.u32 v1, $0x1  }
0x4fb: {  	v1 =	vand.u32 $0x7F, v1;
	v2 =	vand.u32 $0xFFFFFF00, v2  }
0x4fc: {  	v1 =	vor.u32 v1, v2;
	_ =	sdelay $0x4  }
0x4fd: {  	[tilespmem:v1+s19+$0x0] =	vst.idx.msk $0xffff, v0  }
0x4fe: {  	v1 =	vld [tilespmem:$0x10];
	_ =	sdelay $0x4  }
0x4ff: {  	v2 =	vshll.u32 v1, $0x1  }
0x500: {  	v1 =	vand.u32 $0x7F, v1;
	v2 =	vand.u32 $0xFFFFFF00, v2  }
0x501: {  	v1 =	vor.u32 v1, v2;
	_ =	sdelay $0x4  }
0x502: {  	[tilespmem:v1+s19+$0x0] =	vst.idx.msk $0xffff, v0  }
0x503: {  	v1 =	vld [tilespmem:$0x20];
	_ =	sdelay $0x4  }
0x504: {  	v2 =	vshll.u32 v1, $0x1  }
0x505: {  	v1 =	vand.u32 $0x7F, v1;
	v2 =	vand.u32 $0xFFFFFF00, v2  }
0x506: {  	v1 =	vor.u32 v1, v2;
	_ =	sdelay $0x4  }
0x507: {  	[tilespmem:v1+s19+$0x0] =	vst.idx.msk $0xffff, v0  }
0x508: {  	v1 =	vld [tilespmem:$0x30];
	_ =	sdelay $0x4  }
0x509: {  	v2 =	vshll.u32 v1, $0x1  }
0x50a: {  	v1 =	vand.u32 $0x7F, v1;
	v2 =	vand.u32 $0xFFFFFF00, v2  }
0x50b: {  	v1 =	vor.u32 v1, v2;
	_ =	sdelay $0x4  }
0x50c: {  	[tilespmem:v1+s19+$0x0] =	vst.idx.msk $0xffff, v0  }
0x50d: {  	v1 =	vld [tilespmem:$0x0];
	_ =	sdelay $0x4  }
0x50e: {  	v2 =	vshll.u32 v1, $0x1  }
0x50f: {  	v1 =	vand.u32 $0x7F, v1;
	v2 =	vand.u32 $0xFFFFFF00, v2  }
0x510: {  	v1 =	vor.u32 v2, v1  }
0x511: {  	v1 =	vor.u32 $0x80, v1;
	_ =	sdelay $0x4  }
0x512: {  	[tilespmem:v1+s19+$0x0] =	vst.idx.msk $0xffff, v0  }
0x513: {  	v1 =	vld [tilespmem:$0x10];
	_ =	sdelay $0x4  }
0x514: {  	v2 =	vshll.u32 v1, $0x1  }
0x515: {  	v1 =	vand.u32 $0x7F, v1;
	v2 =	vand.u32 $0xFFFFFF00, v2  }
0x516: {  	v1 =	vor.u32 v2, v1  }
0x517: {  	v1 =	vor.u32 $0x80, v1;
	_ =	sdelay $0x4  }
0x518: {  	[tilespmem:v1+s19+$0x0] =	vst.idx.msk $0xffff, v0  }
0x519: {  	v1 =	vld [tilespmem:$0x20];
	_ =	sdelay $0x4  }
0x51a: {  	v2 =	vshll.u32 v1, $0x1  }
0x51b: {  	v1 =	vand.u32 $0x7F, v1;
	v2 =	vand.u32 $0xFFFFFF00, v2  }
0x51c: {  	v1 =	vor.u32 v2, v1  }
0x51d: {  	v1 =	vor.u32 $0x80, v1;
	_ =	sdelay $0x4  }
0x51e: {  	[tilespmem:v1+s19+$0x0] =	vst.idx.msk $0xffff, v0  }
0x51f: {  	v1 =	vld [tilespmem:$0x30];
	_ =	sdelay $0x4  }
0x520: {  	v2 =	vshll.u32 v1, $0x1  }
0x521: {  	v1 =	vand.u32 $0x7F, v1;
	v2 =	vand.u32 $0xFFFFFF00, v2  }
0x522: {  	v1 =	vor.u32 v2, v1  }
0x523: {  	v1 =	vor.u32 $0x80, v1;
	_ =	sdelay $0x4  }
0x524: {  	s7 =	rddreg [dreg:$0x1a];
	[tilespmem:v1+s19+$0x0] =	vst.idx.msk $0xffff, v0  }
0x525: {  	[hbm4b:s7+s8] =	stream.strided.scatter [tilespmem:s19], [sflag:$0x10], $0x2000, s9, s8, $0x38;
	[tilespmem:$0x10080] =	vst v63  }
0x526: {  	_ =	swait.ge [sflag:s1], $0x2000  }
0x527: {  	[sflag:s1] =	ssyncset.done $0x0  }
0x528: {  	[sflag:s1] =	ssyncadd.s32 $0xFFFFE000  }
0x529: {  	_ =	swait.ge [sflag:s3], $0x2000  }
0x52a: {  	s5 =	sld [smem:$0x7F4];
	_ =	sdelay $0x2  }
0x52b: {  	s11 =	rddreg [dreg:$0x1d];
	s5 =	sadd.s32 $0x1, s5  }
0x52c: {  	p0 =	sne.s32 s5, s11  }
.Ltmp1:
0x52d: {  	_ = 	snop;
	(pc) =	sbr.rel @p0 .LBB2_1-.Ltmp1, $3  }
0x52e: {  	_ =	sdelay $0x1  }
0x52f: {  	[sflag:s3] =	ssyncset.done $0x0  }
0x530: {  	[sflag:s3] =	ssyncadd.s32 $0xFFFFE000  }
0x531: {  	_ =	sfence.sel $0x180000  }
0x532: {  	[bflag:$0x0] =	sbarrier.arrive $0xFFFF  }
0x533: {  	_ =	strace $0x90000047  }
0x534: {  	s0 =	stileid.u32;
	[bflag:$0x2] =	sbarrier.arrive $0xFFFF  }
0x535: {  	p0 =	sne.s32 s0, $0x0;
	s0 =	rddreg [dreg:$0x3]  }
0x536: {  	s0 =	sadd.s32 @!p0 $0x100000, s0  }
0x537: {  	[sflag:s0] =	ssyncadd.tile.s32 @!p0 $0x1;
	_ =	shalt  }
.Lfunc_end2:
_tile_overlayer_lowered:
.L_overlay_start_2:
0x538: {  	(tag) =	ssettag $0x2  }
0x539: {  	s0 =	rddreg [dreg:$0x0];
	s2 =	stileid.u32  }
0x53a: {  	s1 =	rddreg [dreg:$0x1];
	p0 =	sne.s32 s2, $0x0  }
0x53b: {  	s3 =	rddreg [dreg:$0x2];
	[bflag:$0x3] =	sbarrier.arrive $0xFFFF;
	s2 =	simm.s32 @!p0 $0x1C11  }
0x53c: {  	[timem:s3], [sflag:s2] =	dma.local @!p0 [hbm:s0], s1  }
0x53d: {  	s0 =	simm.s32 @!p0 $0x11  }
0x53e: {  	_ =	swait.ge @!p0 [sflag:s0], s1  }
0x53f: {  	s1 =	ssub.s32 @!p0 $0x0, s1;
	[sflag:s0] =	ssyncset.done @!p0 $0x0  }
0x540: {  	[sflag:s0] =	ssyncadd.s32 @!p0 s1  }
0x541: {  	[bflag:$0x3] =	sbarrier.arrive $0xFFFF  }
0x542: {  	_ =	shalt  }

</sc_bundles>
